<compile_context>
chip_gen: v7x
topology: tpu7x:2x2x1
jax: 0.10.2.dev20260603
libtpu: 0.0.44.dev20260713+nightly
codegen_flags: <defaults>
</compile_context>

<pallas_src>
import functools

import jax
import jax.numpy as jnp
from jax import lax
from jax.experimental import pallas as pl
from jax.experimental.pallas import tpu as pltpu
from jax.experimental.pallas import tpu_sc as plsc

N = 10000
E = 320000
D = 128

NC = 2
NS = 16
NW = NC * NS

NPAD = 10240
ROWS_PER_TILE = NPAD // NS
CH = 128
EPAD = 327680
EW = EPAD // NW
NCHUNKS = EW // CH
TRASH = N + 128

NBUF = 8
DH = D // 2
CH2 = 64
EW2 = EPAD // NS
NCH2 = EW2 // CH2


def _deg_body(dst_hbm, ones_hbm, zeros_hbm, out_hbm, didx_all, ones_v, deg_sh):
    c = lax.axis_index("c")
    s = lax.axis_index("s")
    wid = c * NS + s
    r0 = s * ROWS_PER_TILE
    pltpu.sync_copy(zeros_hbm, deg_sh.at[pl.ds(r0, ROWS_PER_TILE)])
    pltpu.sync_copy(ones_hbm, ones_v)
    pltpu.sync_copy(dst_hbm.at[wid], didx_all)
    plsc.subcore_barrier()

    def chunk(t, carry):
        pltpu.sync_copy(ones_v, deg_sh.at[didx_all.at[t]], add=True)
        return carry

    lax.fori_loop(0, NCHUNKS, chunk, 0)
    plsc.subcore_barrier()
    pltpu.sync_copy(deg_sh.at[pl.ds(r0, ROWS_PER_TILE)],
                    out_hbm.at[c, pl.ds(r0, ROWS_PER_TILE)])


def _msg_body(g_hbm, src_hbm, dst_hbm, zeros_hbm, out_hbm,
              sidx_all, didx_all, r0_v, r1_v, r2_v, r3_v, r4_v, r5_v, r6_v,
              r7_v, sem0, sem1, sem2, sem3, sem4, sem5, sem6, sem7, acc_sh):
    c = lax.axis_index("c")
    s = lax.axis_index("s")
    row0 = s * ROWS_PER_TILE
    rows = (r0_v, r1_v, r2_v, r3_v, r4_v, r5_v, r6_v, r7_v)
    sems = (sem0, sem1, sem2, sem3, sem4, sem5, sem6, sem7)
    gh = g_hbm.at[c]

    pltpu.sync_copy(zeros_hbm, acc_sh.at[pl.ds(row0, ROWS_PER_TILE)])
    pltpu.sync_copy(src_hbm.at[s], sidx_all)
    pltpu.sync_copy(dst_hbm.at[s], didx_all)
    plsc.subcore_barrier()

    for b in range(NBUF):
        pltpu.async_copy(gh.at[sidx_all.at[b]], rows[b], sems[b])

    def outer(o, c2):
        for b in range(NBUF):
            t = o * NBUF + b
            pltpu.make_async_copy(gh.at[sidx_all.at[t]],
                                  rows[b], sems[b]).wait()
            pltpu.sync_copy(rows[b], acc_sh.at[didx_all.at[t]], add=True)
            pltpu.async_copy(gh.at[sidx_all.at[t + NBUF]],
                             rows[b], sems[b])
        return c2

    lax.fori_loop(0, NCH2 // NBUF - 1, outer, 0)

    for b in range(NBUF):
        t = NCH2 - NBUF + b
        pltpu.make_async_copy(gh.at[sidx_all.at[t]],
                              rows[b], sems[b]).wait()
        pltpu.sync_copy(rows[b], acc_sh.at[didx_all.at[t]], add=True)

    plsc.subcore_barrier()
    pltpu.sync_copy(acc_sh.at[pl.ds(row0, ROWS_PER_TILE)],
                    out_hbm.at[c, pl.ds(row0, ROWS_PER_TILE)])


def _build_sc(interpret=False):
    mesh = plsc.VectorSubcoreMesh(core_axis_name="c", subcore_axis_name="s",
                                  num_cores=NC, num_subcores=NS)
    deg = pl.kernel(
        _deg_body,
        out_type=jax.ShapeDtypeStruct((NC, NPAD, DH), jnp.float32),
        mesh=mesh,
        compiler_params=pltpu.CompilerParams(use_tc_tiling_on_sc=False),
        interpret=interpret,
        scratch_types=[
            pltpu.VMEM((NCHUNKS, CH), jnp.int32),
            pltpu.VMEM((CH, DH), jnp.float32),
            pltpu.VMEM_SHARED((NPAD, DH), jnp.float32),
        ],
    )
    msg = pl.kernel(
        _msg_body,
        out_type=jax.ShapeDtypeStruct((NC, NPAD, DH), jnp.float32),
        mesh=mesh,
        compiler_params=pltpu.CompilerParams(use_tc_tiling_on_sc=False),
        interpret=interpret,
        scratch_types=(
            [pltpu.VMEM((NCH2, CH2), jnp.int32)] * 2
            + [pltpu.VMEM((CH2, DH), jnp.float32)] * NBUF
            + [pltpu.SemaphoreType.DMA] * NBUF
            + [pltpu.VMEM_SHARED((NPAD, DH), jnp.float32)]
        ),
    )
    return deg, msg


_deg_scatter, _msg_scatter = _build_sc()


_RB = 1024
_GRID = NPAD // _RB


def _dinv_of(da_ref, db_ref):
    deg = da_ref[0, :, 0:1] + db_ref[0, :, 0:1] + 1.0
    return lax.rsqrt(deg)


def _mm1_body(x_ref, w_ref, h_ref):
    h_ref[0] = jnp.dot(x_ref[...], w_ref[0],
                       preferred_element_type=jnp.float32)


def _scale1_body(h_ref, da_ref, db_ref, g_ref):
    g_ref[0] = h_ref[0] * _dinv_of(da_ref, db_ref)


def _tc2_body(g1_ref, s1_ref, da_ref, db_ref, b1_ref, w2_ref, g2_ref):
    dinv = _dinv_of(da_ref, db_ref)
    z = jnp.concatenate([dinv * (s1_ref[0] + g1_ref[0]),
                         dinv * (s1_ref[1] + g1_ref[1])], axis=1)
    z = jnp.maximum(z + b1_ref[...], 0.0)
    g2_ref[0] = dinv * jnp.dot(z, w2_ref[0],
                               preferred_element_type=jnp.float32)


def _tc3_body(g2_ref, s2_ref, da_ref, db_ref, b2_ref, out_ref):
    dinv = _dinv_of(da_ref, db_ref)
    out_ref[...] = jnp.concatenate(
        [dinv * (s2_ref[0] + g2_ref[0]),
         dinv * (s2_ref[1] + g2_ref[1])], axis=1) + b2_ref[...]


_half_out = pl.BlockSpec((1, _RB, DH), lambda h, i: (h, i, 0))
_pair_in = pl.BlockSpec((NC, _RB, DH), lambda h, i: (0, i, 0))
_dega_spec = pl.BlockSpec((1, _RB, DH), lambda h, i: (0, i, 0))
_degb_spec = pl.BlockSpec((1, _RB, DH), lambda h, i: (1, i, 0))
_x_spec = pl.BlockSpec((_RB, D), lambda h, i: (i, 0))
_wh_spec = pl.BlockSpec((1, D, DH), lambda h, i: (h, 0, 0))
_b_spec = pl.BlockSpec((1, D), lambda h, i: (0, 0))
_halves_shape = jax.ShapeDtypeStruct((NC, NPAD, DH), jnp.float32)

_mm1 = pl.pallas_call(
    _mm1_body, grid=(NC, _GRID),
    in_specs=[_x_spec, _wh_spec],
    out_specs=_half_out, out_shape=_halves_shape)

_scale1 = pl.pallas_call(
    _scale1_body, grid=(NC, _GRID),
    in_specs=[_half_out, _dega_spec, _degb_spec],
    out_specs=_half_out, out_shape=_halves_shape)

_tc2 = pl.pallas_call(
    _tc2_body, grid=(NC, _GRID),
    in_specs=[_pair_in, _pair_in, _dega_spec, _degb_spec, _b_spec, _wh_spec],
    out_specs=_half_out, out_shape=_halves_shape)

_tc3 = pl.pallas_call(
    _tc3_body, grid=(_GRID,),
    in_specs=[pl.BlockSpec((NC, _RB, DH), lambda i: (0, i, 0)),
              pl.BlockSpec((NC, _RB, DH), lambda i: (0, i, 0)),
              pl.BlockSpec((1, _RB, DH), lambda i: (0, i, 0)),
              pl.BlockSpec((1, _RB, DH), lambda i: (1, i, 0)),
              pl.BlockSpec((1, D), lambda i: (0, 0))],
    out_specs=pl.BlockSpec((_RB, D), lambda i: (i, 0)),
    out_shape=jax.ShapeDtypeStruct((NPAD, D), jnp.float32))


def kernel(x, edge_index, W1, b1, W2, b2):
    src = edge_index[0].astype(jnp.int32)
    dst = edge_index[1].astype(jnp.int32)
    srcp = jnp.concatenate([src, jnp.zeros((EPAD - E,), jnp.int32)])
    dstp = jnp.concatenate([dst, jnp.full((EPAD - E,), TRASH, jnp.int32)])
    dstp_deg = dstp.reshape(NW, NCHUNKS, CH)
    srcp2 = srcp.reshape(NS, NCH2, CH2)
    dstp2 = dstp.reshape(NS, NCH2, CH2)
    xpad = jnp.pad(x, ((0, NPAD - N), (0, 0)))

    ones64 = jnp.ones((CH, DH), jnp.float32)
    zrowsh = jnp.zeros((ROWS_PER_TILE, DH), jnp.float32)

    W1h = W1.reshape(D, NC, DH).transpose(1, 0, 2)
    W2h = W2.reshape(D, NC, DH).transpose(1, 0, 2)

    deg = _deg_scatter(dstp_deg, ones64, zrowsh)

    h1 = _mm1(xpad, W1h)
    g1 = _scale1(h1, deg, deg)
    s1 = _msg_scatter(g1, srcp2, dstp2, zrowsh)
    g2 = _tc2(g1, s1, deg, deg, b1.reshape(1, D), W2h)
    s2 = _msg_scatter(g2, srcp2, dstp2, zrowsh)
    out = _tc3(g2, s2, deg, deg, b2.reshape(1, D))
    return out[:N]

# --- scband reference (transcript-rebuilt; emitter-appended) ---
"""Pipeline reference for scband-gcn-29643864277073 (READ-ONLY COPY).

The authoritative reference and input builder live on the scoring server;
editing this copy changes nothing except your own understanding.
"""

import jax, jax.numpy as jnp
import numpy as np

N_NODES = 10000
N_EDGES = 320000
D_IN = 128
D_HID = 128
D_OUT = 128


def setup_inputs(seed: int = 0) -> dict:
    key = jax.random.key(seed)
    k1, k2, k3, k4, k5, k6 = jax.random.split(key, 6)
    x = jax.random.normal(k1, (N_NODES, D_IN), dtype=jnp.float32)
    edge_index = jax.random.randint(k2, (2, N_EDGES), 0, N_NODES, dtype=jnp.int64)
    # Glorot-style init for GCNConv weights
    s1 = (6.0 / (D_IN + D_HID)) ** 0.5
    s2 = (6.0 / (D_HID + D_OUT)) ** 0.5
    W1 = jax.random.uniform(k3, (D_IN, D_HID), dtype=jnp.float32, minval=-s1, maxval=s1)
    b1 = jnp.zeros((D_HID,), dtype=jnp.float32)
    W2 = jax.random.uniform(k4, (D_HID, D_OUT), dtype=jnp.float32, minval=-s2, maxval=s2)
    b2 = jnp.zeros((D_OUT,), dtype=jnp.float32)
    return {"x": x, "edge_index": edge_index, "W1": W1, "b1": b1, "W2": W2, "b2": b2}


def _gcn_conv(x, src, dst, W, b, n_nodes):
    # x' = D^{-1/2} (A + I) D^{-1/2} X W + b  (symmetric normalization, self-loops)
    h = x @ W
    # degree including self-loop
    deg = jnp.zeros((n_nodes,), dtype=h.dtype).at[dst].add(1.0) + 1.0
    deg_inv_sqrt = jax.lax.rsqrt(deg)
    norm = deg_inv_sqrt[src] * deg_inv_sqrt[dst]
    msgs = jnp.take(h, src, axis=0) * norm[:, None]
    agg = jnp.zeros_like(h).at[dst].add(msgs)
    # self-loop contribution: deg_inv_sqrt[i]^2 * h[i]
    agg = agg + h * (deg_inv_sqrt * deg_inv_sqrt)[:, None]
    return agg + b


def reference(x, edge_index, W1, b1, W2, b2):
    src = edge_index[0]
    dst = edge_index[1]
    n_nodes = x.shape[0]
    h = _gcn_conv(x, src, dst, W1, b1, n_nodes)
    h = jax.nn.relu(h)
    # dropout=False (default), so no dropout applied
    out = _gcn_conv(h, src, dst, W2, b2, n_nodes)
    return out

if __name__ == "__main__":
    import jax
    _d = setup_inputs()
    print(jax.jit(kernel)(*tuple(_d.values())))

</pallas_src>

<mosaic_0001>
#map = affine_map<(d0, d1) -> (0, 0, 0)>
#map1 = affine_map<(d0, d1) -> (0, 0)>
module attributes {stable_mosaic.version = 14 : i64} {
  func.func @_msg_body(%arg0: i32, %arg1: i32, %arg2: memref<2x10240x64xf32, #tpu.memory_space<hbm>>, %arg3: memref<16x320x64xi32, #tpu.memory_space<hbm>>, %arg4: memref<16x320x64xi32, #tpu.memory_space<hbm>>, %arg5: memref<640x64xf32, #tpu.memory_space<hbm>>, %arg6: memref<2x10240x64xf32, #tpu.memory_space<hbm>>, %arg7: memref<320x64xi32, #tpu.memory_space<vmem>>, %arg8: memref<320x64xi32, #tpu.memory_space<vmem>>, %arg9: memref<64x64xf32, #tpu.memory_space<vmem>>, %arg10: memref<64x64xf32, #tpu.memory_space<vmem>>, %arg11: memref<64x64xf32, #tpu.memory_space<vmem>>, %arg12: memref<64x64xf32, #tpu.memory_space<vmem>>, %arg13: memref<64x64xf32, #tpu.memory_space<vmem>>, %arg14: memref<64x64xf32, #tpu.memory_space<vmem>>, %arg15: memref<64x64xf32, #tpu.memory_space<vmem>>, %arg16: memref<64x64xf32, #tpu.memory_space<vmem>>, %arg17: memref<!tpu.dma_semaphore, #tpu.memory_space<semaphore_mem>>, %arg18: memref<!tpu.dma_semaphore, #tpu.memory_space<semaphore_mem>>, %arg19: memref<!tpu.dma_semaphore, #tpu.memory_space<semaphore_mem>>, %arg20: memref<!tpu.dma_semaphore, #tpu.memory_space<semaphore_mem>>, %arg21: memref<!tpu.dma_semaphore, #tpu.memory_space<semaphore_mem>>, %arg22: memref<!tpu.dma_semaphore, #tpu.memory_space<semaphore_mem>>, %arg23: memref<!tpu.dma_semaphore, #tpu.memory_space<semaphore_mem>>, %arg24: memref<!tpu.dma_semaphore, #tpu.memory_space<semaphore_mem>>, %arg25: memref<10240x64xf32, #tpu.memory_space<vmem_shared>>) attributes {dimension_semantics = [#tpu.dimension_semantics<core_parallel>, #tpu.dimension_semantics<subcore_parallel>], iteration_bounds = array<i64: 2, 16>, scalar_prefetch = 0 : i64, scratch_operands = 19 : i64, tpu.core_type = #tpu.core_type<sc_vector_subcore>, window_params = [{transform_indices = #map}, {transform_indices = #map}, {transform_indices = #map}, {transform_indices = #map1}, {transform_indices = #map}]} {
    %mul3A = arith.constant 640 : i32
    %mul3A_0 = arith.muli %arg1, %mul3A : i32
    "tpu.region"() ({
      %run_scoped3A_188 = tpu.sem_alloc : memref<!tpu.dma_semaphore, #tpu.memory_space<semaphore_mem>>
      %dma_start3A_189 = arith.constant 0 : i32
      %dma_start3A_190 = tpu.memref_slice %arg25[%mul3A_0, %dma_start3A_189] : memref<10240x64xf32, #tpu.memory_space<vmem_shared>> -> memref<640x64xf32, #tpu.memory_space<vmem_shared>>
      tpu.enqueue_dma source(%arg5 : memref<640x64xf32, #tpu.memory_space<hbm>>) target(%dma_start3A_190 : memref<640x64xf32, #tpu.memory_space<vmem_shared>>) target_semaphore(%run_scoped3A_188 : memref<!tpu.dma_semaphore, #tpu.memory_space<semaphore_mem>>)
      %dma_wait3A_191 = arith.constant 0 : i32
      %dma_wait3A_192 = tpu.memref_slice %arg25[%mul3A_0, %dma_wait3A_191] : memref<10240x64xf32, #tpu.memory_space<vmem_shared>> -> memref<640x64xf32, #tpu.memory_space<vmem_shared>>
      tpu.wait_dma2 semaphore(%run_scoped3A_188 : memref<!tpu.dma_semaphore, #tpu.memory_space<semaphore_mem>>) src(%arg5 : memref<640x64xf32, #tpu.memory_space<hbm>>) dst(%dma_wait3A_192 : memref<640x64xf32, #tpu.memory_space<vmem_shared>>)
      tpu.yield
    }) : () -> ()
    "tpu.region"() ({
      %run_scoped3A_188 = tpu.sem_alloc : memref<!tpu.dma_semaphore, #tpu.memory_space<semaphore_mem>>
      %dma_start3A_189 = arith.constant 0 : i32
      %dma_start3A_190 = arith.constant 0 : i32
      %dma_start3A_191 = tpu.memref_slice %arg3[%arg1, %dma_start3A_189, %dma_start3A_190] : memref<16x320x64xi32, #tpu.memory_space<hbm>> -> memref<1x320x64xi32, #tpu.memory_space<hbm>>
      %dma_start3A_192 = tpu.memref_squeeze %dma_start3A_191 : memref<1x320x64xi32, #tpu.memory_space<hbm>> -> memref<320x64xi32, #tpu.memory_space<hbm>>
      %dma_start3A_193 = arith.constant 0 : i32
      %dma_start3A_194 = arith.constant 0 : i32
      %dma_start3A_195 = tpu.memref_slice %arg3[%arg1, %dma_start3A_193, %dma_start3A_194] : memref<16x320x64xi32, #tpu.memory_space<hbm>> -> memref<1x320x64xi32, #tpu.memory_space<hbm>>
      %dma_start3A_196 = tpu.memref_squeeze %dma_start3A_195 : memref<1x320x64xi32, #tpu.memory_space<hbm>> -> memref<320x64xi32, #tpu.memory_space<hbm>>
      tpu.enqueue_dma source(%dma_start3A_196 : memref<320x64xi32, #tpu.memory_space<hbm>>) target(%arg7 : memref<320x64xi32, #tpu.memory_space<vmem>>) target_semaphore(%run_scoped3A_188 : memref<!tpu.dma_semaphore, #tpu.memory_space<semaphore_mem>>)
      %dma_wait3A_197 = arith.constant 0 : i32
      %dma_wait3A_198 = arith.constant 0 : i32
      %dma_wait3A_199 = tpu.memref_slice %arg3[%arg1, %dma_wait3A_197, %dma_wait3A_198] : memref<16x320x64xi32, #tpu.memory_space<hbm>> -> memref<1x320x64xi32, #tpu.memory_space<hbm>>
      %dma_wait3A_200 = tpu.memref_squeeze %dma_wait3A_199 : memref<1x320x64xi32, #tpu.memory_space<hbm>> -> memref<320x64xi32, #tpu.memory_space<hbm>>
      %dma_wait3A_201 = arith.constant 0 : i32
      %dma_wait3A_202 = arith.constant 0 : i32
      %dma_wait3A_203 = tpu.memref_slice %arg3[%arg1, %dma_wait3A_201, %dma_wait3A_202] : memref<16x320x64xi32, #tpu.memory_space<hbm>> -> memref<1x320x64xi32, #tpu.memory_space<hbm>>
      %dma_wait3A_204 = tpu.memref_squeeze %dma_wait3A_203 : memref<1x320x64xi32, #tpu.memory_space<hbm>> -> memref<320x64xi32, #tpu.memory_space<hbm>>
      tpu.wait_dma2 semaphore(%run_scoped3A_188 : memref<!tpu.dma_semaphore, #tpu.memory_space<semaphore_mem>>) src(%dma_wait3A_204 : memref<320x64xi32, #tpu.memory_space<hbm>>) dst(%arg7 : memref<320x64xi32, #tpu.memory_space<vmem>>)
      tpu.yield
    }) : () -> ()
    "tpu.region"() ({
      %run_scoped3A_188 = tpu.sem_alloc : memref<!tpu.dma_semaphore, #tpu.memory_space<semaphore_mem>>
      %dma_start3A_189 = arith.constant 0 : i32
      %dma_start3A_190 = arith.constant 0 : i32
      %dma_start3A_191 = tpu.memref_slice %arg4[%arg1, %dma_start3A_189, %dma_start3A_190] : memref<16x320x64xi32, #tpu.memory_space<hbm>> -> memref<1x320x64xi32, #tpu.memory_space<hbm>>
      %dma_start3A_192 = tpu.memref_squeeze %dma_start3A_191 : memref<1x320x64xi32, #tpu.memory_space<hbm>> -> memref<320x64xi32, #tpu.memory_space<hbm>>
      %dma_start3A_193 = arith.constant 0 : i32
      %dma_start3A_194 = arith.constant 0 : i32
      %dma_start3A_195 = tpu.memref_slice %arg4[%arg1, %dma_start3A_193, %dma_start3A_194] : memref<16x320x64xi32, #tpu.memory_space<hbm>> -> memref<1x320x64xi32, #tpu.memory_space<hbm>>
      %dma_start3A_196 = tpu.memref_squeeze %dma_start3A_195 : memref<1x320x64xi32, #tpu.memory_space<hbm>> -> memref<320x64xi32, #tpu.memory_space<hbm>>
      tpu.enqueue_dma source(%dma_start3A_196 : memref<320x64xi32, #tpu.memory_space<hbm>>) target(%arg8 : memref<320x64xi32, #tpu.memory_space<vmem>>) target_semaphore(%run_scoped3A_188 : memref<!tpu.dma_semaphore, #tpu.memory_space<semaphore_mem>>)
      %dma_wait3A_197 = arith.constant 0 : i32
      %dma_wait3A_198 = arith.constant 0 : i32
      %dma_wait3A_199 = tpu.memref_slice %arg4[%arg1, %dma_wait3A_197, %dma_wait3A_198] : memref<16x320x64xi32, #tpu.memory_space<hbm>> -> memref<1x320x64xi32, #tpu.memory_space<hbm>>
      %dma_wait3A_200 = tpu.memref_squeeze %dma_wait3A_199 : memref<1x320x64xi32, #tpu.memory_space<hbm>> -> memref<320x64xi32, #tpu.memory_space<hbm>>
      %dma_wait3A_201 = arith.constant 0 : i32
      %dma_wait3A_202 = arith.constant 0 : i32
      %dma_wait3A_203 = tpu.memref_slice %arg4[%arg1, %dma_wait3A_201, %dma_wait3A_202] : memref<16x320x64xi32, #tpu.memory_space<hbm>> -> memref<1x320x64xi32, #tpu.memory_space<hbm>>
      %dma_wait3A_204 = tpu.memref_squeeze %dma_wait3A_203 : memref<1x320x64xi32, #tpu.memory_space<hbm>> -> memref<320x64xi32, #tpu.memory_space<hbm>>
      tpu.wait_dma2 semaphore(%run_scoped3A_188 : memref<!tpu.dma_semaphore, #tpu.memory_space<semaphore_mem>>) src(%dma_wait3A_204 : memref<320x64xi32, #tpu.memory_space<hbm>>) dst(%arg8 : memref<320x64xi32, #tpu.memory_space<vmem>>)
      tpu.yield
    }) : () -> ()
    %barrier3A = arith.constant 0 : index
    tpu.barrier barrier_id(%barrier3A)
    %dma_start3A = arith.constant 0 : i32
    %dma_start3A_1 = arith.constant 0 : i32
    %dma_start3A_2 = tpu.memref_slice %arg7[%dma_start3A, %dma_start3A_1] : memref<320x64xi32, #tpu.memory_space<vmem>> -> memref<1x64xi32, #tpu.memory_space<vmem>>
    %dma_start3A_3 = tpu.memref_squeeze %dma_start3A_2 : memref<1x64xi32, #tpu.memory_space<vmem>> -> memref<64xi32, #tpu.memory_space<vmem>>
    %dma_start3A_4 = arith.constant 0 : i32
    %dma_start3A_5 = arith.constant 0 : i32
    %dma_start3A_6 = tpu.memref_slice %arg2[%arg0, %dma_start3A_4, %dma_start3A_5] : memref<2x10240x64xf32, #tpu.memory_space<hbm>> -> memref<1x10240x64xf32, #tpu.memory_space<hbm>>
    %dma_start3A_7 = tpu.memref_squeeze %dma_start3A_6 : memref<1x10240x64xf32, #tpu.memory_space<hbm>> -> memref<10240x64xf32, #tpu.memory_space<hbm>>
    %dma_start3A_8 = arith.constant 0 : i32
    %dma_start3A_9 = arith.constant 0 : i32
    %dma_start3A_10 = tpu.memref_slice %dma_start3A_7[%dma_start3A_8, %dma_start3A_9] : memref<10240x64xf32, #tpu.memory_space<hbm>> -> memref<10240x64xf32, #tpu.memory_space<hbm>>
    tpu.enqueue_indirect_dma source(%dma_start3A_10 : memref<10240x64xf32, #tpu.memory_space<hbm>>) target(%arg9 : memref<64x64xf32, #tpu.memory_space<vmem>>) offsets(%dma_start3A_3 : memref<64xi32, #tpu.memory_space<vmem>>) semaphore(%arg17 : memref<!tpu.dma_semaphore, #tpu.memory_space<semaphore_mem>>)
    %dma_start3A_11 = arith.constant 1 : i32
    %dma_start3A_12 = arith.constant 0 : i32
    %dma_start3A_13 = tpu.memref_slice %arg7[%dma_start3A_11, %dma_start3A_12] : memref<320x64xi32, #tpu.memory_space<vmem>> -> memref<1x64xi32, #tpu.memory_space<vmem>>
    %dma_start3A_14 = tpu.memref_squeeze %dma_start3A_13 : memref<1x64xi32, #tpu.memory_space<vmem>> -> memref<64xi32, #tpu.memory_space<vmem>>
    %dma_start3A_15 = arith.constant 0 : i32
    %dma_start3A_16 = arith.constant 0 : i32
    %dma_start3A_17 = tpu.memref_slice %arg2[%arg0, %dma_start3A_15, %dma_start3A_16] : memref<2x10240x64xf32, #tpu.memory_space<hbm>> -> memref<1x10240x64xf32, #tpu.memory_space<hbm>>
    %dma_start3A_18 = tpu.memref_squeeze %dma_start3A_17 : memref<1x10240x64xf32, #tpu.memory_space<hbm>> -> memref<10240x64xf32, #tpu.memory_space<hbm>>
    %dma_start3A_19 = arith.constant 0 : i32
    %dma_start3A_20 = arith.constant 0 : i32
    %dma_start3A_21 = tpu.memref_slice %dma_start3A_18[%dma_start3A_19, %dma_start3A_20] : memref<10240x64xf32, #tpu.memory_space<hbm>> -> memref<10240x64xf32, #tpu.memory_space<hbm>>
    tpu.enqueue_indirect_dma source(%dma_start3A_21 : memref<10240x64xf32, #tpu.memory_space<hbm>>) target(%arg10 : memref<64x64xf32, #tpu.memory_space<vmem>>) offsets(%dma_start3A_14 : memref<64xi32, #tpu.memory_space<vmem>>) semaphore(%arg18 : memref<!tpu.dma_semaphore, #tpu.memory_space<semaphore_mem>>)
    %dma_start3A_22 = arith.constant 2 : i32
    %dma_start3A_23 = arith.constant 0 : i32
    %dma_start3A_24 = tpu.memref_slice %arg7[%dma_start3A_22, %dma_start3A_23] : memref<320x64xi32, #tpu.memory_space<vmem>> -> memref<1x64xi32, #tpu.memory_space<vmem>>
    %dma_start3A_25 = tpu.memref_squeeze %dma_start3A_24 : memref<1x64xi32, #tpu.memory_space<vmem>> -> memref<64xi32, #tpu.memory_space<vmem>>
    %dma_start3A_26 = arith.constant 0 : i32
    %dma_start3A_27 = arith.constant 0 : i32
    %dma_start3A_28 = tpu.memref_slice %arg2[%arg0, %dma_start3A_26, %dma_start3A_27] : memref<2x10240x64xf32, #tpu.memory_space<hbm>> -> memref<1x10240x64xf32, #tpu.memory_space<hbm>>
    %dma_start3A_29 = tpu.memref_squeeze %dma_start3A_28 : memref<1x10240x64xf32, #tpu.memory_space<hbm>> -> memref<10240x64xf32, #tpu.memory_space<hbm>>
    %dma_start3A_30 = arith.constant 0 : i32
    %dma_start3A_31 = arith.constant 0 : i32
    %dma_start3A_32 = tpu.memref_slice %dma_start3A_29[%dma_start3A_30, %dma_start3A_31] : memref<10240x64xf32, #tpu.memory_space<hbm>> -> memref<10240x64xf32, #tpu.memory_space<hbm>>
    tpu.enqueue_indirect_dma source(%dma_start3A_32 : memref<10240x64xf32, #tpu.memory_space<hbm>>) target(%arg11 : memref<64x64xf32, #tpu.memory_space<vmem>>) offsets(%dma_start3A_25 : memref<64xi32, #tpu.memory_space<vmem>>) semaphore(%arg19 : memref<!tpu.dma_semaphore, #tpu.memory_space<semaphore_mem>>)
    %dma_start3A_33 = arith.constant 3 : i32
    %dma_start3A_34 = arith.constant 0 : i32
    %dma_start3A_35 = tpu.memref_slice %arg7[%dma_start3A_33, %dma_start3A_34] : memref<320x64xi32, #tpu.memory_space<vmem>> -> memref<1x64xi32, #tpu.memory_space<vmem>>
    %dma_start3A_36 = tpu.memref_squeeze %dma_start3A_35 : memref<1x64xi32, #tpu.memory_space<vmem>> -> memref<64xi32, #tpu.memory_space<vmem>>
    %dma_start3A_37 = arith.constant 0 : i32
    %dma_start3A_38 = arith.constant 0 : i32
    %dma_start3A_39 = tpu.memref_slice %arg2[%arg0, %dma_start3A_37, %dma_start3A_38] : memref<2x10240x64xf32, #tpu.memory_space<hbm>> -> memref<1x10240x64xf32, #tpu.memory_space<hbm>>
    %dma_start3A_40 = tpu.memref_squeeze %dma_start3A_39 : memref<1x10240x64xf32, #tpu.memory_space<hbm>> -> memref<10240x64xf32, #tpu.memory_space<hbm>>
    %dma_start3A_41 = arith.constant 0 : i32
    %dma_start3A_42 = arith.constant 0 : i32
    %dma_start3A_43 = tpu.memref_slice %dma_start3A_40[%dma_start3A_41, %dma_start3A_42] : memref<10240x64xf32, #tpu.memory_space<hbm>> -> memref<10240x64xf32, #tpu.memory_space<hbm>>
    tpu.enqueue_indirect_dma source(%dma_start3A_43 : memref<10240x64xf32, #tpu.memory_space<hbm>>) target(%arg12 : memref<64x64xf32, #tpu.memory_space<vmem>>) offsets(%dma_start3A_36 : memref<64xi32, #tpu.memory_space<vmem>>) semaphore(%arg20 : memref<!tpu.dma_semaphore, #tpu.memory_space<semaphore_mem>>)
    %dma_start3A_44 = arith.constant 4 : i32
    %dma_start3A_45 = arith.constant 0 : i32
    %dma_start3A_46 = tpu.memref_slice %arg7[%dma_start3A_44, %dma_start3A_45] : memref<320x64xi32, #tpu.memory_space<vmem>> -> memref<1x64xi32, #tpu.memory_space<vmem>>
    %dma_start3A_47 = tpu.memref_squeeze %dma_start3A_46 : memref<1x64xi32, #tpu.memory_space<vmem>> -> memref<64xi32, #tpu.memory_space<vmem>>
    %dma_start3A_48 = arith.constant 0 : i32
    %dma_start3A_49 = arith.constant 0 : i32
    %dma_start3A_50 = tpu.memref_slice %arg2[%arg0, %dma_start3A_48, %dma_start3A_49] : memref<2x10240x64xf32, #tpu.memory_space<hbm>> -> memref<1x10240x64xf32, #tpu.memory_space<hbm>>
    %dma_start3A_51 = tpu.memref_squeeze %dma_start3A_50 : memref<1x10240x64xf32, #tpu.memory_space<hbm>> -> memref<10240x64xf32, #tpu.memory_space<hbm>>
    %dma_start3A_52 = arith.constant 0 : i32
    %dma_start3A_53 = arith.constant 0 : i32
    %dma_start3A_54 = tpu.memref_slice %dma_start3A_51[%dma_start3A_52, %dma_start3A_53] : memref<10240x64xf32, #tpu.memory_space<hbm>> -> memref<10240x64xf32, #tpu.memory_space<hbm>>
    tpu.enqueue_indirect_dma source(%dma_start3A_54 : memref<10240x64xf32, #tpu.memory_space<hbm>>) target(%arg13 : memref<64x64xf32, #tpu.memory_space<vmem>>) offsets(%dma_start3A_47 : memref<64xi32, #tpu.memory_space<vmem>>) semaphore(%arg21 : memref<!tpu.dma_semaphore, #tpu.memory_space<semaphore_mem>>)
    %dma_start3A_55 = arith.constant 5 : i32
    %dma_start3A_56 = arith.constant 0 : i32
    %dma_start3A_57 = tpu.memref_slice %arg7[%dma_start3A_55, %dma_start3A_56] : memref<320x64xi32, #tpu.memory_space<vmem>> -> memref<1x64xi32, #tpu.memory_space<vmem>>
    %dma_start3A_58 = tpu.memref_squeeze %dma_start3A_57 : memref<1x64xi32, #tpu.memory_space<vmem>> -> memref<64xi32, #tpu.memory_space<vmem>>
    %dma_start3A_59 = arith.constant 0 : i32
    %dma_start3A_60 = arith.constant 0 : i32
    %dma_start3A_61 = tpu.memref_slice %arg2[%arg0, %dma_start3A_59, %dma_start3A_60] : memref<2x10240x64xf32, #tpu.memory_space<hbm>> -> memref<1x10240x64xf32, #tpu.memory_space<hbm>>
    %dma_start3A_62 = tpu.memref_squeeze %dma_start3A_61 : memref<1x10240x64xf32, #tpu.memory_space<hbm>> -> memref<10240x64xf32, #tpu.memory_space<hbm>>
    %dma_start3A_63 = arith.constant 0 : i32
    %dma_start3A_64 = arith.constant 0 : i32
    %dma_start3A_65 = tpu.memref_slice %dma_start3A_62[%dma_start3A_63, %dma_start3A_64] : memref<10240x64xf32, #tpu.memory_space<hbm>> -> memref<10240x64xf32, #tpu.memory_space<hbm>>
    tpu.enqueue_indirect_dma source(%dma_start3A_65 : memref<10240x64xf32, #tpu.memory_space<hbm>>) target(%arg14 : memref<64x64xf32, #tpu.memory_space<vmem>>) offsets(%dma_start3A_58 : memref<64xi32, #tpu.memory_space<vmem>>) semaphore(%arg22 : memref<!tpu.dma_semaphore, #tpu.memory_space<semaphore_mem>>)
    %dma_start3A_66 = arith.constant 6 : i32
    %dma_start3A_67 = arith.constant 0 : i32
    %dma_start3A_68 = tpu.memref_slice %arg7[%dma_start3A_66, %dma_start3A_67] : memref<320x64xi32, #tpu.memory_space<vmem>> -> memref<1x64xi32, #tpu.memory_space<vmem>>
    %dma_start3A_69 = tpu.memref_squeeze %dma_start3A_68 : memref<1x64xi32, #tpu.memory_space<vmem>> -> memref<64xi32, #tpu.memory_space<vmem>>
    %dma_start3A_70 = arith.constant 0 : i32
    %dma_start3A_71 = arith.constant 0 : i32
    %dma_start3A_72 = tpu.memref_slice %arg2[%arg0, %dma_start3A_70, %dma_start3A_71] : memref<2x10240x64xf32, #tpu.memory_space<hbm>> -> memref<1x10240x64xf32, #tpu.memory_space<hbm>>
    %dma_start3A_73 = tpu.memref_squeeze %dma_start3A_72 : memref<1x10240x64xf32, #tpu.memory_space<hbm>> -> memref<10240x64xf32, #tpu.memory_space<hbm>>
    %dma_start3A_74 = arith.constant 0 : i32
    %dma_start3A_75 = arith.constant 0 : i32
    %dma_start3A_76 = tpu.memref_slice %dma_start3A_73[%dma_start3A_74, %dma_start3A_75] : memref<10240x64xf32, #tpu.memory_space<hbm>> -> memref<10240x64xf32, #tpu.memory_space<hbm>>
    tpu.enqueue_indirect_dma source(%dma_start3A_76 : memref<10240x64xf32, #tpu.memory_space<hbm>>) target(%arg15 : memref<64x64xf32, #tpu.memory_space<vmem>>) offsets(%dma_start3A_69 : memref<64xi32, #tpu.memory_space<vmem>>) semaphore(%arg23 : memref<!tpu.dma_semaphore, #tpu.memory_space<semaphore_mem>>)
    %dma_start3A_77 = arith.constant 7 : i32
    %dma_start3A_78 = arith.constant 0 : i32
    %dma_start3A_79 = tpu.memref_slice %arg7[%dma_start3A_77, %dma_start3A_78] : memref<320x64xi32, #tpu.memory_space<vmem>> -> memref<1x64xi32, #tpu.memory_space<vmem>>
    %dma_start3A_80 = tpu.memref_squeeze %dma_start3A_79 : memref<1x64xi32, #tpu.memory_space<vmem>> -> memref<64xi32, #tpu.memory_space<vmem>>
    %dma_start3A_81 = arith.constant 0 : i32
    %dma_start3A_82 = arith.constant 0 : i32
    %dma_start3A_83 = tpu.memref_slice %arg2[%arg0, %dma_start3A_81, %dma_start3A_82] : memref<2x10240x64xf32, #tpu.memory_space<hbm>> -> memref<1x10240x64xf32, #tpu.memory_space<hbm>>
    %dma_start3A_84 = tpu.memref_squeeze %dma_start3A_83 : memref<1x10240x64xf32, #tpu.memory_space<hbm>> -> memref<10240x64xf32, #tpu.memory_space<hbm>>
    %dma_start3A_85 = arith.constant 0 : i32
    %dma_start3A_86 = arith.constant 0 : i32
    %dma_start3A_87 = tpu.memref_slice %dma_start3A_84[%dma_start3A_85, %dma_start3A_86] : memref<10240x64xf32, #tpu.memory_space<hbm>> -> memref<10240x64xf32, #tpu.memory_space<hbm>>
    tpu.enqueue_indirect_dma source(%dma_start3A_87 : memref<10240x64xf32, #tpu.memory_space<hbm>>) target(%arg16 : memref<64x64xf32, #tpu.memory_space<vmem>>) offsets(%dma_start3A_80 : memref<64xi32, #tpu.memory_space<vmem>>) semaphore(%arg24 : memref<!tpu.dma_semaphore, #tpu.memory_space<semaphore_mem>>)
    %scan3A = arith.constant 0 : i32
    %scan3A_88 = arith.constant 0 : i32
    %scan3A_89 = arith.constant 39 : i32
    %scan3A_90 = arith.addi %scan3A_88, %scan3A_89 : i32
    %scan3A_91 = arith.constant 1 : i32
    scf.for %scan3A_188 = %scan3A_88 to %scan3A_90 step %scan3A_91  : i32 {
      %mul3A_189 = arith.constant 8 : i32
      %mul3A_190 = arith.muli %scan3A_188, %mul3A_189 : i32
      %add3A = arith.constant 0 : i32
      %add3A_191 = arith.addi %mul3A_190, %add3A : i32
      %dma_wait3A_192 = arith.constant 0 : i32
      %dma_wait3A_193 = tpu.memref_slice %arg7[%add3A_191, %dma_wait3A_192] : memref<320x64xi32, #tpu.memory_space<vmem>> -> memref<1x64xi32, #tpu.memory_space<vmem>>
      %dma_wait3A_194 = tpu.memref_squeeze %dma_wait3A_193 : memref<1x64xi32, #tpu.memory_space<vmem>> -> memref<64xi32, #tpu.memory_space<vmem>>
      %dma_wait3A_195 = arith.constant 0 : i32
      %dma_wait3A_196 = arith.constant 0 : i32
      %dma_wait3A_197 = tpu.memref_slice %arg2[%arg0, %dma_wait3A_195, %dma_wait3A_196] : memref<2x10240x64xf32, #tpu.memory_space<hbm>> -> memref<1x10240x64xf32, #tpu.memory_space<hbm>>
      %dma_wait3A_198 = tpu.memref_squeeze %dma_wait3A_197 : memref<1x10240x64xf32, #tpu.memory_space<hbm>> -> memref<10240x64xf32, #tpu.memory_space<hbm>>
      %dma_wait3A_199 = arith.constant 0 : i32
      %dma_wait3A_200 = arith.constant 0 : i32
      %dma_wait3A_201 = tpu.memref_slice %dma_wait3A_198[%dma_wait3A_199, %dma_wait3A_200] : memref<10240x64xf32, #tpu.memory_space<hbm>> -> memref<10240x64xf32, #tpu.memory_space<hbm>>
      tpu.wait_indirect_dma semaphore(%arg17 : memref<!tpu.dma_semaphore, #tpu.memory_space<semaphore_mem>>) src(%dma_wait3A_201 : memref<10240x64xf32, #tpu.memory_space<hbm>>) dst(%arg9 : memref<64x64xf32, #tpu.memory_space<vmem>>)
      "tpu.region"() ({
        %run_scoped3A_396 = tpu.sem_alloc : memref<!tpu.dma_semaphore, #tpu.memory_space<semaphore_mem>>
        %dma_start3A_397 = arith.constant 0 : i32
        %dma_start3A_398 = tpu.memref_slice %arg8[%add3A_191, %dma_start3A_397] : memref<320x64xi32, #tpu.memory_space<vmem>> -> memref<1x64xi32, #tpu.memory_space<vmem>>
        %dma_start3A_399 = tpu.memref_squeeze %dma_start3A_398 : memref<1x64xi32, #tpu.memory_space<vmem>> -> memref<64xi32, #tpu.memory_space<vmem>>
        %dma_start3A_400 = arith.constant 0 : i32
        %dma_start3A_401 = arith.constant 0 : i32
        %dma_start3A_402 = tpu.memref_slice %arg25[%dma_start3A_400, %dma_start3A_401] : memref<10240x64xf32, #tpu.memory_space<vmem_shared>> -> memref<10240x64xf32, #tpu.memory_space<vmem_shared>>
        tpu.enqueue_indirect_dma source(%arg9 : memref<64x64xf32, #tpu.memory_space<vmem>>) target(%dma_start3A_402 : memref<10240x64xf32, #tpu.memory_space<vmem_shared>>) offsets(%dma_start3A_399 : memref<64xi32, #tpu.memory_space<vmem>>) semaphore(%run_scoped3A_396 : memref<!tpu.dma_semaphore, #tpu.memory_space<semaphore_mem>>) {add = true}
        %dma_wait3A_403 = arith.constant 0 : i32
        %dma_wait3A_404 = tpu.memref_slice %arg8[%add3A_191, %dma_wait3A_403] : memref<320x64xi32, #tpu.memory_space<vmem>> -> memref<1x64xi32, #tpu.memory_space<vmem>>
        %dma_wait3A_405 = tpu.memref_squeeze %dma_wait3A_404 : memref<1x64xi32, #tpu.memory_space<vmem>> -> memref<64xi32, #tpu.memory_space<vmem>>
        %dma_wait3A_406 = arith.constant 0 : i32
        %dma_wait3A_407 = arith.constant 0 : i32
        %dma_wait3A_408 = tpu.memref_slice %arg25[%dma_wait3A_406, %dma_wait3A_407] : memref<10240x64xf32, #tpu.memory_space<vmem_shared>> -> memref<10240x64xf32, #tpu.memory_space<vmem_shared>>
        tpu.wait_indirect_dma semaphore(%run_scoped3A_396 : memref<!tpu.dma_semaphore, #tpu.memory_space<semaphore_mem>>) src(%arg9 : memref<64x64xf32, #tpu.memory_space<vmem>>) dst(%dma_wait3A_408 : memref<10240x64xf32, #tpu.memory_space<vmem_shared>>)
        tpu.yield
      }) : () -> ()
      %add3A_202 = arith.constant 8 : i32
      %add3A_203 = arith.addi %add3A_191, %add3A_202 : i32
      %dma_start3A_204 = arith.constant 0 : i32
      %dma_start3A_205 = tpu.memref_slice %arg7[%add3A_203, %dma_start3A_204] : memref<320x64xi32, #tpu.memory_space<vmem>> -> memref<1x64xi32, #tpu.memory_space<vmem>>
      %dma_start3A_206 = tpu.memref_squeeze %dma_start3A_205 : memref<1x64xi32, #tpu.memory_space<vmem>> -> memref<64xi32, #tpu.memory_space<vmem>>
      %dma_start3A_207 = arith.constant 0 : i32
      %dma_start3A_208 = arith.constant 0 : i32
      %dma_start3A_209 = tpu.memref_slice %arg2[%arg0, %dma_start3A_207, %dma_start3A_208] : memref<2x10240x64xf32, #tpu.memory_space<hbm>> -> memref<1x10240x64xf32, #tpu.memory_space<hbm>>
      %dma_start3A_210 = tpu.memref_squeeze %dma_start3A_209 : memref<1x10240x64xf32, #tpu.memory_space<hbm>> -> memref<10240x64xf32, #tpu.memory_space<hbm>>
      %dma_start3A_211 = arith.constant 0 : i32
      %dma_start3A_212 = arith.constant 0 : i32
      %dma_start3A_213 = tpu.memref_slice %dma_start3A_210[%dma_start3A_211, %dma_start3A_212] : memref<10240x64xf32, #tpu.memory_space<hbm>> -> memref<10240x64xf32, #tpu.memory_space<hbm>>
      tpu.enqueue_indirect_dma source(%dma_start3A_213 : memref<10240x64xf32, #tpu.memory_space<hbm>>) target(%arg9 : memref<64x64xf32, #tpu.memory_space<vmem>>) offsets(%dma_start3A_206 : memref<64xi32, #tpu.memory_space<vmem>>) semaphore(%arg17 : memref<!tpu.dma_semaphore, #tpu.memory_space<semaphore_mem>>)
      %mul3A_214 = arith.constant 8 : i32
      %mul3A_215 = arith.muli %scan3A_188, %mul3A_214 : i32
      %add3A_216 = arith.constant 1 : i32
      %add3A_217 = arith.addi %mul3A_215, %add3A_216 : i32
      %dma_wait3A_218 = arith.constant 0 : i32
      %dma_wait3A_219 = tpu.memref_slice %arg7[%add3A_217, %dma_wait3A_218] : memref<320x64xi32, #tpu.memory_space<vmem>> -> memref<1x64xi32, #tpu.memory_space<vmem>>
      %dma_wait3A_220 = tpu.memref_squeeze %dma_wait3A_219 : memref<1x64xi32, #tpu.memory_space<vmem>> -> memref<64xi32, #tpu.memory_space<vmem>>
      %dma_wait3A_221 = arith.constant 0 : i32
      %dma_wait3A_222 = arith.constant 0 : i32
      %dma_wait3A_223 = tpu.memref_slice %arg2[%arg0, %dma_wait3A_221, %dma_wait3A_222] : memref<2x10240x64xf32, #tpu.memory_space<hbm>> -> memref<1x10240x64xf32, #tpu.memory_space<hbm>>
      %dma_wait3A_224 = tpu.memref_squeeze %dma_wait3A_223 : memref<1x10240x64xf32, #tpu.memory_space<hbm>> -> memref<10240x64xf32, #tpu.memory_space<hbm>>
      %dma_wait3A_225 = arith.constant 0 : i32
      %dma_wait3A_226 = arith.constant 0 : i32
      %dma_wait3A_227 = tpu.memref_slice %dma_wait3A_224[%dma_wait3A_225, %dma_wait3A_226] : memref<10240x64xf32, #tpu.memory_space<hbm>> -> memref<10240x64xf32, #tpu.memory_space<hbm>>
      tpu.wait_indirect_dma semaphore(%arg18 : memref<!tpu.dma_semaphore, #tpu.memory_space<semaphore_mem>>) src(%dma_wait3A_227 : memref<10240x64xf32, #tpu.memory_space<hbm>>) dst(%arg10 : memref<64x64xf32, #tpu.memory_space<vmem>>)
      "tpu.region"() ({
        %run_scoped3A_396 = tpu.sem_alloc : memref<!tpu.dma_semaphore, #tpu.memory_space<semaphore_mem>>
        %dma_start3A_397 = arith.constant 0 : i32
        %dma_start3A_398 = tpu.memref_slice %arg8[%add3A_217, %dma_start3A_397] : memref<320x64xi32, #tpu.memory_space<vmem>> -> memref<1x64xi32, #tpu.memory_space<vmem>>
        %dma_start3A_399 = tpu.memref_squeeze %dma_start3A_398 : memref<1x64xi32, #tpu.memory_space<vmem>> -> memref<64xi32, #tpu.memory_space<vmem>>
        %dma_start3A_400 = arith.constant 0 : i32
        %dma_start3A_401 = arith.constant 0 : i32
        %dma_start3A_402 = tpu.memref_slice %arg25[%dma_start3A_400, %dma_start3A_401] : memref<10240x64xf32, #tpu.memory_space<vmem_shared>> -> memref<10240x64xf32, #tpu.memory_space<vmem_shared>>
        tpu.enqueue_indirect_dma source(%arg10 : memref<64x64xf32, #tpu.memory_space<vmem>>) target(%dma_start3A_402 : memref<10240x64xf32, #tpu.memory_space<vmem_shared>>) offsets(%dma_start3A_399 : memref<64xi32, #tpu.memory_space<vmem>>) semaphore(%run_scoped3A_396 : memref<!tpu.dma_semaphore, #tpu.memory_space<semaphore_mem>>) {add = true}
        %dma_wait3A_403 = arith.constant 0 : i32
        %dma_wait3A_404 = tpu.memref_slice %arg8[%add3A_217, %dma_wait3A_403] : memref<320x64xi32, #tpu.memory_space<vmem>> -> memref<1x64xi32, #tpu.memory_space<vmem>>
        %dma_wait3A_405 = tpu.memref_squeeze %dma_wait3A_404 : memref<1x64xi32, #tpu.memory_space<vmem>> -> memref<64xi32, #tpu.memory_space<vmem>>
        %dma_wait3A_406 = arith.constant 0 : i32
        %dma_wait3A_407 = arith.constant 0 : i32
        %dma_wait3A_408 = tpu.memref_slice %arg25[%dma_wait3A_406, %dma_wait3A_407] : memref<10240x64xf32, #tpu.memory_space<vmem_shared>> -> memref<10240x64xf32, #tpu.memory_space<vmem_shared>>
        tpu.wait_indirect_dma semaphore(%run_scoped3A_396 : memref<!tpu.dma_semaphore, #tpu.memory_space<semaphore_mem>>) src(%arg10 : memref<64x64xf32, #tpu.memory_space<vmem>>) dst(%dma_wait3A_408 : memref<10240x64xf32, #tpu.memory_space<vmem_shared>>)
        tpu.yield
      }) : () -> ()
      %add3A_228 = arith.constant 8 : i32
      %add3A_229 = arith.addi %add3A_217, %add3A_228 : i32
      %dma_start3A_230 = arith.constant 0 : i32
      %dma_start3A_231 = tpu.memref_slice %arg7[%add3A_229, %dma_start3A_230] : memref<320x64xi32, #tpu.memory_space<vmem>> -> memref<1x64xi32, #tpu.memory_space<vmem>>
      %dma_start3A_232 = tpu.memref_squeeze %dma_start3A_231 : memref<1x64xi32, #tpu.memory_space<vmem>> -> memref<64xi32, #tpu.memory_space<vmem>>
      %dma_start3A_233 = arith.constant 0 : i32
      %dma_start3A_234 = arith.constant 0 : i32
      %dma_start3A_235 = tpu.memref_slice %arg2[%arg0, %dma_start3A_233, %dma_start3A_234] : memref<2x10240x64xf32, #tpu.memory_space<hbm>> -> memref<1x10240x64xf32, #tpu.memory_space<hbm>>
      %dma_start3A_236 = tpu.memref_squeeze %dma_start3A_235 : memref<1x10240x64xf32, #tpu.memory_space<hbm>> -> memref<10240x64xf32, #tpu.memory_space<hbm>>
      %dma_start3A_237 = arith.constant 0 : i32
      %dma_start3A_238 = arith.constant 0 : i32
      %dma_start3A_239 = tpu.memref_slice %dma_start3A_236[%dma_start3A_237, %dma_start3A_238] : memref<10240x64xf32, #tpu.memory_space<hbm>> -> memref<10240x64xf32, #tpu.memory_space<hbm>>
      tpu.enqueue_indirect_dma source(%dma_start3A_239 : memref<10240x64xf32, #tpu.memory_space<hbm>>) target(%arg10 : memref<64x64xf32, #tpu.memory_space<vmem>>) offsets(%dma_start3A_232 : memref<64xi32, #tpu.memory_space<vmem>>) semaphore(%arg18 : memref<!tpu.dma_semaphore, #tpu.memory_space<semaphore_mem>>)
      %mul3A_240 = arith.constant 8 : i32
      %mul3A_241 = arith.muli %scan3A_188, %mul3A_240 : i32
      %add3A_242 = arith.constant 2 : i32
      %add3A_243 = arith.addi %mul3A_241, %add3A_242 : i32
      %dma_wait3A_244 = arith.constant 0 : i32
      %dma_wait3A_245 = tpu.memref_slice %arg7[%add3A_243, %dma_wait3A_244] : memref<320x64xi32, #tpu.memory_space<vmem>> -> memref<1x64xi32, #tpu.memory_space<vmem>>
      %dma_wait3A_246 = tpu.memref_squeeze %dma_wait3A_245 : memref<1x64xi32, #tpu.memory_space<vmem>> -> memref<64xi32, #tpu.memory_space<vmem>>
      %dma_wait3A_247 = arith.constant 0 : i32
      %dma_wait3A_248 = arith.constant 0 : i32
      %dma_wait3A_249 = tpu.memref_slice %arg2[%arg0, %dma_wait3A_247, %dma_wait3A_248] : memref<2x10240x64xf32, #tpu.memory_space<hbm>> -> memref<1x10240x64xf32, #tpu.memory_space<hbm>>
      %dma_wait3A_250 = tpu.memref_squeeze %dma_wait3A_249 : memref<1x10240x64xf32, #tpu.memory_space<hbm>> -> memref<10240x64xf32, #tpu.memory_space<hbm>>
      %dma_wait3A_251 = arith.constant 0 : i32
      %dma_wait3A_252 = arith.constant 0 : i32
      %dma_wait3A_253 = tpu.memref_slice %dma_wait3A_250[%dma_wait3A_251, %dma_wait3A_252] : memref<10240x64xf32, #tpu.memory_space<hbm>> -> memref<10240x64xf32, #tpu.memory_space<hbm>>
      tpu.wait_indirect_dma semaphore(%arg19 : memref<!tpu.dma_semaphore, #tpu.memory_space<semaphore_mem>>) src(%dma_wait3A_253 : memref<10240x64xf32, #tpu.memory_space<hbm>>) dst(%arg11 : memref<64x64xf32, #tpu.memory_space<vmem>>)
      "tpu.region"() ({
        %run_scoped3A_396 = tpu.sem_alloc : memref<!tpu.dma_semaphore, #tpu.memory_space<semaphore_mem>>
        %dma_start3A_397 = arith.constant 0 : i32
        %dma_start3A_398 = tpu.memref_slice %arg8[%add3A_243, %dma_start3A_397] : memref<320x64xi32, #tpu.memory_space<vmem>> -> memref<1x64xi32, #tpu.memory_space<vmem>>
        %dma_start3A_399 = tpu.memref_squeeze %dma_start3A_398 : memref<1x64xi32, #tpu.memory_space<vmem>> -> memref<64xi32, #tpu.memory_space<vmem>>
        %dma_start3A_400 = arith.constant 0 : i32
        %dma_start3A_401 = arith.constant 0 : i32
        %dma_start3A_402 = tpu.memref_slice %arg25[%dma_start3A_400, %dma_start3A_401] : memref<10240x64xf32, #tpu.memory_space<vmem_shared>> -> memref<10240x64xf32, #tpu.memory_space<vmem_shared>>
        tpu.enqueue_indirect_dma source(%arg11 : memref<64x64xf32, #tpu.memory_space<vmem>>) target(%dma_start3A_402 : memref<10240x64xf32, #tpu.memory_space<vmem_shared>>) offsets(%dma_start3A_399 : memref<64xi32, #tpu.memory_space<vmem>>) semaphore(%run_scoped3A_396 : memref<!tpu.dma_semaphore, #tpu.memory_space<semaphore_mem>>) {add = true}
        %dma_wait3A_403 = arith.constant 0 : i32
        %dma_wait3A_404 = tpu.memref_slice %arg8[%add3A_243, %dma_wait3A_403] : memref<320x64xi32, #tpu.memory_space<vmem>> -> memref<1x64xi32, #tpu.memory_space<vmem>>
        %dma_wait3A_405 = tpu.memref_squeeze %dma_wait3A_404 : memref<1x64xi32, #tpu.memory_space<vmem>> -> memref<64xi32, #tpu.memory_space<vmem>>
        %dma_wait3A_406 = arith.constant 0 : i32
        %dma_wait3A_407 = arith.constant 0 : i32
        %dma_wait3A_408 = tpu.memref_slice %arg25[%dma_wait3A_406, %dma_wait3A_407] : memref<10240x64xf32, #tpu.memory_space<vmem_shared>> -> memref<10240x64xf32, #tpu.memory_space<vmem_shared>>
        tpu.wait_indirect_dma semaphore(%run_scoped3A_396 : memref<!tpu.dma_semaphore, #tpu.memory_space<semaphore_mem>>) src(%arg11 : memref<64x64xf32, #tpu.memory_space<vmem>>) dst(%dma_wait3A_408 : memref<10240x64xf32, #tpu.memory_space<vmem_shared>>)
        tpu.yield
      }) : () -> ()
      %add3A_254 = arith.constant 8 : i32
      %add3A_255 = arith.addi %add3A_243, %add3A_254 : i32
      %dma_start3A_256 = arith.constant 0 : i32
      %dma_start3A_257 = tpu.memref_slice %arg7[%add3A_255, %dma_start3A_256] : memref<320x64xi32, #tpu.memory_space<vmem>> -> memref<1x64xi32, #tpu.memory_space<vmem>>
      %dma_start3A_258 = tpu.memref_squeeze %dma_start3A_257 : memref<1x64xi32, #tpu.memory_space<vmem>> -> memref<64xi32, #tpu.memory_space<vmem>>
      %dma_start3A_259 = arith.constant 0 : i32
      %dma_start3A_260 = arith.constant 0 : i32
      %dma_start3A_261 = tpu.memref_slice %arg2[%arg0, %dma_start3A_259, %dma_start3A_260] : memref<2x10240x64xf32, #tpu.memory_space<hbm>> -> memref<1x10240x64xf32, #tpu.memory_space<hbm>>
      %dma_start3A_262 = tpu.memref_squeeze %dma_start3A_261 : memref<1x10240x64xf32, #tpu.memory_space<hbm>> -> memref<10240x64xf32, #tpu.memory_space<hbm>>
      %dma_start3A_263 = arith.constant 0 : i32
      %dma_start3A_264 = arith.constant 0 : i32
      %dma_start3A_265 = tpu.memref_slice %dma_start3A_262[%dma_start3A_263, %dma_start3A_264] : memref<10240x64xf32, #tpu.memory_space<hbm>> -> memref<10240x64xf32, #tpu.memory_space<hbm>>
      tpu.enqueue_indirect_dma source(%dma_start3A_265 : memref<10240x64xf32, #tpu.memory_space<hbm>>) target(%arg11 : memref<64x64xf32, #tpu.memory_space<vmem>>) offsets(%dma_start3A_258 : memref<64xi32, #tpu.memory_space<vmem>>) semaphore(%arg19 : memref<!tpu.dma_semaphore, #tpu.memory_space<semaphore_mem>>)
      %mul3A_266 = arith.constant 8 : i32
      %mul3A_267 = arith.muli %scan3A_188, %mul3A_266 : i32
      %add3A_268 = arith.constant 3 : i32
      %add3A_269 = arith.addi %mul3A_267, %add3A_268 : i32
      %dma_wait3A_270 = arith.constant 0 : i32
      %dma_wait3A_271 = tpu.memref_slice %arg7[%add3A_269, %dma_wait3A_270] : memref<320x64xi32, #tpu.memory_space<vmem>> -> memref<1x64xi32, #tpu.memory_space<vmem>>
      %dma_wait3A_272 = tpu.memref_squeeze %dma_wait3A_271 : memref<1x64xi32, #tpu.memory_space<vmem>> -> memref<64xi32, #tpu.memory_space<vmem>>
      %dma_wait3A_273 = arith.constant 0 : i32
      %dma_wait3A_274 = arith.constant 0 : i32
      %dma_wait3A_275 = tpu.memref_slice %arg2[%arg0, %dma_wait3A_273, %dma_wait3A_274] : memref<2x10240x64xf32, #tpu.memory_space<hbm>> -> memref<1x10240x64xf32, #tpu.memory_space<hbm>>
      %dma_wait3A_276 = tpu.memref_squeeze %dma_wait3A_275 : memref<1x10240x64xf32, #tpu.memory_space<hbm>> -> memref<10240x64xf32, #tpu.memory_space<hbm>>
      %dma_wait3A_277 = arith.constant 0 : i32
      %dma_wait3A_278 = arith.constant 0 : i32
      %dma_wait3A_279 = tpu.memref_slice %dma_wait3A_276[%dma_wait3A_277, %dma_wait3A_278] : memref<10240x64xf32, #tpu.memory_space<hbm>> -> memref<10240x64xf32, #tpu.memory_space<hbm>>
      tpu.wait_indirect_dma semaphore(%arg20 : memref<!tpu.dma_semaphore, #tpu.memory_space<semaphore_mem>>) src(%dma_wait3A_279 : memref<10240x64xf32, #tpu.memory_space<hbm>>) dst(%arg12 : memref<64x64xf32, #tpu.memory_space<vmem>>)
      "tpu.region"() ({
        %run_scoped3A_396 = tpu.sem_alloc : memref<!tpu.dma_semaphore, #tpu.memory_space<semaphore_mem>>
        %dma_start3A_397 = arith.constant 0 : i32
        %dma_start3A_398 = tpu.memref_slice %arg8[%add3A_269, %dma_start3A_397] : memref<320x64xi32, #tpu.memory_space<vmem>> -> memref<1x64xi32, #tpu.memory_space<vmem>>
        %dma_start3A_399 = tpu.memref_squeeze %dma_start3A_398 : memref<1x64xi32, #tpu.memory_space<vmem>> -> memref<64xi32, #tpu.memory_space<vmem>>
        %dma_start3A_400 = arith.constant 0 : i32
        %dma_start3A_401 = arith.constant 0 : i32
        %dma_start3A_402 = tpu.memref_slice %arg25[%dma_start3A_400, %dma_start3A_401] : memref<10240x64xf32, #tpu.memory_space<vmem_shared>> -> memref<10240x64xf32, #tpu.memory_space<vmem_shared>>
        tpu.enqueue_indirect_dma source(%arg12 : memref<64x64xf32, #tpu.memory_space<vmem>>) target(%dma_start3A_402 : memref<10240x64xf32, #tpu.memory_space<vmem_shared>>) offsets(%dma_start3A_399 : memref<64xi32, #tpu.memory_space<vmem>>) semaphore(%run_scoped3A_396 : memref<!tpu.dma_semaphore, #tpu.memory_space<semaphore_mem>>) {add = true}
        %dma_wait3A_403 = arith.constant 0 : i32
        %dma_wait3A_404 = tpu.memref_slice %arg8[%add3A_269, %dma_wait3A_403] : memref<320x64xi32, #tpu.memory_space<vmem>> -> memref<1x64xi32, #tpu.memory_space<vmem>>
        %dma_wait3A_405 = tpu.memref_squeeze %dma_wait3A_404 : memref<1x64xi32, #tpu.memory_space<vmem>> -> memref<64xi32, #tpu.memory_space<vmem>>
        %dma_wait3A_406 = arith.constant 0 : i32
        %dma_wait3A_407 = arith.constant 0 : i32
        %dma_wait3A_408 = tpu.memref_slice %arg25[%dma_wait3A_406, %dma_wait3A_407] : memref<10240x64xf32, #tpu.memory_space<vmem_shared>> -> memref<10240x64xf32, #tpu.memory_space<vmem_shared>>
        tpu.wait_indirect_dma semaphore(%run_scoped3A_396 : memref<!tpu.dma_semaphore, #tpu.memory_space<semaphore_mem>>) src(%arg12 : memref<64x64xf32, #tpu.memory_space<vmem>>) dst(%dma_wait3A_408 : memref<10240x64xf32, #tpu.memory_space<vmem_shared>>)
        tpu.yield
      }) : () -> ()
      %add3A_280 = arith.constant 8 : i32
      %add3A_281 = arith.addi %add3A_269, %add3A_280 : i32
      %dma_start3A_282 = arith.constant 0 : i32
      %dma_start3A_283 = tpu.memref_slice %arg7[%add3A_281, %dma_start3A_282] : memref<320x64xi32, #tpu.memory_space<vmem>> -> memref<1x64xi32, #tpu.memory_space<vmem>>
      %dma_start3A_284 = tpu.memref_squeeze %dma_start3A_283 : memref<1x64xi32, #tpu.memory_space<vmem>> -> memref<64xi32, #tpu.memory_space<vmem>>
      %dma_start3A_285 = arith.constant 0 : i32
      %dma_start3A_286 = arith.constant 0 : i32
      %dma_start3A_287 = tpu.memref_slice %arg2[%arg0, %dma_start3A_285, %dma_start3A_286] : memref<2x10240x64xf32, #tpu.memory_space<hbm>> -> memref<1x10240x64xf32, #tpu.memory_space<hbm>>
      %dma_start3A_288 = tpu.memref_squeeze %dma_start3A_287 : memref<1x10240x64xf32, #tpu.memory_space<hbm>> -> memref<10240x64xf32, #tpu.memory_space<hbm>>
      %dma_start3A_289 = arith.constant 0 : i32
      %dma_start3A_290 = arith.constant 0 : i32
      %dma_start3A_291 = tpu.memref_slice %dma_start3A_288[%dma_start3A_289, %dma_start3A_290] : memref<10240x64xf32, #tpu.memory_space<hbm>> -> memref<10240x64xf32, #tpu.memory_space<hbm>>
      tpu.enqueue_indirect_dma source(%dma_start3A_291 : memref<10240x64xf32, #tpu.memory_space<hbm>>) target(%arg12 : memref<64x64xf32, #tpu.memory_space<vmem>>) offsets(%dma_start3A_284 : memref<64xi32, #tpu.memory_space<vmem>>) semaphore(%arg20 : memref<!tpu.dma_semaphore, #tpu.memory_space<semaphore_mem>>)
      %mul3A_292 = arith.constant 8 : i32
      %mul3A_293 = arith.muli %scan3A_188, %mul3A_292 : i32
      %add3A_294 = arith.constant 4 : i32
      %add3A_295 = arith.addi %mul3A_293, %add3A_294 : i32
      %dma_wait3A_296 = arith.constant 0 : i32
      %dma_wait3A_297 = tpu.memref_slice %arg7[%add3A_295, %dma_wait3A_296] : memref<320x64xi32, #tpu.memory_space<vmem>> -> memref<1x64xi32, #tpu.memory_space<vmem>>
      %dma_wait3A_298 = tpu.memref_squeeze %dma_wait3A_297 : memref<1x64xi32, #tpu.memory_space<vmem>> -> memref<64xi32, #tpu.memory_space<vmem>>
      %dma_wait3A_299 = arith.constant 0 : i32
      %dma_wait3A_300 = arith.constant 0 : i32
      %dma_wait3A_301 = tpu.memref_slice %arg2[%arg0, %dma_wait3A_299, %dma_wait3A_300] : memref<2x10240x64xf32, #tpu.memory_space<hbm>> -> memref<1x10240x64xf32, #tpu.memory_space<hbm>>
      %dma_wait3A_302 = tpu.memref_squeeze %dma_wait3A_301 : memref<1x10240x64xf32, #tpu.memory_space<hbm>> -> memref<10240x64xf32, #tpu.memory_space<hbm>>
      %dma_wait3A_303 = arith.constant 0 : i32
      %dma_wait3A_304 = arith.constant 0 : i32
      %dma_wait3A_305 = tpu.memref_slice %dma_wait3A_302[%dma_wait3A_303, %dma_wait3A_304] : memref<10240x64xf32, #tpu.memory_space<hbm>> -> memref<10240x64xf32, #tpu.memory_space<hbm>>
      tpu.wait_indirect_dma semaphore(%arg21 : memref<!tpu.dma_semaphore, #tpu.memory_space<semaphore_mem>>) src(%dma_wait3A_305 : memref<10240x64xf32, #tpu.memory_space<hbm>>) dst(%arg13 : memref<64x64xf32, #tpu.memory_space<vmem>>)
      "tpu.region"() ({
        %run_scoped3A_396 = tpu.sem_alloc : memref<!tpu.dma_semaphore, #tpu.memory_space<semaphore_mem>>
        %dma_start3A_397 = arith.constant 0 : i32
        %dma_start3A_398 = tpu.memref_slice %arg8[%add3A_295, %dma_start3A_397] : memref<320x64xi32, #tpu.memory_space<vmem>> -> memref<1x64xi32, #tpu.memory_space<vmem>>
        %dma_start3A_399 = tpu.memref_squeeze %dma_start3A_398 : memref<1x64xi32, #tpu.memory_space<vmem>> -> memref<64xi32, #tpu.memory_space<vmem>>
        %dma_start3A_400 = arith.constant 0 : i32
        %dma_start3A_401 = arith.constant 0 : i32
        %dma_start3A_402 = tpu.memref_slice %arg25[%dma_start3A_400, %dma_start3A_401] : memref<10240x64xf32, #tpu.memory_space<vmem_shared>> -> memref<10240x64xf32, #tpu.memory_space<vmem_shared>>
        tpu.enqueue_indirect_dma source(%arg13 : memref<64x64xf32, #tpu.memory_space<vmem>>) target(%dma_start3A_402 : memref<10240x64xf32, #tpu.memory_space<vmem_shared>>) offsets(%dma_start3A_399 : memref<64xi32, #tpu.memory_space<vmem>>) semaphore(%run_scoped3A_396 : memref<!tpu.dma_semaphore, #tpu.memory_space<semaphore_mem>>) {add = true}
        %dma_wait3A_403 = arith.constant 0 : i32
        %dma_wait3A_404 = tpu.memref_slice %arg8[%add3A_295, %dma_wait3A_403] : memref<320x64xi32, #tpu.memory_space<vmem>> -> memref<1x64xi32, #tpu.memory_space<vmem>>
        %dma_wait3A_405 = tpu.memref_squeeze %dma_wait3A_404 : memref<1x64xi32, #tpu.memory_space<vmem>> -> memref<64xi32, #tpu.memory_space<vmem>>
        %dma_wait3A_406 = arith.constant 0 : i32
        %dma_wait3A_407 = arith.constant 0 : i32
        %dma_wait3A_408 = tpu.memref_slice %arg25[%dma_wait3A_406, %dma_wait3A_407] : memref<10240x64xf32, #tpu.memory_space<vmem_shared>> -> memref<10240x64xf32, #tpu.memory_space<vmem_shared>>
        tpu.wait_indirect_dma semaphore(%run_scoped3A_396 : memref<!tpu.dma_semaphore, #tpu.memory_space<semaphore_mem>>) src(%arg13 : memref<64x64xf32, #tpu.memory_space<vmem>>) dst(%dma_wait3A_408 : memref<10240x64xf32, #tpu.memory_space<vmem_shared>>)
        tpu.yield
      }) : () -> ()
      %add3A_306 = arith.constant 8 : i32
      %add3A_307 = arith.addi %add3A_295, %add3A_306 : i32
      %dma_start3A_308 = arith.constant 0 : i32
      %dma_start3A_309 = tpu.memref_slice %arg7[%add3A_307, %dma_start3A_308] : memref<320x64xi32, #tpu.memory_space<vmem>> -> memref<1x64xi32, #tpu.memory_space<vmem>>
      %dma_start3A_310 = tpu.memref_squeeze %dma_start3A_309 : memref<1x64xi32, #tpu.memory_space<vmem>> -> memref<64xi32, #tpu.memory_space<vmem>>
      %dma_start3A_311 = arith.constant 0 : i32
      %dma_start3A_312 = arith.constant 0 : i32
      %dma_start3A_313 = tpu.memref_slice %arg2[%arg0, %dma_start3A_311, %dma_start3A_312] : memref<2x10240x64xf32, #tpu.memory_space<hbm>> -> memref<1x10240x64xf32, #tpu.memory_space<hbm>>
      %dma_start3A_314 = tpu.memref_squeeze %dma_start3A_313 : memref<1x10240x64xf32, #tpu.memory_space<hbm>> -> memref<10240x64xf32, #tpu.memory_space<hbm>>
      %dma_start3A_315 = arith.constant 0 : i32
      %dma_start3A_316 = arith.constant 0 : i32
      %dma_start3A_317 = tpu.memref_slice %dma_start3A_314[%dma_start3A_315, %dma_start3A_316] : memref<10240x64xf32, #tpu.memory_space<hbm>> -> memref<10240x64xf32, #tpu.memory_space<hbm>>
      tpu.enqueue_indirect_dma source(%dma_start3A_317 : memref<10240x64xf32, #tpu.memory_space<hbm>>) target(%arg13 : memref<64x64xf32, #tpu.memory_space<vmem>>) offsets(%dma_start3A_310 : memref<64xi32, #tpu.memory_space<vmem>>) semaphore(%arg21 : memref<!tpu.dma_semaphore, #tpu.memory_space<semaphore_mem>>)
      %mul3A_318 = arith.constant 8 : i32
      %mul3A_319 = arith.muli %scan3A_188, %mul3A_318 : i32
      %add3A_320 = arith.constant 5 : i32
      %add3A_321 = arith.addi %mul3A_319, %add3A_320 : i32
      %dma_wait3A_322 = arith.constant 0 : i32
      %dma_wait3A_323 = tpu.memref_slice %arg7[%add3A_321, %dma_wait3A_322] : memref<320x64xi32, #tpu.memory_space<vmem>> -> memref<1x64xi32, #tpu.memory_space<vmem>>
      %dma_wait3A_324 = tpu.memref_squeeze %dma_wait3A_323 : memref<1x64xi32, #tpu.memory_space<vmem>> -> memref<64xi32, #tpu.memory_space<vmem>>
      %dma_wait3A_325 = arith.constant 0 : i32
      %dma_wait3A_326 = arith.constant 0 : i32
      %dma_wait3A_327 = tpu.memref_slice %arg2[%arg0, %dma_wait3A_325, %dma_wait3A_326] : memref<2x10240x64xf32, #tpu.memory_space<hbm>> -> memref<1x10240x64xf32, #tpu.memory_space<hbm>>
      %dma_wait3A_328 = tpu.memref_squeeze %dma_wait3A_327 : memref<1x10240x64xf32, #tpu.memory_space<hbm>> -> memref<10240x64xf32, #tpu.memory_space<hbm>>
      %dma_wait3A_329 = arith.constant 0 : i32
      %dma_wait3A_330 = arith.constant 0 : i32
      %dma_wait3A_331 = tpu.memref_slice %dma_wait3A_328[%dma_wait3A_329, %dma_wait3A_330] : memref<10240x64xf32, #tpu.memory_space<hbm>> -> memref<10240x64xf32, #tpu.memory_space<hbm>>
      tpu.wait_indirect_dma semaphore(%arg22 : memref<!tpu.dma_semaphore, #tpu.memory_space<semaphore_mem>>) src(%dma_wait3A_331 : memref<10240x64xf32, #tpu.memory_space<hbm>>) dst(%arg14 : memref<64x64xf32, #tpu.memory_space<vmem>>)
      "tpu.region"() ({
        %run_scoped3A_396 = tpu.sem_alloc : memref<!tpu.dma_semaphore, #tpu.memory_space<semaphore_mem>>
        %dma_start3A_397 = arith.constant 0 : i32
        %dma_start3A_398 = tpu.memref_slice %arg8[%add3A_321, %dma_start3A_397] : memref<320x64xi32, #tpu.memory_space<vmem>> -> memref<1x64xi32, #tpu.memory_space<vmem>>
        %dma_start3A_399 = tpu.memref_squeeze %dma_start3A_398 : memref<1x64xi32, #tpu.memory_space<vmem>> -> memref<64xi32, #tpu.memory_space<vmem>>
        %dma_start3A_400 = arith.constant 0 : i32
        %dma_start3A_401 = arith.constant 0 : i32
        %dma_start3A_402 = tpu.memref_slice %arg25[%dma_start3A_400, %dma_start3A_401] : memref<10240x64xf32, #tpu.memory_space<vmem_shared>> -> memref<10240x64xf32, #tpu.memory_space<vmem_shared>>
        tpu.enqueue_indirect_dma source(%arg14 : memref<64x64xf32, #tpu.memory_space<vmem>>) target(%dma_start3A_402 : memref<10240x64xf32, #tpu.memory_space<vmem_shared>>) offsets(%dma_start3A_399 : memref<64xi32, #tpu.memory_space<vmem>>) semaphore(%run_scoped3A_396 : memref<!tpu.dma_semaphore, #tpu.memory_space<semaphore_mem>>) {add = true}
        %dma_wait3A_403 = arith.constant 0 : i32
        %dma_wait3A_404 = tpu.memref_slice %arg8[%add3A_321, %dma_wait3A_403] : memref<320x64xi32, #tpu.memory_space<vmem>> -> memref<1x64xi32, #tpu.memory_space<vmem>>
        %dma_wait3A_405 = tpu.memref_squeeze %dma_wait3A_404 : memref<1x64xi32, #tpu.memory_space<vmem>> -> memref<64xi32, #tpu.memory_space<vmem>>
        %dma_wait3A_406 = arith.constant 0 : i32
        %dma_wait3A_407 = arith.constant 0 : i32
        %dma_wait3A_408 = tpu.memref_slice %arg25[%dma_wait3A_406, %dma_wait3A_407] : memref<10240x64xf32, #tpu.memory_space<vmem_shared>> -> memref<10240x64xf32, #tpu.memory_space<vmem_shared>>
        tpu.wait_indirect_dma semaphore(%run_scoped3A_396 : memref<!tpu.dma_semaphore, #tpu.memory_space<semaphore_mem>>) src(%arg14 : memref<64x64xf32, #tpu.memory_space<vmem>>) dst(%dma_wait3A_408 : memref<10240x64xf32, #tpu.memory_space<vmem_shared>>)
        tpu.yield
      }) : () -> ()
      %add3A_332 = arith.constant 8 : i32
      %add3A_333 = arith.addi %add3A_321, %add3A_332 : i32
      %dma_start3A_334 = arith.constant 0 : i32
      %dma_start3A_335 = tpu.memref_slice %arg7[%add3A_333, %dma_start3A_334] : memref<320x64xi32, #tpu.memory_space<vmem>> -> memref<1x64xi32, #tpu.memory_space<vmem>>
      %dma_start3A_336 = tpu.memref_squeeze %dma_start3A_335 : memref<1x64xi32, #tpu.memory_space<vmem>> -> memref<64xi32, #tpu.memory_space<vmem>>
      %dma_start3A_337 = arith.constant 0 : i32
      %dma_start3A_338 = arith.constant 0 : i32
      %dma_start3A_339 = tpu.memref_slice %arg2[%arg0, %dma_start3A_337, %dma_start3A_338] : memref<2x10240x64xf32, #tpu.memory_space<hbm>> -> memref<1x10240x64xf32, #tpu.memory_space<hbm>>
      %dma_start3A_340 = tpu.memref_squeeze %dma_start3A_339 : memref<1x10240x64xf32, #tpu.memory_space<hbm>> -> memref<10240x64xf32, #tpu.memory_space<hbm>>
      %dma_start3A_341 = arith.constant 0 : i32
      %dma_start3A_342 = arith.constant 0 : i32
      %dma_start3A_343 = tpu.memref_slice %dma_start3A_340[%dma_start3A_341, %dma_start3A_342] : memref<10240x64xf32, #tpu.memory_space<hbm>> -> memref<10240x64xf32, #tpu.memory_space<hbm>>
      tpu.enqueue_indirect_dma source(%dma_start3A_343 : memref<10240x64xf32, #tpu.memory_space<hbm>>) target(%arg14 : memref<64x64xf32, #tpu.memory_space<vmem>>) offsets(%dma_start3A_336 : memref<64xi32, #tpu.memory_space<vmem>>) semaphore(%arg22 : memref<!tpu.dma_semaphore, #tpu.memory_space<semaphore_mem>>)
      %mul3A_344 = arith.constant 8 : i32
      %mul3A_345 = arith.muli %scan3A_188, %mul3A_344 : i32
      %add3A_346 = arith.constant 6 : i32
      %add3A_347 = arith.addi %mul3A_345, %add3A_346 : i32
      %dma_wait3A_348 = arith.constant 0 : i32
      %dma_wait3A_349 = tpu.memref_slice %arg7[%add3A_347, %dma_wait3A_348] : memref<320x64xi32, #tpu.memory_space<vmem>> -> memref<1x64xi32, #tpu.memory_space<vmem>>
      %dma_wait3A_350 = tpu.memref_squeeze %dma_wait3A_349 : memref<1x64xi32, #tpu.memory_space<vmem>> -> memref<64xi32, #tpu.memory_space<vmem>>
      %dma_wait3A_351 = arith.constant 0 : i32
      %dma_wait3A_352 = arith.constant 0 : i32
      %dma_wait3A_353 = tpu.memref_slice %arg2[%arg0, %dma_wait3A_351, %dma_wait3A_352] : memref<2x10240x64xf32, #tpu.memory_space<hbm>> -> memref<1x10240x64xf32, #tpu.memory_space<hbm>>
      %dma_wait3A_354 = tpu.memref_squeeze %dma_wait3A_353 : memref<1x10240x64xf32, #tpu.memory_space<hbm>> -> memref<10240x64xf32, #tpu.memory_space<hbm>>
      %dma_wait3A_355 = arith.constant 0 : i32
      %dma_wait3A_356 = arith.constant 0 : i32
      %dma_wait3A_357 = tpu.memref_slice %dma_wait3A_354[%dma_wait3A_355, %dma_wait3A_356] : memref<10240x64xf32, #tpu.memory_space<hbm>> -> memref<10240x64xf32, #tpu.memory_space<hbm>>
      tpu.wait_indirect_dma semaphore(%arg23 : memref<!tpu.dma_semaphore, #tpu.memory_space<semaphore_mem>>) src(%dma_wait3A_357 : memref<10240x64xf32, #tpu.memory_space<hbm>>) dst(%arg15 : memref<64x64xf32, #tpu.memory_space<vmem>>)
      "tpu.region"() ({
        %run_scoped3A_396 = tpu.sem_alloc : memref<!tpu.dma_semaphore, #tpu.memory_space<semaphore_mem>>
        %dma_start3A_397 = arith.constant 0 : i32
        %dma_start3A_398 = tpu.memref_slice %arg8[%add3A_347, %dma_start3A_397] : memref<320x64xi32, #tpu.memory_space<vmem>> -> memref<1x64xi32, #tpu.memory_space<vmem>>
        %dma_start3A_399 = tpu.memref_squeeze %dma_start3A_398 : memref<1x64xi32, #tpu.memory_space<vmem>> -> memref<64xi32, #tpu.memory_space<vmem>>
        %dma_start3A_400 = arith.constant 0 : i32
        %dma_start3A_401 = arith.constant 0 : i32
        %dma_start3A_402 = tpu.memref_slice %arg25[%dma_start3A_400, %dma_start3A_401] : memref<10240x64xf32, #tpu.memory_space<vmem_shared>> -> memref<10240x64xf32, #tpu.memory_space<vmem_shared>>
        tpu.enqueue_indirect_dma source(%arg15 : memref<64x64xf32, #tpu.memory_space<vmem>>) target(%dma_start3A_402 : memref<10240x64xf32, #tpu.memory_space<vmem_shared>>) offsets(%dma_start3A_399 : memref<64xi32, #tpu.memory_space<vmem>>) semaphore(%run_scoped3A_396 : memref<!tpu.dma_semaphore, #tpu.memory_space<semaphore_mem>>) {add = true}
        %dma_wait3A_403 = arith.constant 0 : i32
        %dma_wait3A_404 = tpu.memref_slice %arg8[%add3A_347, %dma_wait3A_403] : memref<320x64xi32, #tpu.memory_space<vmem>> -> memref<1x64xi32, #tpu.memory_space<vmem>>
        %dma_wait3A_405 = tpu.memref_squeeze %dma_wait3A_404 : memref<1x64xi32, #tpu.memory_space<vmem>> -> memref<64xi32, #tpu.memory_space<vmem>>
        %dma_wait3A_406 = arith.constant 0 : i32
        %dma_wait3A_407 = arith.constant 0 : i32
        %dma_wait3A_408 = tpu.memref_slice %arg25[%dma_wait3A_406, %dma_wait3A_407] : memref<10240x64xf32, #tpu.memory_space<vmem_shared>> -> memref<10240x64xf32, #tpu.memory_space<vmem_shared>>
        tpu.wait_indirect_dma semaphore(%run_scoped3A_396 : memref<!tpu.dma_semaphore, #tpu.memory_space<semaphore_mem>>) src(%arg15 : memref<64x64xf32, #tpu.memory_space<vmem>>) dst(%dma_wait3A_408 : memref<10240x64xf32, #tpu.memory_space<vmem_shared>>)
        tpu.yield
      }) : () -> ()
      %add3A_358 = arith.constant 8 : i32
      %add3A_359 = arith.addi %add3A_347, %add3A_358 : i32
      %dma_start3A_360 = arith.constant 0 : i32
      %dma_start3A_361 = tpu.memref_slice %arg7[%add3A_359, %dma_start3A_360] : memref<320x64xi32, #tpu.memory_space<vmem>> -> memref<1x64xi32, #tpu.memory_space<vmem>>
      %dma_start3A_362 = tpu.memref_squeeze %dma_start3A_361 : memref<1x64xi32, #tpu.memory_space<vmem>> -> memref<64xi32, #tpu.memory_space<vmem>>
      %dma_start3A_363 = arith.constant 0 : i32
      %dma_start3A_364 = arith.constant 0 : i32
      %dma_start3A_365 = tpu.memref_slice %arg2[%arg0, %dma_start3A_363, %dma_start3A_364] : memref<2x10240x64xf32, #tpu.memory_space<hbm>> -> memref<1x10240x64xf32, #tpu.memory_space<hbm>>
      %dma_start3A_366 = tpu.memref_squeeze %dma_start3A_365 : memref<1x10240x64xf32, #tpu.memory_space<hbm>> -> memref<10240x64xf32, #tpu.memory_space<hbm>>
      %dma_start3A_367 = arith.constant 0 : i32
      %dma_start3A_368 = arith.constant 0 : i32
      %dma_start3A_369 = tpu.memref_slice %dma_start3A_366[%dma_start3A_367, %dma_start3A_368] : memref<10240x64xf32, #tpu.memory_space<hbm>> -> memref<10240x64xf32, #tpu.memory_space<hbm>>
      tpu.enqueue_indirect_dma source(%dma_start3A_369 : memref<10240x64xf32, #tpu.memory_space<hbm>>) target(%arg15 : memref<64x64xf32, #tpu.memory_space<vmem>>) offsets(%dma_start3A_362 : memref<64xi32, #tpu.memory_space<vmem>>) semaphore(%arg23 : memref<!tpu.dma_semaphore, #tpu.memory_space<semaphore_mem>>)
      %mul3A_370 = arith.constant 8 : i32
      %mul3A_371 = arith.muli %scan3A_188, %mul3A_370 : i32
      %add3A_372 = arith.constant 7 : i32
      %add3A_373 = arith.addi %mul3A_371, %add3A_372 : i32
      %dma_wait3A_374 = arith.constant 0 : i32
      %dma_wait3A_375 = tpu.memref_slice %arg7[%add3A_373, %dma_wait3A_374] : memref<320x64xi32, #tpu.memory_space<vmem>> -> memref<1x64xi32, #tpu.memory_space<vmem>>
      %dma_wait3A_376 = tpu.memref_squeeze %dma_wait3A_375 : memref<1x64xi32, #tpu.memory_space<vmem>> -> memref<64xi32, #tpu.memory_space<vmem>>
      %dma_wait3A_377 = arith.constant 0 : i32
      %dma_wait3A_378 = arith.constant 0 : i32
      %dma_wait3A_379 = tpu.memref_slice %arg2[%arg0, %dma_wait3A_377, %dma_wait3A_378] : memref<2x10240x64xf32, #tpu.memory_space<hbm>> -> memref<1x10240x64xf32, #tpu.memory_space<hbm>>
      %dma_wait3A_380 = tpu.memref_squeeze %dma_wait3A_379 : memref<1x10240x64xf32, #tpu.memory_space<hbm>> -> memref<10240x64xf32, #tpu.memory_space<hbm>>
      %dma_wait3A_381 = arith.constant 0 : i32
      %dma_wait3A_382 = arith.constant 0 : i32
      %dma_wait3A_383 = tpu.memref_slice %dma_wait3A_380[%dma_wait3A_381, %dma_wait3A_382] : memref<10240x64xf32, #tpu.memory_space<hbm>> -> memref<10240x64xf32, #tpu.memory_space<hbm>>
      tpu.wait_indirect_dma semaphore(%arg24 : memref<!tpu.dma_semaphore, #tpu.memory_space<semaphore_mem>>) src(%dma_wait3A_383 : memref<10240x64xf32, #tpu.memory_space<hbm>>) dst(%arg16 : memref<64x64xf32, #tpu.memory_space<vmem>>)
      "tpu.region"() ({
        %run_scoped3A_396 = tpu.sem_alloc : memref<!tpu.dma_semaphore, #tpu.memory_space<semaphore_mem>>
        %dma_start3A_397 = arith.constant 0 : i32
        %dma_start3A_398 = tpu.memref_slice %arg8[%add3A_373, %dma_start3A_397] : memref<320x64xi32, #tpu.memory_space<vmem>> -> memref<1x64xi32, #tpu.memory_space<vmem>>
        %dma_start3A_399 = tpu.memref_squeeze %dma_start3A_398 : memref<1x64xi32, #tpu.memory_space<vmem>> -> memref<64xi32, #tpu.memory_space<vmem>>
        %dma_start3A_400 = arith.constant 0 : i32
        %dma_start3A_401 = arith.constant 0 : i32
        %dma_start3A_402 = tpu.memref_slice %arg25[%dma_start3A_400, %dma_start3A_401] : memref<10240x64xf32, #tpu.memory_space<vmem_shared>> -> memref<10240x64xf32, #tpu.memory_space<vmem_shared>>
        tpu.enqueue_indirect_dma source(%arg16 : memref<64x64xf32, #tpu.memory_space<vmem>>) target(%dma_start3A_402 : memref<10240x64xf32, #tpu.memory_space<vmem_shared>>) offsets(%dma_start3A_399 : memref<64xi32, #tpu.memory_space<vmem>>) semaphore(%run_scoped3A_396 : memref<!tpu.dma_semaphore, #tpu.memory_space<semaphore_mem>>) {add = true}
        %dma_wait3A_403 = arith.constant 0 : i32
        %dma_wait3A_404 = tpu.memref_slice %arg8[%add3A_373, %dma_wait3A_403] : memref<320x64xi32, #tpu.memory_space<vmem>> -> memref<1x64xi32, #tpu.memory_space<vmem>>
        %dma_wait3A_405 = tpu.memref_squeeze %dma_wait3A_404 : memref<1x64xi32, #tpu.memory_space<vmem>> -> memref<64xi32, #tpu.memory_space<vmem>>
        %dma_wait3A_406 = arith.constant 0 : i32
        %dma_wait3A_407 = arith.constant 0 : i32
        %dma_wait3A_408 = tpu.memref_slice %arg25[%dma_wait3A_406, %dma_wait3A_407] : memref<10240x64xf32, #tpu.memory_space<vmem_shared>> -> memref<10240x64xf32, #tpu.memory_space<vmem_shared>>
        tpu.wait_indirect_dma semaphore(%run_scoped3A_396 : memref<!tpu.dma_semaphore, #tpu.memory_space<semaphore_mem>>) src(%arg16 : memref<64x64xf32, #tpu.memory_space<vmem>>) dst(%dma_wait3A_408 : memref<10240x64xf32, #tpu.memory_space<vmem_shared>>)
        tpu.yield
      }) : () -> ()
      %add3A_384 = arith.constant 8 : i32
      %add3A_385 = arith.addi %add3A_373, %add3A_384 : i32
      %dma_start3A_386 = arith.constant 0 : i32
      %dma_start3A_387 = tpu.memref_slice %arg7[%add3A_385, %dma_start3A_386] : memref<320x64xi32, #tpu.memory_space<vmem>> -> memref<1x64xi32, #tpu.memory_space<vmem>>
      %dma_start3A_388 = tpu.memref_squeeze %dma_start3A_387 : memref<1x64xi32, #tpu.memory_space<vmem>> -> memref<64xi32, #tpu.memory_space<vmem>>
      %dma_start3A_389 = arith.constant 0 : i32
      %dma_start3A_390 = arith.constant 0 : i32
      %dma_start3A_391 = tpu.memref_slice %arg2[%arg0, %dma_start3A_389, %dma_start3A_390] : memref<2x10240x64xf32, #tpu.memory_space<hbm>> -> memref<1x10240x64xf32, #tpu.memory_space<hbm>>
      %dma_start3A_392 = tpu.memref_squeeze %dma_start3A_391 : memref<1x10240x64xf32, #tpu.memory_space<hbm>> -> memref<10240x64xf32, #tpu.memory_space<hbm>>
      %dma_start3A_393 = arith.constant 0 : i32
      %dma_start3A_394 = arith.constant 0 : i32
      %dma_start3A_395 = tpu.memref_slice %dma_start3A_392[%dma_start3A_393, %dma_start3A_394] : memref<10240x64xf32, #tpu.memory_space<hbm>> -> memref<10240x64xf32, #tpu.memory_space<hbm>>
      tpu.enqueue_indirect_dma source(%dma_start3A_395 : memref<10240x64xf32, #tpu.memory_space<hbm>>) target(%arg16 : memref<64x64xf32, #tpu.memory_space<vmem>>) offsets(%dma_start3A_388 : memref<64xi32, #tpu.memory_space<vmem>>) semaphore(%arg24 : memref<!tpu.dma_semaphore, #tpu.memory_space<semaphore_mem>>)
    }
    %scan3A_92 = arith.constant 39 : i32
    %dma_wait3A = arith.constant 312 : i32
    %dma_wait3A_93 = arith.constant 0 : i32
    %dma_wait3A_94 = tpu.memref_slice %arg7[%dma_wait3A, %dma_wait3A_93] : memref<320x64xi32, #tpu.memory_space<vmem>> -> memref<1x64xi32, #tpu.memory_space<vmem>>
    %dma_wait3A_95 = tpu.memref_squeeze %dma_wait3A_94 : memref<1x64xi32, #tpu.memory_space<vmem>> -> memref<64xi32, #tpu.memory_space<vmem>>
    %dma_wait3A_96 = arith.constant 0 : i32
    %dma_wait3A_97 = arith.constant 0 : i32
    %dma_wait3A_98 = tpu.memref_slice %arg2[%arg0, %dma_wait3A_96, %dma_wait3A_97] : memref<2x10240x64xf32, #tpu.memory_space<hbm>> -> memref<1x10240x64xf32, #tpu.memory_space<hbm>>
    %dma_wait3A_99 = tpu.memref_squeeze %dma_wait3A_98 : memref<1x10240x64xf32, #tpu.memory_space<hbm>> -> memref<10240x64xf32, #tpu.memory_space<hbm>>
    %dma_wait3A_100 = arith.constant 0 : i32
    %dma_wait3A_101 = arith.constant 0 : i32
    %dma_wait3A_102 = tpu.memref_slice %dma_wait3A_99[%dma_wait3A_100, %dma_wait3A_101] : memref<10240x64xf32, #tpu.memory_space<hbm>> -> memref<10240x64xf32, #tpu.memory_space<hbm>>
    tpu.wait_indirect_dma semaphore(%arg17 : memref<!tpu.dma_semaphore, #tpu.memory_space<semaphore_mem>>) src(%dma_wait3A_102 : memref<10240x64xf32, #tpu.memory_space<hbm>>) dst(%arg9 : memref<64x64xf32, #tpu.memory_space<vmem>>)
    %run_scoped3A = arith.constant 312 : i32
    "tpu.region"() ({
      %run_scoped3A_188 = tpu.sem_alloc : memref<!tpu.dma_semaphore, #tpu.memory_space<semaphore_mem>>
      %dma_start3A_189 = arith.constant 0 : i32
      %dma_start3A_190 = tpu.memref_slice %arg8[%run_scoped3A, %dma_start3A_189] : memref<320x64xi32, #tpu.memory_space<vmem>> -> memref<1x64xi32, #tpu.memory_space<vmem>>
      %dma_start3A_191 = tpu.memref_squeeze %dma_start3A_190 : memref<1x64xi32, #tpu.memory_space<vmem>> -> memref<64xi32, #tpu.memory_space<vmem>>
      %dma_start3A_192 = arith.constant 0 : i32
      %dma_start3A_193 = arith.constant 0 : i32
      %dma_start3A_194 = tpu.memref_slice %arg25[%dma_start3A_192, %dma_start3A_193] : memref<10240x64xf32, #tpu.memory_space<vmem_shared>> -> memref<10240x64xf32, #tpu.memory_space<vmem_shared>>
      tpu.enqueue_indirect_dma source(%arg9 : memref<64x64xf32, #tpu.memory_space<vmem>>) target(%dma_start3A_194 : memref<10240x64xf32, #tpu.memory_space<vmem_shared>>) offsets(%dma_start3A_191 : memref<64xi32, #tpu.memory_space<vmem>>) semaphore(%run_scoped3A_188 : memref<!tpu.dma_semaphore, #tpu.memory_space<semaphore_mem>>) {add = true}
      %dma_wait3A_195 = arith.constant 0 : i32
      %dma_wait3A_196 = tpu.memref_slice %arg8[%run_scoped3A, %dma_wait3A_195] : memref<320x64xi32, #tpu.memory_space<vmem>> -> memref<1x64xi32, #tpu.memory_space<vmem>>
      %dma_wait3A_197 = tpu.memref_squeeze %dma_wait3A_196 : memref<1x64xi32, #tpu.memory_space<vmem>> -> memref<64xi32, #tpu.memory_space<vmem>>
      %dma_wait3A_198 = arith.constant 0 : i32
      %dma_wait3A_199 = arith.constant 0 : i32
      %dma_wait3A_200 = tpu.memref_slice %arg25[%dma_wait3A_198, %dma_wait3A_199] : memref<10240x64xf32, #tpu.memory_space<vmem_shared>> -> memref<10240x64xf32, #tpu.memory_space<vmem_shared>>
      tpu.wait_indirect_dma semaphore(%run_scoped3A_188 : memref<!tpu.dma_semaphore, #tpu.memory_space<semaphore_mem>>) src(%arg9 : memref<64x64xf32, #tpu.memory_space<vmem>>) dst(%dma_wait3A_200 : memref<10240x64xf32, #tpu.memory_space<vmem_shared>>)
      tpu.yield
    }) : () -> ()
    %dma_wait3A_103 = arith.constant 313 : i32
    %dma_wait3A_104 = arith.constant 0 : i32
    %dma_wait3A_105 = tpu.memref_slice %arg7[%dma_wait3A_103, %dma_wait3A_104] : memref<320x64xi32, #tpu.memory_space<vmem>> -> memref<1x64xi32, #tpu.memory_space<vmem>>
    %dma_wait3A_106 = tpu.memref_squeeze %dma_wait3A_105 : memref<1x64xi32, #tpu.memory_space<vmem>> -> memref<64xi32, #tpu.memory_space<vmem>>
    %dma_wait3A_107 = arith.constant 0 : i32
    %dma_wait3A_108 = arith.constant 0 : i32
    %dma_wait3A_109 = tpu.memref_slice %arg2[%arg0, %dma_wait3A_107, %dma_wait3A_108] : memref<2x10240x64xf32, #tpu.memory_space<hbm>> -> memref<1x10240x64xf32, #tpu.memory_space<hbm>>
    %dma_wait3A_110 = tpu.memref_squeeze %dma_wait3A_109 : memref<1x10240x64xf32, #tpu.memory_space<hbm>> -> memref<10240x64xf32, #tpu.memory_space<hbm>>
    %dma_wait3A_111 = arith.constant 0 : i32
    %dma_wait3A_112 = arith.constant 0 : i32
    %dma_wait3A_113 = tpu.memref_slice %dma_wait3A_110[%dma_wait3A_111, %dma_wait3A_112] : memref<10240x64xf32, #tpu.memory_space<hbm>> -> memref<10240x64xf32, #tpu.memory_space<hbm>>
    tpu.wait_indirect_dma semaphore(%arg18 : memref<!tpu.dma_semaphore, #tpu.memory_space<semaphore_mem>>) src(%dma_wait3A_113 : memref<10240x64xf32, #tpu.memory_space<hbm>>) dst(%arg10 : memref<64x64xf32, #tpu.memory_space<vmem>>)
    %run_scoped3A_114 = arith.constant 313 : i32
    "tpu.region"() ({
      %run_scoped3A_188 = tpu.sem_alloc : memref<!tpu.dma_semaphore, #tpu.memory_space<semaphore_mem>>
      %dma_start3A_189 = arith.constant 0 : i32
      %dma_start3A_190 = tpu.memref_slice %arg8[%run_scoped3A_114, %dma_start3A_189] : memref<320x64xi32, #tpu.memory_space<vmem>> -> memref<1x64xi32, #tpu.memory_space<vmem>>
      %dma_start3A_191 = tpu.memref_squeeze %dma_start3A_190 : memref<1x64xi32, #tpu.memory_space<vmem>> -> memref<64xi32, #tpu.memory_space<vmem>>
      %dma_start3A_192 = arith.constant 0 : i32
      %dma_start3A_193 = arith.constant 0 : i32
      %dma_start3A_194 = tpu.memref_slice %arg25[%dma_start3A_192, %dma_start3A_193] : memref<10240x64xf32, #tpu.memory_space<vmem_shared>> -> memref<10240x64xf32, #tpu.memory_space<vmem_shared>>
      tpu.enqueue_indirect_dma source(%arg10 : memref<64x64xf32, #tpu.memory_space<vmem>>) target(%dma_start3A_194 : memref<10240x64xf32, #tpu.memory_space<vmem_shared>>) offsets(%dma_start3A_191 : memref<64xi32, #tpu.memory_space<vmem>>) semaphore(%run_scoped3A_188 : memref<!tpu.dma_semaphore, #tpu.memory_space<semaphore_mem>>) {add = true}
      %dma_wait3A_195 = arith.constant 0 : i32
      %dma_wait3A_196 = tpu.memref_slice %arg8[%run_scoped3A_114, %dma_wait3A_195] : memref<320x64xi32, #tpu.memory_space<vmem>> -> memref<1x64xi32, #tpu.memory_space<vmem>>
      %dma_wait3A_197 = tpu.memref_squeeze %dma_wait3A_196 : memref<1x64xi32, #tpu.memory_space<vmem>> -> memref<64xi32, #tpu.memory_space<vmem>>
      %dma_wait3A_198 = arith.constant 0 : i32
      %dma_wait3A_199 = arith.constant 0 : i32
      %dma_wait3A_200 = tpu.memref_slice %arg25[%dma_wait3A_198, %dma_wait3A_199] : memref<10240x64xf32, #tpu.memory_space<vmem_shared>> -> memref<10240x64xf32, #tpu.memory_space<vmem_shared>>
      tpu.wait_indirect_dma semaphore(%run_scoped3A_188 : memref<!tpu.dma_semaphore, #tpu.memory_space<semaphore_mem>>) src(%arg10 : memref<64x64xf32, #tpu.memory_space<vmem>>) dst(%dma_wait3A_200 : memref<10240x64xf32, #tpu.memory_space<vmem_shared>>)
      tpu.yield
    }) : () -> ()
    %dma_wait3A_115 = arith.constant 314 : i32
    %dma_wait3A_116 = arith.constant 0 : i32
    %dma_wait3A_117 = tpu.memref_slice %arg7[%dma_wait3A_115, %dma_wait3A_116] : memref<320x64xi32, #tpu.memory_space<vmem>> -> memref<1x64xi32, #tpu.memory_space<vmem>>
    %dma_wait3A_118 = tpu.memref_squeeze %dma_wait3A_117 : memref<1x64xi32, #tpu.memory_space<vmem>> -> memref<64xi32, #tpu.memory_space<vmem>>
    %dma_wait3A_119 = arith.constant 0 : i32
    %dma_wait3A_120 = arith.constant 0 : i32
    %dma_wait3A_121 = tpu.memref_slice %arg2[%arg0, %dma_wait3A_119, %dma_wait3A_120] : memref<2x10240x64xf32, #tpu.memory_space<hbm>> -> memref<1x10240x64xf32, #tpu.memory_space<hbm>>
    %dma_wait3A_122 = tpu.memref_squeeze %dma_wait3A_121 : memref<1x10240x64xf32, #tpu.memory_space<hbm>> -> memref<10240x64xf32, #tpu.memory_space<hbm>>
    %dma_wait3A_123 = arith.constant 0 : i32
    %dma_wait3A_124 = arith.constant 0 : i32
    %dma_wait3A_125 = tpu.memref_slice %dma_wait3A_122[%dma_wait3A_123, %dma_wait3A_124] : memref<10240x64xf32, #tpu.memory_space<hbm>> -> memref<10240x64xf32, #tpu.memory_space<hbm>>
    tpu.wait_indirect_dma semaphore(%arg19 : memref<!tpu.dma_semaphore, #tpu.memory_space<semaphore_mem>>) src(%dma_wait3A_125 : memref<10240x64xf32, #tpu.memory_space<hbm>>) dst(%arg11 : memref<64x64xf32, #tpu.memory_space<vmem>>)
    %run_scoped3A_126 = arith.constant 314 : i32
    "tpu.region"() ({
      %run_scoped3A_188 = tpu.sem_alloc : memref<!tpu.dma_semaphore, #tpu.memory_space<semaphore_mem>>
      %dma_start3A_189 = arith.constant 0 : i32
      %dma_start3A_190 = tpu.memref_slice %arg8[%run_scoped3A_126, %dma_start3A_189] : memref<320x64xi32, #tpu.memory_space<vmem>> -> memref<1x64xi32, #tpu.memory_space<vmem>>
      %dma_start3A_191 = tpu.memref_squeeze %dma_start3A_190 : memref<1x64xi32, #tpu.memory_space<vmem>> -> memref<64xi32, #tpu.memory_space<vmem>>
      %dma_start3A_192 = arith.constant 0 : i32
      %dma_start3A_193 = arith.constant 0 : i32
      %dma_start3A_194 = tpu.memref_slice %arg25[%dma_start3A_192, %dma_start3A_193] : memref<10240x64xf32, #tpu.memory_space<vmem_shared>> -> memref<10240x64xf32, #tpu.memory_space<vmem_shared>>
      tpu.enqueue_indirect_dma source(%arg11 : memref<64x64xf32, #tpu.memory_space<vmem>>) target(%dma_start3A_194 : memref<10240x64xf32, #tpu.memory_space<vmem_shared>>) offsets(%dma_start3A_191 : memref<64xi32, #tpu.memory_space<vmem>>) semaphore(%run_scoped3A_188 : memref<!tpu.dma_semaphore, #tpu.memory_space<semaphore_mem>>) {add = true}
      %dma_wait3A_195 = arith.constant 0 : i32
      %dma_wait3A_196 = tpu.memref_slice %arg8[%run_scoped3A_126, %dma_wait3A_195] : memref<320x64xi32, #tpu.memory_space<vmem>> -> memref<1x64xi32, #tpu.memory_space<vmem>>
      %dma_wait3A_197 = tpu.memref_squeeze %dma_wait3A_196 : memref<1x64xi32, #tpu.memory_space<vmem>> -> memref<64xi32, #tpu.memory_space<vmem>>
      %dma_wait3A_198 = arith.constant 0 : i32
      %dma_wait3A_199 = arith.constant 0 : i32
      %dma_wait3A_200 = tpu.memref_slice %arg25[%dma_wait3A_198, %dma_wait3A_199] : memref<10240x64xf32, #tpu.memory_space<vmem_shared>> -> memref<10240x64xf32, #tpu.memory_space<vmem_shared>>
      tpu.wait_indirect_dma semaphore(%run_scoped3A_188 : memref<!tpu.dma_semaphore, #tpu.memory_space<semaphore_mem>>) src(%arg11 : memref<64x64xf32, #tpu.memory_space<vmem>>) dst(%dma_wait3A_200 : memref<10240x64xf32, #tpu.memory_space<vmem_shared>>)
      tpu.yield
    }) : () -> ()
    %dma_wait3A_127 = arith.constant 315 : i32
    %dma_wait3A_128 = arith.constant 0 : i32
    %dma_wait3A_129 = tpu.memref_slice %arg7[%dma_wait3A_127, %dma_wait3A_128] : memref<320x64xi32, #tpu.memory_space<vmem>> -> memref<1x64xi32, #tpu.memory_space<vmem>>
    %dma_wait3A_130 = tpu.memref_squeeze %dma_wait3A_129 : memref<1x64xi32, #tpu.memory_space<vmem>> -> memref<64xi32, #tpu.memory_space<vmem>>
    %dma_wait3A_131 = arith.constant 0 : i32
    %dma_wait3A_132 = arith.constant 0 : i32
    %dma_wait3A_133 = tpu.memref_slice %arg2[%arg0, %dma_wait3A_131, %dma_wait3A_132] : memref<2x10240x64xf32, #tpu.memory_space<hbm>> -> memref<1x10240x64xf32, #tpu.memory_space<hbm>>
    %dma_wait3A_134 = tpu.memref_squeeze %dma_wait3A_133 : memref<1x10240x64xf32, #tpu.memory_space<hbm>> -> memref<10240x64xf32, #tpu.memory_space<hbm>>
    %dma_wait3A_135 = arith.constant 0 : i32
    %dma_wait3A_136 = arith.constant 0 : i32
    %dma_wait3A_137 = tpu.memref_slice %dma_wait3A_134[%dma_wait3A_135, %dma_wait3A_136] : memref<10240x64xf32, #tpu.memory_space<hbm>> -> memref<10240x64xf32, #tpu.memory_space<hbm>>
    tpu.wait_indirect_dma semaphore(%arg20 : memref<!tpu.dma_semaphore, #tpu.memory_space<semaphore_mem>>) src(%dma_wait3A_137 : memref<10240x64xf32, #tpu.memory_space<hbm>>) dst(%arg12 : memref<64x64xf32, #tpu.memory_space<vmem>>)
    %run_scoped3A_138 = arith.constant 315 : i32
    "tpu.region"() ({
      %run_scoped3A_188 = tpu.sem_alloc : memref<!tpu.dma_semaphore, #tpu.memory_space<semaphore_mem>>
      %dma_start3A_189 = arith.constant 0 : i32
      %dma_start3A_190 = tpu.memref_slice %arg8[%run_scoped3A_138, %dma_start3A_189] : memref<320x64xi32, #tpu.memory_space<vmem>> -> memref<1x64xi32, #tpu.memory_space<vmem>>
      %dma_start3A_191 = tpu.memref_squeeze %dma_start3A_190 : memref<1x64xi32, #tpu.memory_space<vmem>> -> memref<64xi32, #tpu.memory_space<vmem>>
      %dma_start3A_192 = arith.constant 0 : i32
      %dma_start3A_193 = arith.constant 0 : i32
      %dma_start3A_194 = tpu.memref_slice %arg25[%dma_start3A_192, %dma_start3A_193] : memref<10240x64xf32, #tpu.memory_space<vmem_shared>> -> memref<10240x64xf32, #tpu.memory_space<vmem_shared>>
      tpu.enqueue_indirect_dma source(%arg12 : memref<64x64xf32, #tpu.memory_space<vmem>>) target(%dma_start3A_194 : memref<10240x64xf32, #tpu.memory_space<vmem_shared>>) offsets(%dma_start3A_191 : memref<64xi32, #tpu.memory_space<vmem>>) semaphore(%run_scoped3A_188 : memref<!tpu.dma_semaphore, #tpu.memory_space<semaphore_mem>>) {add = true}
      %dma_wait3A_195 = arith.constant 0 : i32
      %dma_wait3A_196 = tpu.memref_slice %arg8[%run_scoped3A_138, %dma_wait3A_195] : memref<320x64xi32, #tpu.memory_space<vmem>> -> memref<1x64xi32, #tpu.memory_space<vmem>>
      %dma_wait3A_197 = tpu.memref_squeeze %dma_wait3A_196 : memref<1x64xi32, #tpu.memory_space<vmem>> -> memref<64xi32, #tpu.memory_space<vmem>>
      %dma_wait3A_198 = arith.constant 0 : i32
      %dma_wait3A_199 = arith.constant 0 : i32
      %dma_wait3A_200 = tpu.memref_slice %arg25[%dma_wait3A_198, %dma_wait3A_199] : memref<10240x64xf32, #tpu.memory_space<vmem_shared>> -> memref<10240x64xf32, #tpu.memory_space<vmem_shared>>
      tpu.wait_indirect_dma semaphore(%run_scoped3A_188 : memref<!tpu.dma_semaphore, #tpu.memory_space<semaphore_mem>>) src(%arg12 : memref<64x64xf32, #tpu.memory_space<vmem>>) dst(%dma_wait3A_200 : memref<10240x64xf32, #tpu.memory_space<vmem_shared>>)
      tpu.yield
    }) : () -> ()
    %dma_wait3A_139 = arith.constant 316 : i32
    %dma_wait3A_140 = arith.constant 0 : i32
    %dma_wait3A_141 = tpu.memref_slice %arg7[%dma_wait3A_139, %dma_wait3A_140] : memref<320x64xi32, #tpu.memory_space<vmem>> -> memref<1x64xi32, #tpu.memory_space<vmem>>
    %dma_wait3A_142 = tpu.memref_squeeze %dma_wait3A_141 : memref<1x64xi32, #tpu.memory_space<vmem>> -> memref<64xi32, #tpu.memory_space<vmem>>
    %dma_wait3A_143 = arith.constant 0 : i32
    %dma_wait3A_144 = arith.constant 0 : i32
    %dma_wait3A_145 = tpu.memref_slice %arg2[%arg0, %dma_wait3A_143, %dma_wait3A_144] : memref<2x10240x64xf32, #tpu.memory_space<hbm>> -> memref<1x10240x64xf32, #tpu.memory_space<hbm>>
    %dma_wait3A_146 = tpu.memref_squeeze %dma_wait3A_145 : memref<1x10240x64xf32, #tpu.memory_space<hbm>> -> memref<10240x64xf32, #tpu.memory_space<hbm>>
    %dma_wait3A_147 = arith.constant 0 : i32
    %dma_wait3A_148 = arith.constant 0 : i32
    %dma_wait3A_149 = tpu.memref_slice %dma_wait3A_146[%dma_wait3A_147, %dma_wait3A_148] : memref<10240x64xf32, #tpu.memory_space<hbm>> -> memref<10240x64xf32, #tpu.memory_space<hbm>>
    tpu.wait_indirect_dma semaphore(%arg21 : memref<!tpu.dma_semaphore, #tpu.memory_space<semaphore_mem>>) src(%dma_wait3A_149 : memref<10240x64xf32, #tpu.memory_space<hbm>>) dst(%arg13 : memref<64x64xf32, #tpu.memory_space<vmem>>)
    %run_scoped3A_150 = arith.constant 316 : i32
    "tpu.region"() ({
      %run_scoped3A_188 = tpu.sem_alloc : memref<!tpu.dma_semaphore, #tpu.memory_space<semaphore_mem>>
      %dma_start3A_189 = arith.constant 0 : i32
      %dma_start3A_190 = tpu.memref_slice %arg8[%run_scoped3A_150, %dma_start3A_189] : memref<320x64xi32, #tpu.memory_space<vmem>> -> memref<1x64xi32, #tpu.memory_space<vmem>>
      %dma_start3A_191 = tpu.memref_squeeze %dma_start3A_190 : memref<1x64xi32, #tpu.memory_space<vmem>> -> memref<64xi32, #tpu.memory_space<vmem>>
      %dma_start3A_192 = arith.constant 0 : i32
      %dma_start3A_193 = arith.constant 0 : i32
      %dma_start3A_194 = tpu.memref_slice %arg25[%dma_start3A_192, %dma_start3A_193] : memref<10240x64xf32, #tpu.memory_space<vmem_shared>> -> memref<10240x64xf32, #tpu.memory_space<vmem_shared>>
      tpu.enqueue_indirect_dma source(%arg13 : memref<64x64xf32, #tpu.memory_space<vmem>>) target(%dma_start3A_194 : memref<10240x64xf32, #tpu.memory_space<vmem_shared>>) offsets(%dma_start3A_191 : memref<64xi32, #tpu.memory_space<vmem>>) semaphore(%run_scoped3A_188 : memref<!tpu.dma_semaphore, #tpu.memory_space<semaphore_mem>>) {add = true}
      %dma_wait3A_195 = arith.constant 0 : i32
      %dma_wait3A_196 = tpu.memref_slice %arg8[%run_scoped3A_150, %dma_wait3A_195] : memref<320x64xi32, #tpu.memory_space<vmem>> -> memref<1x64xi32, #tpu.memory_space<vmem>>
      %dma_wait3A_197 = tpu.memref_squeeze %dma_wait3A_196 : memref<1x64xi32, #tpu.memory_space<vmem>> -> memref<64xi32, #tpu.memory_space<vmem>>
      %dma_wait3A_198 = arith.constant 0 : i32
      %dma_wait3A_199 = arith.constant 0 : i32
      %dma_wait3A_200 = tpu.memref_slice %arg25[%dma_wait3A_198, %dma_wait3A_199] : memref<10240x64xf32, #tpu.memory_space<vmem_shared>> -> memref<10240x64xf32, #tpu.memory_space<vmem_shared>>
      tpu.wait_indirect_dma semaphore(%run_scoped3A_188 : memref<!tpu.dma_semaphore, #tpu.memory_space<semaphore_mem>>) src(%arg13 : memref<64x64xf32, #tpu.memory_space<vmem>>) dst(%dma_wait3A_200 : memref<10240x64xf32, #tpu.memory_space<vmem_shared>>)
      tpu.yield
    }) : () -> ()
    %dma_wait3A_151 = arith.constant 317 : i32
    %dma_wait3A_152 = arith.constant 0 : i32
    %dma_wait3A_153 = tpu.memref_slice %arg7[%dma_wait3A_151, %dma_wait3A_152] : memref<320x64xi32, #tpu.memory_space<vmem>> -> memref<1x64xi32, #tpu.memory_space<vmem>>
    %dma_wait3A_154 = tpu.memref_squeeze %dma_wait3A_153 : memref<1x64xi32, #tpu.memory_space<vmem>> -> memref<64xi32, #tpu.memory_space<vmem>>
    %dma_wait3A_155 = arith.constant 0 : i32
    %dma_wait3A_156 = arith.constant 0 : i32
    %dma_wait3A_157 = tpu.memref_slice %arg2[%arg0, %dma_wait3A_155, %dma_wait3A_156] : memref<2x10240x64xf32, #tpu.memory_space<hbm>> -> memref<1x10240x64xf32, #tpu.memory_space<hbm>>
    %dma_wait3A_158 = tpu.memref_squeeze %dma_wait3A_157 : memref<1x10240x64xf32, #tpu.memory_space<hbm>> -> memref<10240x64xf32, #tpu.memory_space<hbm>>
    %dma_wait3A_159 = arith.constant 0 : i32
    %dma_wait3A_160 = arith.constant 0 : i32
    %dma_wait3A_161 = tpu.memref_slice %dma_wait3A_158[%dma_wait3A_159, %dma_wait3A_160] : memref<10240x64xf32, #tpu.memory_space<hbm>> -> memref<10240x64xf32, #tpu.memory_space<hbm>>
    tpu.wait_indirect_dma semaphore(%arg22 : memref<!tpu.dma_semaphore, #tpu.memory_space<semaphore_mem>>) src(%dma_wait3A_161 : memref<10240x64xf32, #tpu.memory_space<hbm>>) dst(%arg14 : memref<64x64xf32, #tpu.memory_space<vmem>>)
    %run_scoped3A_162 = arith.constant 317 : i32
    "tpu.region"() ({
      %run_scoped3A_188 = tpu.sem_alloc : memref<!tpu.dma_semaphore, #tpu.memory_space<semaphore_mem>>
      %dma_start3A_189 = arith.constant 0 : i32
      %dma_start3A_190 = tpu.memref_slice %arg8[%run_scoped3A_162, %dma_start3A_189] : memref<320x64xi32, #tpu.memory_space<vmem>> -> memref<1x64xi32, #tpu.memory_space<vmem>>
      %dma_start3A_191 = tpu.memref_squeeze %dma_start3A_190 : memref<1x64xi32, #tpu.memory_space<vmem>> -> memref<64xi32, #tpu.memory_space<vmem>>
      %dma_start3A_192 = arith.constant 0 : i32
      %dma_start3A_193 = arith.constant 0 : i32
      %dma_start3A_194 = tpu.memref_slice %arg25[%dma_start3A_192, %dma_start3A_193] : memref<10240x64xf32, #tpu.memory_space<vmem_shared>> -> memref<10240x64xf32, #tpu.memory_space<vmem_shared>>
      tpu.enqueue_indirect_dma source(%arg14 : memref<64x64xf32, #tpu.memory_space<vmem>>) target(%dma_start3A_194 : memref<10240x64xf32, #tpu.memory_space<vmem_shared>>) offsets(%dma_start3A_191 : memref<64xi32, #tpu.memory_space<vmem>>) semaphore(%run_scoped3A_188 : memref<!tpu.dma_semaphore, #tpu.memory_space<semaphore_mem>>) {add = true}
      %dma_wait3A_195 = arith.constant 0 : i32
      %dma_wait3A_196 = tpu.memref_slice %arg8[%run_scoped3A_162, %dma_wait3A_195] : memref<320x64xi32, #tpu.memory_space<vmem>> -> memref<1x64xi32, #tpu.memory_space<vmem>>
      %dma_wait3A_197 = tpu.memref_squeeze %dma_wait3A_196 : memref<1x64xi32, #tpu.memory_space<vmem>> -> memref<64xi32, #tpu.memory_space<vmem>>
      %dma_wait3A_198 = arith.constant 0 : i32
      %dma_wait3A_199 = arith.constant 0 : i32
      %dma_wait3A_200 = tpu.memref_slice %arg25[%dma_wait3A_198, %dma_wait3A_199] : memref<10240x64xf32, #tpu.memory_space<vmem_shared>> -> memref<10240x64xf32, #tpu.memory_space<vmem_shared>>
      tpu.wait_indirect_dma semaphore(%run_scoped3A_188 : memref<!tpu.dma_semaphore, #tpu.memory_space<semaphore_mem>>) src(%arg14 : memref<64x64xf32, #tpu.memory_space<vmem>>) dst(%dma_wait3A_200 : memref<10240x64xf32, #tpu.memory_space<vmem_shared>>)
      tpu.yield
    }) : () -> ()
    %dma_wait3A_163 = arith.constant 318 : i32
    %dma_wait3A_164 = arith.constant 0 : i32
    %dma_wait3A_165 = tpu.memref_slice %arg7[%dma_wait3A_163, %dma_wait3A_164] : memref<320x64xi32, #tpu.memory_space<vmem>> -> memref<1x64xi32, #tpu.memory_space<vmem>>
    %dma_wait3A_166 = tpu.memref_squeeze %dma_wait3A_165 : memref<1x64xi32, #tpu.memory_space<vmem>> -> memref<64xi32, #tpu.memory_space<vmem>>
    %dma_wait3A_167 = arith.constant 0 : i32
    %dma_wait3A_168 = arith.constant 0 : i32
    %dma_wait3A_169 = tpu.memref_slice %arg2[%arg0, %dma_wait3A_167, %dma_wait3A_168] : memref<2x10240x64xf32, #tpu.memory_space<hbm>> -> memref<1x10240x64xf32, #tpu.memory_space<hbm>>
    %dma_wait3A_170 = tpu.memref_squeeze %dma_wait3A_169 : memref<1x10240x64xf32, #tpu.memory_space<hbm>> -> memref<10240x64xf32, #tpu.memory_space<hbm>>
    %dma_wait3A_171 = arith.constant 0 : i32
    %dma_wait3A_172 = arith.constant 0 : i32
    %dma_wait3A_173 = tpu.memref_slice %dma_wait3A_170[%dma_wait3A_171, %dma_wait3A_172] : memref<10240x64xf32, #tpu.memory_space<hbm>> -> memref<10240x64xf32, #tpu.memory_space<hbm>>
    tpu.wait_indirect_dma semaphore(%arg23 : memref<!tpu.dma_semaphore, #tpu.memory_space<semaphore_mem>>) src(%dma_wait3A_173 : memref<10240x64xf32, #tpu.memory_space<hbm>>) dst(%arg15 : memref<64x64xf32, #tpu.memory_space<vmem>>)
    %run_scoped3A_174 = arith.constant 318 : i32
    "tpu.region"() ({
      %run_scoped3A_188 = tpu.sem_alloc : memref<!tpu.dma_semaphore, #tpu.memory_space<semaphore_mem>>
      %dma_start3A_189 = arith.constant 0 : i32
      %dma_start3A_190 = tpu.memref_slice %arg8[%run_scoped3A_174, %dma_start3A_189] : memref<320x64xi32, #tpu.memory_space<vmem>> -> memref<1x64xi32, #tpu.memory_space<vmem>>
      %dma_start3A_191 = tpu.memref_squeeze %dma_start3A_190 : memref<1x64xi32, #tpu.memory_space<vmem>> -> memref<64xi32, #tpu.memory_space<vmem>>
      %dma_start3A_192 = arith.constant 0 : i32
      %dma_start3A_193 = arith.constant 0 : i32
      %dma_start3A_194 = tpu.memref_slice %arg25[%dma_start3A_192, %dma_start3A_193] : memref<10240x64xf32, #tpu.memory_space<vmem_shared>> -> memref<10240x64xf32, #tpu.memory_space<vmem_shared>>
      tpu.enqueue_indirect_dma source(%arg15 : memref<64x64xf32, #tpu.memory_space<vmem>>) target(%dma_start3A_194 : memref<10240x64xf32, #tpu.memory_space<vmem_shared>>) offsets(%dma_start3A_191 : memref<64xi32, #tpu.memory_space<vmem>>) semaphore(%run_scoped3A_188 : memref<!tpu.dma_semaphore, #tpu.memory_space<semaphore_mem>>) {add = true}
      %dma_wait3A_195 = arith.constant 0 : i32
      %dma_wait3A_196 = tpu.memref_slice %arg8[%run_scoped3A_174, %dma_wait3A_195] : memref<320x64xi32, #tpu.memory_space<vmem>> -> memref<1x64xi32, #tpu.memory_space<vmem>>
      %dma_wait3A_197 = tpu.memref_squeeze %dma_wait3A_196 : memref<1x64xi32, #tpu.memory_space<vmem>> -> memref<64xi32, #tpu.memory_space<vmem>>
      %dma_wait3A_198 = arith.constant 0 : i32
      %dma_wait3A_199 = arith.constant 0 : i32
      %dma_wait3A_200 = tpu.memref_slice %arg25[%dma_wait3A_198, %dma_wait3A_199] : memref<10240x64xf32, #tpu.memory_space<vmem_shared>> -> memref<10240x64xf32, #tpu.memory_space<vmem_shared>>
      tpu.wait_indirect_dma semaphore(%run_scoped3A_188 : memref<!tpu.dma_semaphore, #tpu.memory_space<semaphore_mem>>) src(%arg15 : memref<64x64xf32, #tpu.memory_space<vmem>>) dst(%dma_wait3A_200 : memref<10240x64xf32, #tpu.memory_space<vmem_shared>>)
      tpu.yield
    }) : () -> ()
    %dma_wait3A_175 = arith.constant 319 : i32
    %dma_wait3A_176 = arith.constant 0 : i32
    %dma_wait3A_177 = tpu.memref_slice %arg7[%dma_wait3A_175, %dma_wait3A_176] : memref<320x64xi32, #tpu.memory_space<vmem>> -> memref<1x64xi32, #tpu.memory_space<vmem>>
    %dma_wait3A_178 = tpu.memref_squeeze %dma_wait3A_177 : memref<1x64xi32, #tpu.memory_space<vmem>> -> memref<64xi32, #tpu.memory_space<vmem>>
    %dma_wait3A_179 = arith.constant 0 : i32
    %dma_wait3A_180 = arith.constant 0 : i32
    %dma_wait3A_181 = tpu.memref_slice %arg2[%arg0, %dma_wait3A_179, %dma_wait3A_180] : memref<2x10240x64xf32, #tpu.memory_space<hbm>> -> memref<1x10240x64xf32, #tpu.memory_space<hbm>>
    %dma_wait3A_182 = tpu.memref_squeeze %dma_wait3A_181 : memref<1x10240x64xf32, #tpu.memory_space<hbm>> -> memref<10240x64xf32, #tpu.memory_space<hbm>>
    %dma_wait3A_183 = arith.constant 0 : i32
    %dma_wait3A_184 = arith.constant 0 : i32
    %dma_wait3A_185 = tpu.memref_slice %dma_wait3A_182[%dma_wait3A_183, %dma_wait3A_184] : memref<10240x64xf32, #tpu.memory_space<hbm>> -> memref<10240x64xf32, #tpu.memory_space<hbm>>
    tpu.wait_indirect_dma semaphore(%arg24 : memref<!tpu.dma_semaphore, #tpu.memory_space<semaphore_mem>>) src(%dma_wait3A_185 : memref<10240x64xf32, #tpu.memory_space<hbm>>) dst(%arg16 : memref<64x64xf32, #tpu.memory_space<vmem>>)
    %run_scoped3A_186 = arith.constant 319 : i32
    "tpu.region"() ({
      %run_scoped3A_188 = tpu.sem_alloc : memref<!tpu.dma_semaphore, #tpu.memory_space<semaphore_mem>>
      %dma_start3A_189 = arith.constant 0 : i32
      %dma_start3A_190 = tpu.memref_slice %arg8[%run_scoped3A_186, %dma_start3A_189] : memref<320x64xi32, #tpu.memory_space<vmem>> -> memref<1x64xi32, #tpu.memory_space<vmem>>
      %dma_start3A_191 = tpu.memref_squeeze %dma_start3A_190 : memref<1x64xi32, #tpu.memory_space<vmem>> -> memref<64xi32, #tpu.memory_space<vmem>>
      %dma_start3A_192 = arith.constant 0 : i32
      %dma_start3A_193 = arith.constant 0 : i32
      %dma_start3A_194 = tpu.memref_slice %arg25[%dma_start3A_192, %dma_start3A_193] : memref<10240x64xf32, #tpu.memory_space<vmem_shared>> -> memref<10240x64xf32, #tpu.memory_space<vmem_shared>>
      tpu.enqueue_indirect_dma source(%arg16 : memref<64x64xf32, #tpu.memory_space<vmem>>) target(%dma_start3A_194 : memref<10240x64xf32, #tpu.memory_space<vmem_shared>>) offsets(%dma_start3A_191 : memref<64xi32, #tpu.memory_space<vmem>>) semaphore(%run_scoped3A_188 : memref<!tpu.dma_semaphore, #tpu.memory_space<semaphore_mem>>) {add = true}
      %dma_wait3A_195 = arith.constant 0 : i32
      %dma_wait3A_196 = tpu.memref_slice %arg8[%run_scoped3A_186, %dma_wait3A_195] : memref<320x64xi32, #tpu.memory_space<vmem>> -> memref<1x64xi32, #tpu.memory_space<vmem>>
      %dma_wait3A_197 = tpu.memref_squeeze %dma_wait3A_196 : memref<1x64xi32, #tpu.memory_space<vmem>> -> memref<64xi32, #tpu.memory_space<vmem>>
      %dma_wait3A_198 = arith.constant 0 : i32
      %dma_wait3A_199 = arith.constant 0 : i32
      %dma_wait3A_200 = tpu.memref_slice %arg25[%dma_wait3A_198, %dma_wait3A_199] : memref<10240x64xf32, #tpu.memory_space<vmem_shared>> -> memref<10240x64xf32, #tpu.memory_space<vmem_shared>>
      tpu.wait_indirect_dma semaphore(%run_scoped3A_188 : memref<!tpu.dma_semaphore, #tpu.memory_space<semaphore_mem>>) src(%arg16 : memref<64x64xf32, #tpu.memory_space<vmem>>) dst(%dma_wait3A_200 : memref<10240x64xf32, #tpu.memory_space<vmem_shared>>)
      tpu.yield
    }) : () -> ()
    %barrier3A_187 = arith.constant 0 : index
    tpu.barrier barrier_id(%barrier3A_187)
    "tpu.region"() ({
      %run_scoped3A_188 = tpu.sem_alloc : memref<!tpu.dma_semaphore, #tpu.memory_space<semaphore_mem>>
      %dma_start3A_189 = arith.constant 0 : i32
      %dma_start3A_190 = tpu.memref_slice %arg6[%arg0, %mul3A_0, %dma_start3A_189] : memref<2x10240x64xf32, #tpu.memory_space<hbm>> -> memref<1x640x64xf32, #tpu.memory_space<hbm>>
      %dma_start3A_191 = tpu.memref_squeeze %dma_start3A_190 : memref<1x640x64xf32, #tpu.memory_space<hbm>> -> memref<640x64xf32, #tpu.memory_space<hbm>>
      %dma_start3A_192 = arith.constant 0 : i32
      %dma_start3A_193 = tpu.memref_slice %arg25[%mul3A_0, %dma_start3A_192] : memref<10240x64xf32, #tpu.memory_space<vmem_shared>> -> memref<640x64xf32, #tpu.memory_space<vmem_shared>>
      tpu.enqueue_dma source(%dma_start3A_193 : memref<640x64xf32, #tpu.memory_space<vmem_shared>>) target(%dma_start3A_191 : memref<640x64xf32, #tpu.memory_space<hbm>>) target_semaphore(%run_scoped3A_188 : memref<!tpu.dma_semaphore, #tpu.memory_space<semaphore_mem>>)
      %dma_wait3A_194 = arith.constant 0 : i32
      %dma_wait3A_195 = tpu.memref_slice %arg6[%arg0, %mul3A_0, %dma_wait3A_194] : memref<2x10240x64xf32, #tpu.memory_space<hbm>> -> memref<1x640x64xf32, #tpu.memory_space<hbm>>
      %dma_wait3A_196 = tpu.memref_squeeze %dma_wait3A_195 : memref<1x640x64xf32, #tpu.memory_space<hbm>> -> memref<640x64xf32, #tpu.memory_space<hbm>>
      %dma_wait3A_197 = arith.constant 0 : i32
      %dma_wait3A_198 = tpu.memref_slice %arg25[%mul3A_0, %dma_wait3A_197] : memref<10240x64xf32, #tpu.memory_space<vmem_shared>> -> memref<640x64xf32, #tpu.memory_space<vmem_shared>>
      tpu.wait_dma2 semaphore(%run_scoped3A_188 : memref<!tpu.dma_semaphore, #tpu.memory_space<semaphore_mem>>) src(%dma_wait3A_198 : memref<640x64xf32, #tpu.memory_space<vmem_shared>>) dst(%dma_wait3A_196 : memref<640x64xf32, #tpu.memory_space<hbm>>)
      tpu.yield
    }) : () -> ()
    return
  }
}

#map = affine_map<(d0, d1) -> (0, 0, 0)>
#map1 = affine_map<(d0, d1) -> (0, 0)>
module attributes {stable_mosaic.version = 14 : i64} {
  func.func @_deg_body(%arg0: i32, %arg1: i32, %arg2: memref<32x80x128xi32, #tpu.memory_space<hbm>>, %arg3: memref<128x64xf32, #tpu.memory_space<hbm>>, %arg4: memref<640x64xf32, #tpu.memory_space<hbm>>, %arg5: memref<2x10240x64xf32, #tpu.memory_space<hbm>>, %arg6: memref<80x128xi32, #tpu.memory_space<vmem>>, %arg7: memref<128x64xf32, #tpu.memory_space<vmem>>, %arg8: memref<10240x64xf32, #tpu.memory_space<vmem_shared>>) attributes {dimension_semantics = [#tpu.dimension_semantics<core_parallel>, #tpu.dimension_semantics<subcore_parallel>], iteration_bounds = array<i64: 2, 16>, scalar_prefetch = 0 : i64, scratch_operands = 3 : i64, tpu.core_type = #tpu.core_type<sc_vector_subcore>, window_params = [{transform_indices = #map}, {transform_indices = #map1}, {transform_indices = #map1}, {transform_indices = #map}]} {
    %mul3A = arith.constant 16 : i32
    %mul3A_0 = arith.muli %arg0, %mul3A : i32
    %add3A = arith.addi %mul3A_0, %arg1 : i32
    %mul3A_1 = arith.constant 640 : i32
    %mul3A_2 = arith.muli %arg1, %mul3A_1 : i32
    "tpu.region"() ({
      %run_scoped3A = tpu.sem_alloc : memref<!tpu.dma_semaphore, #tpu.memory_space<semaphore_mem>>
      %dma_start3A = arith.constant 0 : i32
      %dma_start3A_9 = tpu.memref_slice %arg8[%mul3A_2, %dma_start3A] : memref<10240x64xf32, #tpu.memory_space<vmem_shared>> -> memref<640x64xf32, #tpu.memory_space<vmem_shared>>
      tpu.enqueue_dma source(%arg4 : memref<640x64xf32, #tpu.memory_space<hbm>>) target(%dma_start3A_9 : memref<640x64xf32, #tpu.memory_space<vmem_shared>>) target_semaphore(%run_scoped3A : memref<!tpu.dma_semaphore, #tpu.memory_space<semaphore_mem>>)
      %dma_wait3A = arith.constant 0 : i32
      %dma_wait3A_10 = tpu.memref_slice %arg8[%mul3A_2, %dma_wait3A] : memref<10240x64xf32, #tpu.memory_space<vmem_shared>> -> memref<640x64xf32, #tpu.memory_space<vmem_shared>>
      tpu.wait_dma2 semaphore(%run_scoped3A : memref<!tpu.dma_semaphore, #tpu.memory_space<semaphore_mem>>) src(%arg4 : memref<640x64xf32, #tpu.memory_space<hbm>>) dst(%dma_wait3A_10 : memref<640x64xf32, #tpu.memory_space<vmem_shared>>)
      tpu.yield
    }) : () -> ()
    "tpu.region"() ({
      %run_scoped3A = tpu.sem_alloc : memref<!tpu.dma_semaphore, #tpu.memory_space<semaphore_mem>>
      tpu.enqueue_dma source(%arg3 : memref<128x64xf32, #tpu.memory_space<hbm>>) target(%arg7 : memref<128x64xf32, #tpu.memory_space<vmem>>) target_semaphore(%run_scoped3A : memref<!tpu.dma_semaphore, #tpu.memory_space<semaphore_mem>>)
      tpu.wait_dma2 semaphore(%run_scoped3A : memref<!tpu.dma_semaphore, #tpu.memory_space<semaphore_mem>>) src(%arg3 : memref<128x64xf32, #tpu.memory_space<hbm>>) dst(%arg7 : memref<128x64xf32, #tpu.memory_space<vmem>>)
      tpu.yield
    }) : () -> ()
    "tpu.region"() ({
      %run_scoped3A = tpu.sem_alloc : memref<!tpu.dma_semaphore, #tpu.memory_space<semaphore_mem>>
      %dma_start3A = arith.constant 0 : i32
      %dma_start3A_9 = arith.constant 0 : i32
      %dma_start3A_10 = tpu.memref_slice %arg2[%add3A, %dma_start3A, %dma_start3A_9] : memref<32x80x128xi32, #tpu.memory_space<hbm>> -> memref<1x80x128xi32, #tpu.memory_space<hbm>>
      %dma_start3A_11 = tpu.memref_squeeze %dma_start3A_10 : memref<1x80x128xi32, #tpu.memory_space<hbm>> -> memref<80x128xi32, #tpu.memory_space<hbm>>
      %dma_start3A_12 = arith.constant 0 : i32
      %dma_start3A_13 = arith.constant 0 : i32
      %dma_start3A_14 = tpu.memref_slice %arg2[%add3A, %dma_start3A_12, %dma_start3A_13] : memref<32x80x128xi32, #tpu.memory_space<hbm>> -> memref<1x80x128xi32, #tpu.memory_space<hbm>>
      %dma_start3A_15 = tpu.memref_squeeze %dma_start3A_14 : memref<1x80x128xi32, #tpu.memory_space<hbm>> -> memref<80x128xi32, #tpu.memory_space<hbm>>
      tpu.enqueue_dma source(%dma_start3A_15 : memref<80x128xi32, #tpu.memory_space<hbm>>) target(%arg6 : memref<80x128xi32, #tpu.memory_space<vmem>>) target_semaphore(%run_scoped3A : memref<!tpu.dma_semaphore, #tpu.memory_space<semaphore_mem>>)
      %dma_wait3A = arith.constant 0 : i32
      %dma_wait3A_16 = arith.constant 0 : i32
      %dma_wait3A_17 = tpu.memref_slice %arg2[%add3A, %dma_wait3A, %dma_wait3A_16] : memref<32x80x128xi32, #tpu.memory_space<hbm>> -> memref<1x80x128xi32, #tpu.memory_space<hbm>>
      %dma_wait3A_18 = tpu.memref_squeeze %dma_wait3A_17 : memref<1x80x128xi32, #tpu.memory_space<hbm>> -> memref<80x128xi32, #tpu.memory_space<hbm>>
      %dma_wait3A_19 = arith.constant 0 : i32
      %dma_wait3A_20 = arith.constant 0 : i32
      %dma_wait3A_21 = tpu.memref_slice %arg2[%add3A, %dma_wait3A_19, %dma_wait3A_20] : memref<32x80x128xi32, #tpu.memory_space<hbm>> -> memref<1x80x128xi32, #tpu.memory_space<hbm>>
      %dma_wait3A_22 = tpu.memref_squeeze %dma_wait3A_21 : memref<1x80x128xi32, #tpu.memory_space<hbm>> -> memref<80x128xi32, #tpu.memory_space<hbm>>
      tpu.wait_dma2 semaphore(%run_scoped3A : memref<!tpu.dma_semaphore, #tpu.memory_space<semaphore_mem>>) src(%dma_wait3A_22 : memref<80x128xi32, #tpu.memory_space<hbm>>) dst(%arg6 : memref<80x128xi32, #tpu.memory_space<vmem>>)
      tpu.yield
    }) : () -> ()
    %barrier3A = arith.constant 0 : index
    tpu.barrier barrier_id(%barrier3A)
    %scan3A = arith.constant 0 : i32
    %scan3A_3 = arith.constant 0 : i32
    %scan3A_4 = arith.constant 80 : i32
    %scan3A_5 = arith.addi %scan3A_3, %scan3A_4 : i32
    %scan3A_6 = arith.constant 1 : i32
    scf.for %scan3A_9 = %scan3A_3 to %scan3A_5 step %scan3A_6  : i32 {
      "tpu.region"() ({
        %run_scoped3A = tpu.sem_alloc : memref<!tpu.dma_semaphore, #tpu.memory_space<semaphore_mem>>
        %dma_start3A = arith.constant 0 : i32
        %dma_start3A_10 = tpu.memref_slice %arg6[%scan3A_9, %dma_start3A] : memref<80x128xi32, #tpu.memory_space<vmem>> -> memref<1x128xi32, #tpu.memory_space<vmem>>
        %dma_start3A_11 = tpu.memref_squeeze %dma_start3A_10 : memref<1x128xi32, #tpu.memory_space<vmem>> -> memref<128xi32, #tpu.memory_space<vmem>>
        %dma_start3A_12 = arith.constant 0 : i32
        %dma_start3A_13 = arith.constant 0 : i32
        %dma_start3A_14 = tpu.memref_slice %arg8[%dma_start3A_12, %dma_start3A_13] : memref<10240x64xf32, #tpu.memory_space<vmem_shared>> -> memref<10240x64xf32, #tpu.memory_space<vmem_shared>>
        tpu.enqueue_indirect_dma source(%arg7 : memref<128x64xf32, #tpu.memory_space<vmem>>) target(%dma_start3A_14 : memref<10240x64xf32, #tpu.memory_space<vmem_shared>>) offsets(%dma_start3A_11 : memref<128xi32, #tpu.memory_space<vmem>>) semaphore(%run_scoped3A : memref<!tpu.dma_semaphore, #tpu.memory_space<semaphore_mem>>) {add = true}
        %dma_wait3A = arith.constant 0 : i32
        %dma_wait3A_15 = tpu.memref_slice %arg6[%scan3A_9, %dma_wait3A] : memref<80x128xi32, #tpu.memory_space<vmem>> -> memref<1x128xi32, #tpu.memory_space<vmem>>
        %dma_wait3A_16 = tpu.memref_squeeze %dma_wait3A_15 : memref<1x128xi32, #tpu.memory_space<vmem>> -> memref<128xi32, #tpu.memory_space<vmem>>
        %dma_wait3A_17 = arith.constant 0 : i32
        %dma_wait3A_18 = arith.constant 0 : i32
        %dma_wait3A_19 = tpu.memref_slice %arg8[%dma_wait3A_17, %dma_wait3A_18] : memref<10240x64xf32, #tpu.memory_space<vmem_shared>> -> memref<10240x64xf32, #tpu.memory_space<vmem_shared>>
        tpu.wait_indirect_dma semaphore(%run_scoped3A : memref<!tpu.dma_semaphore, #tpu.memory_space<semaphore_mem>>) src(%arg7 : memref<128x64xf32, #tpu.memory_space<vmem>>) dst(%dma_wait3A_19 : memref<10240x64xf32, #tpu.memory_space<vmem_shared>>)
        tpu.yield
      }) : () -> ()
    }
    %scan3A_7 = arith.constant 80 : i32
    %barrier3A_8 = arith.constant 0 : index
    tpu.barrier barrier_id(%barrier3A_8)
    "tpu.region"() ({
      %run_scoped3A = tpu.sem_alloc : memref<!tpu.dma_semaphore, #tpu.memory_space<semaphore_mem>>
      %dma_start3A = arith.constant 0 : i32
      %dma_start3A_9 = tpu.memref_slice %arg5[%arg0, %mul3A_2, %dma_start3A] : memref<2x10240x64xf32, #tpu.memory_space<hbm>> -> memref<1x640x64xf32, #tpu.memory_space<hbm>>
      %dma_start3A_10 = tpu.memref_squeeze %dma_start3A_9 : memref<1x640x64xf32, #tpu.memory_space<hbm>> -> memref<640x64xf32, #tpu.memory_space<hbm>>
      %dma_start3A_11 = arith.constant 0 : i32
      %dma_start3A_12 = tpu.memref_slice %arg8[%mul3A_2, %dma_start3A_11] : memref<10240x64xf32, #tpu.memory_space<vmem_shared>> -> memref<640x64xf32, #tpu.memory_space<vmem_shared>>
      tpu.enqueue_dma source(%dma_start3A_12 : memref<640x64xf32, #tpu.memory_space<vmem_shared>>) target(%dma_start3A_10 : memref<640x64xf32, #tpu.memory_space<hbm>>) target_semaphore(%run_scoped3A : memref<!tpu.dma_semaphore, #tpu.memory_space<semaphore_mem>>)
      %dma_wait3A = arith.constant 0 : i32
      %dma_wait3A_13 = tpu.memref_slice %arg5[%arg0, %mul3A_2, %dma_wait3A] : memref<2x10240x64xf32, #tpu.memory_space<hbm>> -> memref<1x640x64xf32, #tpu.memory_space<hbm>>
      %dma_wait3A_14 = tpu.memref_squeeze %dma_wait3A_13 : memref<1x640x64xf32, #tpu.memory_space<hbm>> -> memref<640x64xf32, #tpu.memory_space<hbm>>
      %dma_wait3A_15 = arith.constant 0 : i32
      %dma_wait3A_16 = tpu.memref_slice %arg8[%mul3A_2, %dma_wait3A_15] : memref<10240x64xf32, #tpu.memory_space<vmem_shared>> -> memref<640x64xf32, #tpu.memory_space<vmem_shared>>
      tpu.wait_dma2 semaphore(%run_scoped3A : memref<!tpu.dma_semaphore, #tpu.memory_space<semaphore_mem>>) src(%dma_wait3A_16 : memref<640x64xf32, #tpu.memory_space<vmem_shared>>) dst(%dma_wait3A_14 : memref<640x64xf32, #tpu.memory_space<hbm>>)
      tpu.yield
    }) : () -> ()
    return
  }
}

#map = affine_map<(d0, d1) -> (0, 0, 0)>
#map1 = affine_map<(d0, d1) -> (0, 0)>
module attributes {stable_mosaic.version = 14 : i64} {
  func.func @_msg_body(%arg0: i32, %arg1: i32, %arg2: memref<2x10240x64xf32, #tpu.memory_space<hbm>>, %arg3: memref<16x320x64xi32, #tpu.memory_space<hbm>>, %arg4: memref<16x320x64xi32, #tpu.memory_space<hbm>>, %arg5: memref<640x64xf32, #tpu.memory_space<hbm>>, %arg6: memref<2x10240x64xf32, #tpu.memory_space<hbm>>, %arg7: memref<320x64xi32, #tpu.memory_space<vmem>>, %arg8: memref<320x64xi32, #tpu.memory_space<vmem>>, %arg9: memref<64x64xf32, #tpu.memory_space<vmem>>, %arg10: memref<64x64xf32, #tpu.memory_space<vmem>>, %arg11: memref<64x64xf32, #tpu.memory_space<vmem>>, %arg12: memref<64x64xf32, #tpu.memory_space<vmem>>, %arg13: memref<64x64xf32, #tpu.memory_space<vmem>>, %arg14: memref<64x64xf32, #tpu.memory_space<vmem>>, %arg15: memref<64x64xf32, #tpu.memory_space<vmem>>, %arg16: memref<64x64xf32, #tpu.memory_space<vmem>>, %arg17: memref<!tpu.dma_semaphore, #tpu.memory_space<semaphore_mem>>, %arg18: memref<!tpu.dma_semaphore, #tpu.memory_space<semaphore_mem>>, %arg19: memref<!tpu.dma_semaphore, #tpu.memory_space<semaphore_mem>>, %arg20: memref<!tpu.dma_semaphore, #tpu.memory_space<semaphore_mem>>, %arg21: memref<!tpu.dma_semaphore, #tpu.memory_space<semaphore_mem>>, %arg22: memref<!tpu.dma_semaphore, #tpu.memory_space<semaphore_mem>>, %arg23: memref<!tpu.dma_semaphore, #tpu.memory_space<semaphore_mem>>, %arg24: memref<!tpu.dma_semaphore, #tpu.memory_space<semaphore_mem>>, %arg25: memref<10240x64xf32, #tpu.memory_space<vmem_shared>>) attributes {dimension_semantics = [#tpu.dimension_semantics<core_parallel>, #tpu.dimension_semantics<subcore_parallel>], iteration_bounds = array<i64: 2, 16>, scalar_prefetch = 0 : i64, scratch_operands = 19 : i64, tpu.core_type = #tpu.core_type<sc_vector_subcore>, window_params = [{transform_indices = #map}, {transform_indices = #map}, {transform_indices = #map}, {transform_indices = #map1}, {transform_indices = #map}]} {
    %mul3A = arith.constant 640 : i32
    %mul3A_0 = arith.muli %arg1, %mul3A : i32
    "tpu.region"() ({
      %run_scoped3A_188 = tpu.sem_alloc : memref<!tpu.dma_semaphore, #tpu.memory_space<semaphore_mem>>
      %dma_start3A_189 = arith.constant 0 : i32
      %dma_start3A_190 = tpu.memref_slice %arg25[%mul3A_0, %dma_start3A_189] : memref<10240x64xf32, #tpu.memory_space<vmem_shared>> -> memref<640x64xf32, #tpu.memory_space<vmem_shared>>
      tpu.enqueue_dma source(%arg5 : memref<640x64xf32, #tpu.memory_space<hbm>>) target(%dma_start3A_190 : memref<640x64xf32, #tpu.memory_space<vmem_shared>>) target_semaphore(%run_scoped3A_188 : memref<!tpu.dma_semaphore, #tpu.memory_space<semaphore_mem>>)
      %dma_wait3A_191 = arith.constant 0 : i32
      %dma_wait3A_192 = tpu.memref_slice %arg25[%mul3A_0, %dma_wait3A_191] : memref<10240x64xf32, #tpu.memory_space<vmem_shared>> -> memref<640x64xf32, #tpu.memory_space<vmem_shared>>
      tpu.wait_dma2 semaphore(%run_scoped3A_188 : memref<!tpu.dma_semaphore, #tpu.memory_space<semaphore_mem>>) src(%arg5 : memref<640x64xf32, #tpu.memory_space<hbm>>) dst(%dma_wait3A_192 : memref<640x64xf32, #tpu.memory_space<vmem_shared>>)
      tpu.yield
    }) : () -> ()
    "tpu.region"() ({
      %run_scoped3A_188 = tpu.sem_alloc : memref<!tpu.dma_semaphore, #tpu.memory_space<semaphore_mem>>
      %dma_start3A_189 = arith.constant 0 : i32
      %dma_start3A_190 = arith.constant 0 : i32
      %dma_start3A_191 = tpu.memref_slice %arg3[%arg1, %dma_start3A_189, %dma_start3A_190] : memref<16x320x64xi32, #tpu.memory_space<hbm>> -> memref<1x320x64xi32, #tpu.memory_space<hbm>>
      %dma_start3A_192 = tpu.memref_squeeze %dma_start3A_191 : memref<1x320x64xi32, #tpu.memory_space<hbm>> -> memref<320x64xi32, #tpu.memory_space<hbm>>
      %dma_start3A_193 = arith.constant 0 : i32
      %dma_start3A_194 = arith.constant 0 : i32
      %dma_start3A_195 = tpu.memref_slice %arg3[%arg1, %dma_start3A_193, %dma_start3A_194] : memref<16x320x64xi32, #tpu.memory_space<hbm>> -> memref<1x320x64xi32, #tpu.memory_space<hbm>>
      %dma_start3A_196 = tpu.memref_squeeze %dma_start3A_195 : memref<1x320x64xi32, #tpu.memory_space<hbm>> -> memref<320x64xi32, #tpu.memory_space<hbm>>
      tpu.enqueue_dma source(%dma_start3A_196 : memref<320x64xi32, #tpu.memory_space<hbm>>) target(%arg7 : memref<320x64xi32, #tpu.memory_space<vmem>>) target_semaphore(%run_scoped3A_188 : memref<!tpu.dma_semaphore, #tpu.memory_space<semaphore_mem>>)
      %dma_wait3A_197 = arith.constant 0 : i32
      %dma_wait3A_198 = arith.constant 0 : i32
      %dma_wait3A_199 = tpu.memref_slice %arg3[%arg1, %dma_wait3A_197, %dma_wait3A_198] : memref<16x320x64xi32, #tpu.memory_space<hbm>> -> memref<1x320x64xi32, #tpu.memory_space<hbm>>
      %dma_wait3A_200 = tpu.memref_squeeze %dma_wait3A_199 : memref<1x320x64xi32, #tpu.memory_space<hbm>> -> memref<320x64xi32, #tpu.memory_space<hbm>>
      %dma_wait3A_201 = arith.constant 0 : i32
      %dma_wait3A_202 = arith.constant 0 : i32
      %dma_wait3A_203 = tpu.memref_slice %arg3[%arg1, %dma_wait3A_201, %dma_wait3A_202] : memref<16x320x64xi32, #tpu.memory_space<hbm>> -> memref<1x320x64xi32, #tpu.memory_space<hbm>>
      %dma_wait3A_204 = tpu.memref_squeeze %dma_wait3A_203 : memref<1x320x64xi32, #tpu.memory_space<hbm>> -> memref<320x64xi32, #tpu.memory_space<hbm>>
      tpu.wait_dma2 semaphore(%run_scoped3A_188 : memref<!tpu.dma_semaphore, #tpu.memory_space<semaphore_mem>>) src(%dma_wait3A_204 : memref<320x64xi32, #tpu.memory_space<hbm>>) dst(%arg7 : memref<320x64xi32, #tpu.memory_space<vmem>>)
      tpu.yield
    }) : () -> ()
    "tpu.region"() ({
      %run_scoped3A_188 = tpu.sem_alloc : memref<!tpu.dma_semaphore, #tpu.memory_space<semaphore_mem>>
      %dma_start3A_189 = arith.constant 0 : i32
      %dma_start3A_190 = arith.constant 0 : i32
      %dma_start3A_191 = tpu.memref_slice %arg4[%arg1, %dma_start3A_189, %dma_start3A_190] : memref<16x320x64xi32, #tpu.memory_space<hbm>> -> memref<1x320x64xi32, #tpu.memory_space<hbm>>
      %dma_start3A_192 = tpu.memref_squeeze %dma_start3A_191 : memref<1x320x64xi32, #tpu.memory_space<hbm>> -> memref<320x64xi32, #tpu.memory_space<hbm>>
      %dma_start3A_193 = arith.constant 0 : i32
      %dma_start3A_194 = arith.constant 0 : i32
      %dma_start3A_195 = tpu.memref_slice %arg4[%arg1, %dma_start3A_193, %dma_start3A_194] : memref<16x320x64xi32, #tpu.memory_space<hbm>> -> memref<1x320x64xi32, #tpu.memory_space<hbm>>
      %dma_start3A_196 = tpu.memref_squeeze %dma_start3A_195 : memref<1x320x64xi32, #tpu.memory_space<hbm>> -> memref<320x64xi32, #tpu.memory_space<hbm>>
      tpu.enqueue_dma source(%dma_start3A_196 : memref<320x64xi32, #tpu.memory_space<hbm>>) target(%arg8 : memref<320x64xi32, #tpu.memory_space<vmem>>) target_semaphore(%run_scoped3A_188 : memref<!tpu.dma_semaphore, #tpu.memory_space<semaphore_mem>>)
      %dma_wait3A_197 = arith.constant 0 : i32
      %dma_wait3A_198 = arith.constant 0 : i32
      %dma_wait3A_199 = tpu.memref_slice %arg4[%arg1, %dma_wait3A_197, %dma_wait3A_198] : memref<16x320x64xi32, #tpu.memory_space<hbm>> -> memref<1x320x64xi32, #tpu.memory_space<hbm>>
      %dma_wait3A_200 = tpu.memref_squeeze %dma_wait3A_199 : memref<1x320x64xi32, #tpu.memory_space<hbm>> -> memref<320x64xi32, #tpu.memory_space<hbm>>
      %dma_wait3A_201 = arith.constant 0 : i32
      %dma_wait3A_202 = arith.constant 0 : i32
      %dma_wait3A_203 = tpu.memref_slice %arg4[%arg1, %dma_wait3A_201, %dma_wait3A_202] : memref<16x320x64xi32, #tpu.memory_space<hbm>> -> memref<1x320x64xi32, #tpu.memory_space<hbm>>
      %dma_wait3A_204 = tpu.memref_squeeze %dma_wait3A_203 : memref<1x320x64xi32, #tpu.memory_space<hbm>> -> memref<320x64xi32, #tpu.memory_space<hbm>>
      tpu.wait_dma2 semaphore(%run_scoped3A_188 : memref<!tpu.dma_semaphore, #tpu.memory_space<semaphore_mem>>) src(%dma_wait3A_204 : memref<320x64xi32, #tpu.memory_space<hbm>>) dst(%arg8 : memref<320x64xi32, #tpu.memory_space<vmem>>)
      tpu.yield
    }) : () -> ()
    %barrier3A = arith.constant 0 : index
    tpu.barrier barrier_id(%barrier3A)
    %dma_start3A = arith.constant 0 : i32
    %dma_start3A_1 = arith.constant 0 : i32
    %dma_start3A_2 = tpu.memref_slice %arg7[%dma_start3A, %dma_start3A_1] : memref<320x64xi32, #tpu.memory_space<vmem>> -> memref<1x64xi32, #tpu.memory_space<vmem>>
    %dma_start3A_3 = tpu.memref_squeeze %dma_start3A_2 : memref<1x64xi32, #tpu.memory_space<vmem>> -> memref<64xi32, #tpu.memory_space<vmem>>
    %dma_start3A_4 = arith.constant 0 : i32
    %dma_start3A_5 = arith.constant 0 : i32
    %dma_start3A_6 = tpu.memref_slice %arg2[%arg0, %dma_start3A_4, %dma_start3A_5] : memref<2x10240x64xf32, #tpu.memory_space<hbm>> -> memref<1x10240x64xf32, #tpu.memory_space<hbm>>
    %dma_start3A_7 = tpu.memref_squeeze %dma_start3A_6 : memref<1x10240x64xf32, #tpu.memory_space<hbm>> -> memref<10240x64xf32, #tpu.memory_space<hbm>>
    %dma_start3A_8 = arith.constant 0 : i32
    %dma_start3A_9 = arith.constant 0 : i32
    %dma_start3A_10 = tpu.memref_slice %dma_start3A_7[%dma_start3A_8, %dma_start3A_9] : memref<10240x64xf32, #tpu.memory_space<hbm>> -> memref<10240x64xf32, #tpu.memory_space<hbm>>
    tpu.enqueue_indirect_dma source(%dma_start3A_10 : memref<10240x64xf32, #tpu.memory_space<hbm>>) target(%arg9 : memref<64x64xf32, #tpu.memory_space<vmem>>) offsets(%dma_start3A_3 : memref<64xi32, #tpu.memory_space<vmem>>) semaphore(%arg17 : memref<!tpu.dma_semaphore, #tpu.memory_space<semaphore_mem>>)
    %dma_start3A_11 = arith.constant 1 : i32
    %dma_start3A_12 = arith.constant 0 : i32
    %dma_start3A_13 = tpu.memref_slice %arg7[%dma_start3A_11, %dma_start3A_12] : memref<320x64xi32, #tpu.memory_space<vmem>> -> memref<1x64xi32, #tpu.memory_space<vmem>>
    %dma_start3A_14 = tpu.memref_squeeze %dma_start3A_13 : memref<1x64xi32, #tpu.memory_space<vmem>> -> memref<64xi32, #tpu.memory_space<vmem>>
    %dma_start3A_15 = arith.constant 0 : i32
    %dma_start3A_16 = arith.constant 0 : i32
    %dma_start3A_17 = tpu.memref_slice %arg2[%arg0, %dma_start3A_15, %dma_start3A_16] : memref<2x10240x64xf32, #tpu.memory_space<hbm>> -> memref<1x10240x64xf32, #tpu.memory_space<hbm>>
    %dma_start3A_18 = tpu.memref_squeeze %dma_start3A_17 : memref<1x10240x64xf32, #tpu.memory_space<hbm>> -> memref<10240x64xf32, #tpu.memory_space<hbm>>
    %dma_start3A_19 = arith.constant 0 : i32
    %dma_start3A_20 = arith.constant 0 : i32
    %dma_start3A_21 = tpu.memref_slice %dma_start3A_18[%dma_start3A_19, %dma_start3A_20] : memref<10240x64xf32, #tpu.memory_space<hbm>> -> memref<10240x64xf32, #tpu.memory_space<hbm>>
    tpu.enqueue_indirect_dma source(%dma_start3A_21 : memref<10240x64xf32, #tpu.memory_space<hbm>>) target(%arg10 : memref<64x64xf32, #tpu.memory_space<vmem>>) offsets(%dma_start3A_14 : memref<64xi32, #tpu.memory_space<vmem>>) semaphore(%arg18 : memref<!tpu.dma_semaphore, #tpu.memory_space<semaphore_mem>>)
    %dma_start3A_22 = arith.constant 2 : i32
    %dma_start3A_23 = arith.constant 0 : i32
    %dma_start3A_24 = tpu.memref_slice %arg7[%dma_start3A_22, %dma_start3A_23] : memref<320x64xi32, #tpu.memory_space<vmem>> -> memref<1x64xi32, #tpu.memory_space<vmem>>
    %dma_start3A_25 = tpu.memref_squeeze %dma_start3A_24 : memref<1x64xi32, #tpu.memory_space<vmem>> -> memref<64xi32, #tpu.memory_space<vmem>>
    %dma_start3A_26 = arith.constant 0 : i32
    %dma_start3A_27 = arith.constant 0 : i32
    %dma_start3A_28 = tpu.memref_slice %arg2[%arg0, %dma_start3A_26, %dma_start3A_27] : memref<2x10240x64xf32, #tpu.memory_space<hbm>> -> memref<1x10240x64xf32, #tpu.memory_space<hbm>>
    %dma_start3A_29 = tpu.memref_squeeze %dma_start3A_28 : memref<1x10240x64xf32, #tpu.memory_space<hbm>> -> memref<10240x64xf32, #tpu.memory_space<hbm>>
    %dma_start3A_30 = arith.constant 0 : i32
    %dma_start3A_31 = arith.constant 0 : i32
    %dma_start3A_32 = tpu.memref_slice %dma_start3A_29[%dma_start3A_30, %dma_start3A_31] : memref<10240x64xf32, #tpu.memory_space<hbm>> -> memref<10240x64xf32, #tpu.memory_space<hbm>>
    tpu.enqueue_indirect_dma source(%dma_start3A_32 : memref<10240x64xf32, #tpu.memory_space<hbm>>) target(%arg11 : memref<64x64xf32, #tpu.memory_space<vmem>>) offsets(%dma_start3A_25 : memref<64xi32, #tpu.memory_space<vmem>>) semaphore(%arg19 : memref<!tpu.dma_semaphore, #tpu.memory_space<semaphore_mem>>)
    %dma_start3A_33 = arith.constant 3 : i32
    %dma_start3A_34 = arith.constant 0 : i32
    %dma_start3A_35 = tpu.memref_slice %arg7[%dma_start3A_33, %dma_start3A_34] : memref<320x64xi32, #tpu.memory_space<vmem>> -> memref<1x64xi32, #tpu.memory_space<vmem>>
    %dma_start3A_36 = tpu.memref_squeeze %dma_start3A_35 : memref<1x64xi32, #tpu.memory_space<vmem>> -> memref<64xi32, #tpu.memory_space<vmem>>
    %dma_start3A_37 = arith.constant 0 : i32
    %dma_start3A_38 = arith.constant 0 : i32
    %dma_start3A_39 = tpu.memref_slice %arg2[%arg0, %dma_start3A_37, %dma_start3A_38] : memref<2x10240x64xf32, #tpu.memory_space<hbm>> -> memref<1x10240x64xf32, #tpu.memory_space<hbm>>
    %dma_start3A_40 = tpu.memref_squeeze %dma_start3A_39 : memref<1x10240x64xf32, #tpu.memory_space<hbm>> -> memref<10240x64xf32, #tpu.memory_space<hbm>>
    %dma_start3A_41 = arith.constant 0 : i32
    %dma_start3A_42 = arith.constant 0 : i32
    %dma_start3A_43 = tpu.memref_slice %dma_start3A_40[%dma_start3A_41, %dma_start3A_42] : memref<10240x64xf32, #tpu.memory_space<hbm>> -> memref<10240x64xf32, #tpu.memory_space<hbm>>
    tpu.enqueue_indirect_dma source(%dma_start3A_43 : memref<10240x64xf32, #tpu.memory_space<hbm>>) target(%arg12 : memref<64x64xf32, #tpu.memory_space<vmem>>) offsets(%dma_start3A_36 : memref<64xi32, #tpu.memory_space<vmem>>) semaphore(%arg20 : memref<!tpu.dma_semaphore, #tpu.memory_space<semaphore_mem>>)
    %dma_start3A_44 = arith.constant 4 : i32
    %dma_start3A_45 = arith.constant 0 : i32
    %dma_start3A_46 = tpu.memref_slice %arg7[%dma_start3A_44, %dma_start3A_45] : memref<320x64xi32, #tpu.memory_space<vmem>> -> memref<1x64xi32, #tpu.memory_space<vmem>>
    %dma_start3A_47 = tpu.memref_squeeze %dma_start3A_46 : memref<1x64xi32, #tpu.memory_space<vmem>> -> memref<64xi32, #tpu.memory_space<vmem>>
    %dma_start3A_48 = arith.constant 0 : i32
    %dma_start3A_49 = arith.constant 0 : i32
    %dma_start3A_50 = tpu.memref_slice %arg2[%arg0, %dma_start3A_48, %dma_start3A_49] : memref<2x10240x64xf32, #tpu.memory_space<hbm>> -> memref<1x10240x64xf32, #tpu.memory_space<hbm>>
    %dma_start3A_51 = tpu.memref_squeeze %dma_start3A_50 : memref<1x10240x64xf32, #tpu.memory_space<hbm>> -> memref<10240x64xf32, #tpu.memory_space<hbm>>
    %dma_start3A_52 = arith.constant 0 : i32
    %dma_start3A_53 = arith.constant 0 : i32
    %dma_start3A_54 = tpu.memref_slice %dma_start3A_51[%dma_start3A_52, %dma_start3A_53] : memref<10240x64xf32, #tpu.memory_space<hbm>> -> memref<10240x64xf32, #tpu.memory_space<hbm>>
    tpu.enqueue_indirect_dma source(%dma_start3A_54 : memref<10240x64xf32, #tpu.memory_space<hbm>>) target(%arg13 : memref<64x64xf32, #tpu.memory_space<vmem>>) offsets(%dma_start3A_47 : memref<64xi32, #tpu.memory_space<vmem>>) semaphore(%arg21 : memref<!tpu.dma_semaphore, #tpu.memory_space<semaphore_mem>>)
    %dma_start3A_55 = arith.constant 5 : i32
    %dma_start3A_56 = arith.constant 0 : i32
    %dma_start3A_57 = tpu.memref_slice %arg7[%dma_start3A_55, %dma_start3A_56] : memref<320x64xi32, #tpu.memory_space<vmem>> -> memref<1x64xi32, #tpu.memory_space<vmem>>
    %dma_start3A_58 = tpu.memref_squeeze %dma_start3A_57 : memref<1x64xi32, #tpu.memory_space<vmem>> -> memref<64xi32, #tpu.memory_space<vmem>>
    %dma_start3A_59 = arith.constant 0 : i32
    %dma_start3A_60 = arith.constant 0 : i32
    %dma_start3A_61 = tpu.memref_slice %arg2[%arg0, %dma_start3A_59, %dma_start3A_60] : memref<2x10240x64xf32, #tpu.memory_space<hbm>> -> memref<1x10240x64xf32, #tpu.memory_space<hbm>>
    %dma_start3A_62 = tpu.memref_squeeze %dma_start3A_61 : memref<1x10240x64xf32, #tpu.memory_space<hbm>> -> memref<10240x64xf32, #tpu.memory_space<hbm>>
    %dma_start3A_63 = arith.constant 0 : i32
    %dma_start3A_64 = arith.constant 0 : i32
    %dma_start3A_65 = tpu.memref_slice %dma_start3A_62[%dma_start3A_63, %dma_start3A_64] : memref<10240x64xf32, #tpu.memory_space<hbm>> -> memref<10240x64xf32, #tpu.memory_space<hbm>>
    tpu.enqueue_indirect_dma source(%dma_start3A_65 : memref<10240x64xf32, #tpu.memory_space<hbm>>) target(%arg14 : memref<64x64xf32, #tpu.memory_space<vmem>>) offsets(%dma_start3A_58 : memref<64xi32, #tpu.memory_space<vmem>>) semaphore(%arg22 : memref<!tpu.dma_semaphore, #tpu.memory_space<semaphore_mem>>)
    %dma_start3A_66 = arith.constant 6 : i32
    %dma_start3A_67 = arith.constant 0 : i32
    %dma_start3A_68 = tpu.memref_slice %arg7[%dma_start3A_66, %dma_start3A_67] : memref<320x64xi32, #tpu.memory_space<vmem>> -> memref<1x64xi32, #tpu.memory_space<vmem>>
    %dma_start3A_69 = tpu.memref_squeeze %dma_start3A_68 : memref<1x64xi32, #tpu.memory_space<vmem>> -> memref<64xi32, #tpu.memory_space<vmem>>
    %dma_start3A_70 = arith.constant 0 : i32
    %dma_start3A_71 = arith.constant 0 : i32
    %dma_start3A_72 = tpu.memref_slice %arg2[%arg0, %dma_start3A_70, %dma_start3A_71] : memref<2x10240x64xf32, #tpu.memory_space<hbm>> -> memref<1x10240x64xf32, #tpu.memory_space<hbm>>
    %dma_start3A_73 = tpu.memref_squeeze %dma_start3A_72 : memref<1x10240x64xf32, #tpu.memory_space<hbm>> -> memref<10240x64xf32, #tpu.memory_space<hbm>>
    %dma_start3A_74 = arith.constant 0 : i32
    %dma_start3A_75 = arith.constant 0 : i32
    %dma_start3A_76 = tpu.memref_slice %dma_start3A_73[%dma_start3A_74, %dma_start3A_75] : memref<10240x64xf32, #tpu.memory_space<hbm>> -> memref<10240x64xf32, #tpu.memory_space<hbm>>
    tpu.enqueue_indirect_dma source(%dma_start3A_76 : memref<10240x64xf32, #tpu.memory_space<hbm>>) target(%arg15 : memref<64x64xf32, #tpu.memory_space<vmem>>) offsets(%dma_start3A_69 : memref<64xi32, #tpu.memory_space<vmem>>) semaphore(%arg23 : memref<!tpu.dma_semaphore, #tpu.memory_space<semaphore_mem>>)
    %dma_start3A_77 = arith.constant 7 : i32
    %dma_start3A_78 = arith.constant 0 : i32
    %dma_start3A_79 = tpu.memref_slice %arg7[%dma_start3A_77, %dma_start3A_78] : memref<320x64xi32, #tpu.memory_space<vmem>> -> memref<1x64xi32, #tpu.memory_space<vmem>>
    %dma_start3A_80 = tpu.memref_squeeze %dma_start3A_79 : memref<1x64xi32, #tpu.memory_space<vmem>> -> memref<64xi32, #tpu.memory_space<vmem>>
    %dma_start3A_81 = arith.constant 0 : i32
    %dma_start3A_82 = arith.constant 0 : i32
    %dma_start3A_83 = tpu.memref_slice %arg2[%arg0, %dma_start3A_81, %dma_start3A_82] : memref<2x10240x64xf32, #tpu.memory_space<hbm>> -> memref<1x10240x64xf32, #tpu.memory_space<hbm>>
    %dma_start3A_84 = tpu.memref_squeeze %dma_start3A_83 : memref<1x10240x64xf32, #tpu.memory_space<hbm>> -> memref<10240x64xf32, #tpu.memory_space<hbm>>
    %dma_start3A_85 = arith.constant 0 : i32
    %dma_start3A_86 = arith.constant 0 : i32
    %dma_start3A_87 = tpu.memref_slice %dma_start3A_84[%dma_start3A_85, %dma_start3A_86] : memref<10240x64xf32, #tpu.memory_space<hbm>> -> memref<10240x64xf32, #tpu.memory_space<hbm>>
    tpu.enqueue_indirect_dma source(%dma_start3A_87 : memref<10240x64xf32, #tpu.memory_space<hbm>>) target(%arg16 : memref<64x64xf32, #tpu.memory_space<vmem>>) offsets(%dma_start3A_80 : memref<64xi32, #tpu.memory_space<vmem>>) semaphore(%arg24 : memref<!tpu.dma_semaphore, #tpu.memory_space<semaphore_mem>>)
    %scan3A = arith.constant 0 : i32
    %scan3A_88 = arith.constant 0 : i32
    %scan3A_89 = arith.constant 39 : i32
    %scan3A_90 = arith.addi %scan3A_88, %scan3A_89 : i32
    %scan3A_91 = arith.constant 1 : i32
    scf.for %scan3A_188 = %scan3A_88 to %scan3A_90 step %scan3A_91  : i32 {
      %mul3A_189 = arith.constant 8 : i32
      %mul3A_190 = arith.muli %scan3A_188, %mul3A_189 : i32
      %add3A = arith.constant 0 : i32
      %add3A_191 = arith.addi %mul3A_190, %add3A : i32
      %dma_wait3A_192 = arith.constant 0 : i32
      %dma_wait3A_193 = tpu.memref_slice %arg7[%add3A_191, %dma_wait3A_192] : memref<320x64xi32, #tpu.memory_space<vmem>> -> memref<1x64xi32, #tpu.memory_space<vmem>>
      %dma_wait3A_194 = tpu.memref_squeeze %dma_wait3A_193 : memref<1x64xi32, #tpu.memory_space<vmem>> -> memref<64xi32, #tpu.memory_space<vmem>>
      %dma_wait3A_195 = arith.constant 0 : i32
      %dma_wait3A_196 = arith.constant 0 : i32
      %dma_wait3A_197 = tpu.memref_slice %arg2[%arg0, %dma_wait3A_195, %dma_wait3A_196] : memref<2x10240x64xf32, #tpu.memory_space<hbm>> -> memref<1x10240x64xf32, #tpu.memory_space<hbm>>
      %dma_wait3A_198 = tpu.memref_squeeze %dma_wait3A_197 : memref<1x10240x64xf32, #tpu.memory_space<hbm>> -> memref<10240x64xf32, #tpu.memory_space<hbm>>
      %dma_wait3A_199 = arith.constant 0 : i32
      %dma_wait3A_200 = arith.constant 0 : i32
      %dma_wait3A_201 = tpu.memref_slice %dma_wait3A_198[%dma_wait3A_199, %dma_wait3A_200] : memref<10240x64xf32, #tpu.memory_space<hbm>> -> memref<10240x64xf32, #tpu.memory_space<hbm>>
      tpu.wait_indirect_dma semaphore(%arg17 : memref<!tpu.dma_semaphore, #tpu.memory_space<semaphore_mem>>) src(%dma_wait3A_201 : memref<10240x64xf32, #tpu.memory_space<hbm>>) dst(%arg9 : memref<64x64xf32, #tpu.memory_space<vmem>>)
      "tpu.region"() ({
        %run_scoped3A_396 = tpu.sem_alloc : memref<!tpu.dma_semaphore, #tpu.memory_space<semaphore_mem>>
        %dma_start3A_397 = arith.constant 0 : i32
        %dma_start3A_398 = tpu.memref_slice %arg8[%add3A_191, %dma_start3A_397] : memref<320x64xi32, #tpu.memory_space<vmem>> -> memref<1x64xi32, #tpu.memory_space<vmem>>
        %dma_start3A_399 = tpu.memref_squeeze %dma_start3A_398 : memref<1x64xi32, #tpu.memory_space<vmem>> -> memref<64xi32, #tpu.memory_space<vmem>>
        %dma_start3A_400 = arith.constant 0 : i32
        %dma_start3A_401 = arith.constant 0 : i32
        %dma_start3A_402 = tpu.memref_slice %arg25[%dma_start3A_400, %dma_start3A_401] : memref<10240x64xf32, #tpu.memory_space<vmem_shared>> -> memref<10240x64xf32, #tpu.memory_space<vmem_shared>>
        tpu.enqueue_indirect_dma source(%arg9 : memref<64x64xf32, #tpu.memory_space<vmem>>) target(%dma_start3A_402 : memref<10240x64xf32, #tpu.memory_space<vmem_shared>>) offsets(%dma_start3A_399 : memref<64xi32, #tpu.memory_space<vmem>>) semaphore(%run_scoped3A_396 : memref<!tpu.dma_semaphore, #tpu.memory_space<semaphore_mem>>) {add = true}
        %dma_wait3A_403 = arith.constant 0 : i32
        %dma_wait3A_404 = tpu.memref_slice %arg8[%add3A_191, %dma_wait3A_403] : memref<320x64xi32, #tpu.memory_space<vmem>> -> memref<1x64xi32, #tpu.memory_space<vmem>>
        %dma_wait3A_405 = tpu.memref_squeeze %dma_wait3A_404 : memref<1x64xi32, #tpu.memory_space<vmem>> -> memref<64xi32, #tpu.memory_space<vmem>>
        %dma_wait3A_406 = arith.constant 0 : i32
        %dma_wait3A_407 = arith.constant 0 : i32
        %dma_wait3A_408 = tpu.memref_slice %arg25[%dma_wait3A_406, %dma_wait3A_407] : memref<10240x64xf32, #tpu.memory_space<vmem_shared>> -> memref<10240x64xf32, #tpu.memory_space<vmem_shared>>
        tpu.wait_indirect_dma semaphore(%run_scoped3A_396 : memref<!tpu.dma_semaphore, #tpu.memory_space<semaphore_mem>>) src(%arg9 : memref<64x64xf32, #tpu.memory_space<vmem>>) dst(%dma_wait3A_408 : memref<10240x64xf32, #tpu.memory_space<vmem_shared>>)
        tpu.yield
      }) : () -> ()
      %add3A_202 = arith.constant 8 : i32
      %add3A_203 = arith.addi %add3A_191, %add3A_202 : i32
      %dma_start3A_204 = arith.constant 0 : i32
      %dma_start3A_205 = tpu.memref_slice %arg7[%add3A_203, %dma_start3A_204] : memref<320x64xi32, #tpu.memory_space<vmem>> -> memref<1x64xi32, #tpu.memory_space<vmem>>
      %dma_start3A_206 = tpu.memref_squeeze %dma_start3A_205 : memref<1x64xi32, #tpu.memory_space<vmem>> -> memref<64xi32, #tpu.memory_space<vmem>>
      %dma_start3A_207 = arith.constant 0 : i32
      %dma_start3A_208 = arith.constant 0 : i32
      %dma_start3A_209 = tpu.memref_slice %arg2[%arg0, %dma_start3A_207, %dma_start3A_208] : memref<2x10240x64xf32, #tpu.memory_space<hbm>> -> memref<1x10240x64xf32, #tpu.memory_space<hbm>>
      %dma_start3A_210 = tpu.memref_squeeze %dma_start3A_209 : memref<1x10240x64xf32, #tpu.memory_space<hbm>> -> memref<10240x64xf32, #tpu.memory_space<hbm>>
      %dma_start3A_211 = arith.constant 0 : i32
      %dma_start3A_212 = arith.constant 0 : i32
      %dma_start3A_213 = tpu.memref_slice %dma_start3A_210[%dma_start3A_211, %dma_start3A_212] : memref<10240x64xf32, #tpu.memory_space<hbm>> -> memref<10240x64xf32, #tpu.memory_space<hbm>>
      tpu.enqueue_indirect_dma source(%dma_start3A_213 : memref<10240x64xf32, #tpu.memory_space<hbm>>) target(%arg9 : memref<64x64xf32, #tpu.memory_space<vmem>>) offsets(%dma_start3A_206 : memref<64xi32, #tpu.memory_space<vmem>>) semaphore(%arg17 : memref<!tpu.dma_semaphore, #tpu.memory_space<semaphore_mem>>)
      %mul3A_214 = arith.constant 8 : i32
      %mul3A_215 = arith.muli %scan3A_188, %mul3A_214 : i32
      %add3A_216 = arith.constant 1 : i32
      %add3A_217 = arith.addi %mul3A_215, %add3A_216 : i32
      %dma_wait3A_218 = arith.constant 0 : i32
      %dma_wait3A_219 = tpu.memref_slice %arg7[%add3A_217, %dma_wait3A_218] : memref<320x64xi32, #tpu.memory_space<vmem>> -> memref<1x64xi32, #tpu.memory_space<vmem>>
      %dma_wait3A_220 = tpu.memref_squeeze %dma_wait3A_219 : memref<1x64xi32, #tpu.memory_space<vmem>> -> memref<64xi32, #tpu.memory_space<vmem>>
      %dma_wait3A_221 = arith.constant 0 : i32
      %dma_wait3A_222 = arith.constant 0 : i32
      %dma_wait3A_223 = tpu.memref_slice %arg2[%arg0, %dma_wait3A_221, %dma_wait3A_222] : memref<2x10240x64xf32, #tpu.memory_space<hbm>> -> memref<1x10240x64xf32, #tpu.memory_space<hbm>>
      %dma_wait3A_224 = tpu.memref_squeeze %dma_wait3A_223 : memref<1x10240x64xf32, #tpu.memory_space<hbm>> -> memref<10240x64xf32, #tpu.memory_space<hbm>>
      %dma_wait3A_225 = arith.constant 0 : i32
      %dma_wait3A_226 = arith.constant 0 : i32
      %dma_wait3A_227 = tpu.memref_slice %dma_wait3A_224[%dma_wait3A_225, %dma_wait3A_226] : memref<10240x64xf32, #tpu.memory_space<hbm>> -> memref<10240x64xf32, #tpu.memory_space<hbm>>
      tpu.wait_indirect_dma semaphore(%arg18 : memref<!tpu.dma_semaphore, #tpu.memory_space<semaphore_mem>>) src(%dma_wait3A_227 : memref<10240x64xf32, #tpu.memory_space<hbm>>) dst(%arg10 : memref<64x64xf32, #tpu.memory_space<vmem>>)
      "tpu.region"() ({
        %run_scoped3A_396 = tpu.sem_alloc : memref<!tpu.dma_semaphore, #tpu.memory_space<semaphore_mem>>
        %dma_start3A_397 = arith.constant 0 : i32
        %dma_start3A_398 = tpu.memref_slice %arg8[%add3A_217, %dma_start3A_397] : memref<320x64xi32, #tpu.memory_space<vmem>> -> memref<1x64xi32, #tpu.memory_space<vmem>>
        %dma_start3A_399 = tpu.memref_squeeze %dma_start3A_398 : memref<1x64xi32, #tpu.memory_space<vmem>> -> memref<64xi32, #tpu.memory_space<vmem>>
        %dma_start3A_400 = arith.constant 0 : i32
        %dma_start3A_401 = arith.constant 0 : i32
        %dma_start3A_402 = tpu.memref_slice %arg25[%dma_start3A_400, %dma_start3A_401] : memref<10240x64xf32, #tpu.memory_space<vmem_shared>> -> memref<10240x64xf32, #tpu.memory_space<vmem_shared>>
        tpu.enqueue_indirect_dma source(%arg10 : memref<64x64xf32, #tpu.memory_space<vmem>>) target(%dma_start3A_402 : memref<10240x64xf32, #tpu.memory_space<vmem_shared>>) offsets(%dma_start3A_399 : memref<64xi32, #tpu.memory_space<vmem>>) semaphore(%run_scoped3A_396 : memref<!tpu.dma_semaphore, #tpu.memory_space<semaphore_mem>>) {add = true}
        %dma_wait3A_403 = arith.constant 0 : i32
        %dma_wait3A_404 = tpu.memref_slice %arg8[%add3A_217, %dma_wait3A_403] : memref<320x64xi32, #tpu.memory_space<vmem>> -> memref<1x64xi32, #tpu.memory_space<vmem>>
        %dma_wait3A_405 = tpu.memref_squeeze %dma_wait3A_404 : memref<1x64xi32, #tpu.memory_space<vmem>> -> memref<64xi32, #tpu.memory_space<vmem>>
        %dma_wait3A_406 = arith.constant 0 : i32
        %dma_wait3A_407 = arith.constant 0 : i32
        %dma_wait3A_408 = tpu.memref_slice %arg25[%dma_wait3A_406, %dma_wait3A_407] : memref<10240x64xf32, #tpu.memory_space<vmem_shared>> -> memref<10240x64xf32, #tpu.memory_space<vmem_shared>>
        tpu.wait_indirect_dma semaphore(%run_scoped3A_396 : memref<!tpu.dma_semaphore, #tpu.memory_space<semaphore_mem>>) src(%arg10 : memref<64x64xf32, #tpu.memory_space<vmem>>) dst(%dma_wait3A_408 : memref<10240x64xf32, #tpu.memory_space<vmem_shared>>)
        tpu.yield
      }) : () -> ()
      %add3A_228 = arith.constant 8 : i32
      %add3A_229 = arith.addi %add3A_217, %add3A_228 : i32
      %dma_start3A_230 = arith.constant 0 : i32
      %dma_start3A_231 = tpu.memref_slice %arg7[%add3A_229, %dma_start3A_230] : memref<320x64xi32, #tpu.memory_space<vmem>> -> memref<1x64xi32, #tpu.memory_space<vmem>>
      %dma_start3A_232 = tpu.memref_squeeze %dma_start3A_231 : memref<1x64xi32, #tpu.memory_space<vmem>> -> memref<64xi32, #tpu.memory_space<vmem>>
      %dma_start3A_233 = arith.constant 0 : i32
      %dma_start3A_234 = arith.constant 0 : i32
      %dma_start3A_235 = tpu.memref_slice %arg2[%arg0, %dma_start3A_233, %dma_start3A_234] : memref<2x10240x64xf32, #tpu.memory_space<hbm>> -> memref<1x10240x64xf32, #tpu.memory_space<hbm>>
      %dma_start3A_236 = tpu.memref_squeeze %dma_start3A_235 : memref<1x10240x64xf32, #tpu.memory_space<hbm>> -> memref<10240x64xf32, #tpu.memory_space<hbm>>
      %dma_start3A_237 = arith.constant 0 : i32
      %dma_start3A_238 = arith.constant 0 : i32
      %dma_start3A_239 = tpu.memref_slice %dma_start3A_236[%dma_start3A_237, %dma_start3A_238] : memref<10240x64xf32, #tpu.memory_space<hbm>> -> memref<10240x64xf32, #tpu.memory_space<hbm>>
      tpu.enqueue_indirect_dma source(%dma_start3A_239 : memref<10240x64xf32, #tpu.memory_space<hbm>>) target(%arg10 : memref<64x64xf32, #tpu.memory_space<vmem>>) offsets(%dma_start3A_232 : memref<64xi32, #tpu.memory_space<vmem>>) semaphore(%arg18 : memref<!tpu.dma_semaphore, #tpu.memory_space<semaphore_mem>>)
      %mul3A_240 = arith.constant 8 : i32
      %mul3A_241 = arith.muli %scan3A_188, %mul3A_240 : i32
      %add3A_242 = arith.constant 2 : i32
      %add3A_243 = arith.addi %mul3A_241, %add3A_242 : i32
      %dma_wait3A_244 = arith.constant 0 : i32
      %dma_wait3A_245 = tpu.memref_slice %arg7[%add3A_243, %dma_wait3A_244] : memref<320x64xi32, #tpu.memory_space<vmem>> -> memref<1x64xi32, #tpu.memory_space<vmem>>
      %dma_wait3A_246 = tpu.memref_squeeze %dma_wait3A_245 : memref<1x64xi32, #tpu.memory_space<vmem>> -> memref<64xi32, #tpu.memory_space<vmem>>
      %dma_wait3A_247 = arith.constant 0 : i32
      %dma_wait3A_248 = arith.constant 0 : i32
      %dma_wait3A_249 = tpu.memref_slice %arg2[%arg0, %dma_wait3A_247, %dma_wait3A_248] : memref<2x10240x64xf32, #tpu.memory_space<hbm>> -> memref<1x10240x64xf32, #tpu.memory_space<hbm>>
      %dma_wait3A_250 = tpu.memref_squeeze %dma_wait3A_249 : memref<1x10240x64xf32, #tpu.memory_space<hbm>> -> memref<10240x64xf32, #tpu.memory_space<hbm>>
      %dma_wait3A_251 = arith.constant 0 : i32
      %dma_wait3A_252 = arith.constant 0 : i32
      %dma_wait3A_253 = tpu.memref_slice %dma_wait3A_250[%dma_wait3A_251, %dma_wait3A_252] : memref<10240x64xf32, #tpu.memory_space<hbm>> -> memref<10240x64xf32, #tpu.memory_space<hbm>>
      tpu.wait_indirect_dma semaphore(%arg19 : memref<!tpu.dma_semaphore, #tpu.memory_space<semaphore_mem>>) src(%dma_wait3A_253 : memref<10240x64xf32, #tpu.memory_space<hbm>>) dst(%arg11 : memref<64x64xf32, #tpu.memory_space<vmem>>)
      "tpu.region"() ({
        %run_scoped3A_396 = tpu.sem_alloc : memref<!tpu.dma_semaphore, #tpu.memory_space<semaphore_mem>>
        %dma_start3A_397 = arith.constant 0 : i32
        %dma_start3A_398 = tpu.memref_slice %arg8[%add3A_243, %dma_start3A_397] : memref<320x64xi32, #tpu.memory_space<vmem>> -> memref<1x64xi32, #tpu.memory_space<vmem>>
        %dma_start3A_399 = tpu.memref_squeeze %dma_start3A_398 : memref<1x64xi32, #tpu.memory_space<vmem>> -> memref<64xi32, #tpu.memory_space<vmem>>
        %dma_start3A_400 = arith.constant 0 : i32
        %dma_start3A_401 = arith.constant 0 : i32
        %dma_start3A_402 = tpu.memref_slice %arg25[%dma_start3A_400, %dma_start3A_401] : memref<10240x64xf32, #tpu.memory_space<vmem_shared>> -> memref<10240x64xf32, #tpu.memory_space<vmem_shared>>
        tpu.enqueue_indirect_dma source(%arg11 : memref<64x64xf32, #tpu.memory_space<vmem>>) target(%dma_start3A_402 : memref<10240x64xf32, #tpu.memory_space<vmem_shared>>) offsets(%dma_start3A_399 : memref<64xi32, #tpu.memory_space<vmem>>) semaphore(%run_scoped3A_396 : memref<!tpu.dma_semaphore, #tpu.memory_space<semaphore_mem>>) {add = true}
        %dma_wait3A_403 = arith.constant 0 : i32
        %dma_wait3A_404 = tpu.memref_slice %arg8[%add3A_243, %dma_wait3A_403] : memref<320x64xi32, #tpu.memory_space<vmem>> -> memref<1x64xi32, #tpu.memory_space<vmem>>
        %dma_wait3A_405 = tpu.memref_squeeze %dma_wait3A_404 : memref<1x64xi32, #tpu.memory_space<vmem>> -> memref<64xi32, #tpu.memory_space<vmem>>
        %dma_wait3A_406 = arith.constant 0 : i32
        %dma_wait3A_407 = arith.constant 0 : i32
        %dma_wait3A_408 = tpu.memref_slice %arg25[%dma_wait3A_406, %dma_wait3A_407] : memref<10240x64xf32, #tpu.memory_space<vmem_shared>> -> memref<10240x64xf32, #tpu.memory_space<vmem_shared>>
        tpu.wait_indirect_dma semaphore(%run_scoped3A_396 : memref<!tpu.dma_semaphore, #tpu.memory_space<semaphore_mem>>) src(%arg11 : memref<64x64xf32, #tpu.memory_space<vmem>>) dst(%dma_wait3A_408 : memref<10240x64xf32, #tpu.memory_space<vmem_shared>>)
        tpu.yield
      }) : () -> ()
      %add3A_254 = arith.constant 8 : i32
      %add3A_255 = arith.addi %add3A_243, %add3A_254 : i32
      %dma_start3A_256 = arith.constant 0 : i32
      %dma_start3A_257 = tpu.memref_slice %arg7[%add3A_255, %dma_start3A_256] : memref<320x64xi32, #tpu.memory_space<vmem>> -> memref<1x64xi32, #tpu.memory_space<vmem>>
      %dma_start3A_258 = tpu.memref_squeeze %dma_start3A_257 : memref<1x64xi32, #tpu.memory_space<vmem>> -> memref<64xi32, #tpu.memory_space<vmem>>
      %dma_start3A_259 = arith.constant 0 : i32
      %dma_start3A_260 = arith.constant 0 : i32
      %dma_start3A_261 = tpu.memref_slice %arg2[%arg0, %dma_start3A_259, %dma_start3A_260] : memref<2x10240x64xf32, #tpu.memory_space<hbm>> -> memref<1x10240x64xf32, #tpu.memory_space<hbm>>
      %dma_start3A_262 = tpu.memref_squeeze %dma_start3A_261 : memref<1x10240x64xf32, #tpu.memory_space<hbm>> -> memref<10240x64xf32, #tpu.memory_space<hbm>>
      %dma_start3A_263 = arith.constant 0 : i32
      %dma_start3A_264 = arith.constant 0 : i32
      %dma_start3A_265 = tpu.memref_slice %dma_start3A_262[%dma_start3A_263, %dma_start3A_264] : memref<10240x64xf32, #tpu.memory_space<hbm>> -> memref<10240x64xf32, #tpu.memory_space<hbm>>
      tpu.enqueue_indirect_dma source(%dma_start3A_265 : memref<10240x64xf32, #tpu.memory_space<hbm>>) target(%arg11 : memref<64x64xf32, #tpu.memory_space<vmem>>) offsets(%dma_start3A_258 : memref<64xi32, #tpu.memory_space<vmem>>) semaphore(%arg19 : memref<!tpu.dma_semaphore, #tpu.memory_space<semaphore_mem>>)
      %mul3A_266 = arith.constant 8 : i32
      %mul3A_267 = arith.muli %scan3A_188, %mul3A_266 : i32
      %add3A_268 = arith.constant 3 : i32
      %add3A_269 = arith.addi %mul3A_267, %add3A_268 : i32
      %dma_wait3A_270 = arith.constant 0 : i32
      %dma_wait3A_271 = tpu.memref_slice %arg7[%add3A_269, %dma_wait3A_270] : memref<320x64xi32, #tpu.memory_space<vmem>> -> memref<1x64xi32, #tpu.memory_space<vmem>>
      %dma_wait3A_272 = tpu.memref_squeeze %dma_wait3A_271 : memref<1x64xi32, #tpu.memory_space<vmem>> -> memref<64xi32, #tpu.memory_space<vmem>>
      %dma_wait3A_273 = arith.constant 0 : i32
      %dma_wait3A_274 = arith.constant 0 : i32
      %dma_wait3A_275 = tpu.memref_slice %arg2[%arg0, %dma_wait3A_273, %dma_wait3A_274] : memref<2x10240x64xf32, #tpu.memory_space<hbm>> -> memref<1x10240x64xf32, #tpu.memory_space<hbm>>
      %dma_wait3A_276 = tpu.memref_squeeze %dma_wait3A_275 : memref<1x10240x64xf32, #tpu.memory_space<hbm>> -> memref<10240x64xf32, #tpu.memory_space<hbm>>
      %dma_wait3A_277 = arith.constant 0 : i32
      %dma_wait3A_278 = arith.constant 0 : i32
      %dma_wait3A_279 = tpu.memref_slice %dma_wait3A_276[%dma_wait3A_277, %dma_wait3A_278] : memref<10240x64xf32, #tpu.memory_space<hbm>> -> memref<10240x64xf32, #tpu.memory_space<hbm>>
      tpu.wait_indirect_dma semaphore(%arg20 : memref<!tpu.dma_semaphore, #tpu.memory_space<semaphore_mem>>) src(%dma_wait3A_279 : memref<10240x64xf32, #tpu.memory_space<hbm>>) dst(%arg12 : memref<64x64xf32, #tpu.memory_space<vmem>>)
      "tpu.region"() ({
        %run_scoped3A_396 = tpu.sem_alloc : memref<!tpu.dma_semaphore, #tpu.memory_space<semaphore_mem>>
        %dma_start3A_397 = arith.constant 0 : i32
        %dma_start3A_398 = tpu.memref_slice %arg8[%add3A_269, %dma_start3A_397] : memref<320x64xi32, #tpu.memory_space<vmem>> -> memref<1x64xi32, #tpu.memory_space<vmem>>
        %dma_start3A_399 = tpu.memref_squeeze %dma_start3A_398 : memref<1x64xi32, #tpu.memory_space<vmem>> -> memref<64xi32, #tpu.memory_space<vmem>>
        %dma_start3A_400 = arith.constant 0 : i32
        %dma_start3A_401 = arith.constant 0 : i32
        %dma_start3A_402 = tpu.memref_slice %arg25[%dma_start3A_400, %dma_start3A_401] : memref<10240x64xf32, #tpu.memory_space<vmem_shared>> -> memref<10240x64xf32, #tpu.memory_space<vmem_shared>>
        tpu.enqueue_indirect_dma source(%arg12 : memref<64x64xf32, #tpu.memory_space<vmem>>) target(%dma_start3A_402 : memref<10240x64xf32, #tpu.memory_space<vmem_shared>>) offsets(%dma_start3A_399 : memref<64xi32, #tpu.memory_space<vmem>>) semaphore(%run_scoped3A_396 : memref<!tpu.dma_semaphore, #tpu.memory_space<semaphore_mem>>) {add = true}
        %dma_wait3A_403 = arith.constant 0 : i32
        %dma_wait3A_404 = tpu.memref_slice %arg8[%add3A_269, %dma_wait3A_403] : memref<320x64xi32, #tpu.memory_space<vmem>> -> memref<1x64xi32, #tpu.memory_space<vmem>>
        %dma_wait3A_405 = tpu.memref_squeeze %dma_wait3A_404 : memref<1x64xi32, #tpu.memory_space<vmem>> -> memref<64xi32, #tpu.memory_space<vmem>>
        %dma_wait3A_406 = arith.constant 0 : i32
        %dma_wait3A_407 = arith.constant 0 : i32
        %dma_wait3A_408 = tpu.memref_slice %arg25[%dma_wait3A_406, %dma_wait3A_407] : memref<10240x64xf32, #tpu.memory_space<vmem_shared>> -> memref<10240x64xf32, #tpu.memory_space<vmem_shared>>
        tpu.wait_indirect_dma semaphore(%run_scoped3A_396 : memref<!tpu.dma_semaphore, #tpu.memory_space<semaphore_mem>>) src(%arg12 : memref<64x64xf32, #tpu.memory_space<vmem>>) dst(%dma_wait3A_408 : memref<10240x64xf32, #tpu.memory_space<vmem_shared>>)
        tpu.yield
      }) : () -> ()
      %add3A_280 = arith.constant 8 : i32
      %add3A_281 = arith.addi %add3A_269, %add3A_280 : i32
      %dma_start3A_282 = arith.constant 0 : i32
      %dma_start3A_283 = tpu.memref_slice %arg7[%add3A_281, %dma_start3A_282] : memref<320x64xi32, #tpu.memory_space<vmem>> -> memref<1x64xi32, #tpu.memory_space<vmem>>
      %dma_start3A_284 = tpu.memref_squeeze %dma_start3A_283 : memref<1x64xi32, #tpu.memory_space<vmem>> -> memref<64xi32, #tpu.memory_space<vmem>>
      %dma_start3A_285 = arith.constant 0 : i32
      %dma_start3A_286 = arith.constant 0 : i32
      %dma_start3A_287 = tpu.memref_slice %arg2[%arg0, %dma_start3A_285, %dma_start3A_286] : memref<2x10240x64xf32, #tpu.memory_space<hbm>> -> memref<1x10240x64xf32, #tpu.memory_space<hbm>>
      %dma_start3A_288 = tpu.memref_squeeze %dma_start3A_287 : memref<1x10240x64xf32, #tpu.memory_space<hbm>> -> memref<10240x64xf32, #tpu.memory_space<hbm>>
      %dma_start3A_289 = arith.constant 0 : i32
      %dma_start3A_290 = arith.constant 0 : i32
      %dma_start3A_291 = tpu.memref_slice %dma_start3A_288[%dma_start3A_289, %dma_start3A_290] : memref<10240x64xf32, #tpu.memory_space<hbm>> -> memref<10240x64xf32, #tpu.memory_space<hbm>>
      tpu.enqueue_indirect_dma source(%dma_start3A_291 : memref<10240x64xf32, #tpu.memory_space<hbm>>) target(%arg12 : memref<64x64xf32, #tpu.memory_space<vmem>>) offsets(%dma_start3A_284 : memref<64xi32, #tpu.memory_space<vmem>>) semaphore(%arg20 : memref<!tpu.dma_semaphore, #tpu.memory_space<semaphore_mem>>)
      %mul3A_292 = arith.constant 8 : i32
      %mul3A_293 = arith.muli %scan3A_188, %mul3A_292 : i32
      %add3A_294 = arith.constant 4 : i32
      %add3A_295 = arith.addi %mul3A_293, %add3A_294 : i32
      %dma_wait3A_296 = arith.constant 0 : i32
      %dma_wait3A_297 = tpu.memref_slice %arg7[%add3A_295, %dma_wait3A_296] : memref<320x64xi32, #tpu.memory_space<vmem>> -> memref<1x64xi32, #tpu.memory_space<vmem>>
      %dma_wait3A_298 = tpu.memref_squeeze %dma_wait3A_297 : memref<1x64xi32, #tpu.memory_space<vmem>> -> memref<64xi32, #tpu.memory_space<vmem>>
      %dma_wait3A_299 = arith.constant 0 : i32
      %dma_wait3A_300 = arith.constant 0 : i32
      %dma_wait3A_301 = tpu.memref_slice %arg2[%arg0, %dma_wait3A_299, %dma_wait3A_300] : memref<2x10240x64xf32, #tpu.memory_space<hbm>> -> memref<1x10240x64xf32, #tpu.memory_space<hbm>>
      %dma_wait3A_302 = tpu.memref_squeeze %dma_wait3A_301 : memref<1x10240x64xf32, #tpu.memory_space<hbm>> -> memref<10240x64xf32, #tpu.memory_space<hbm>>
      %dma_wait3A_303 = arith.constant 0 : i32
      %dma_wait3A_304 = arith.constant 0 : i32
      %dma_wait3A_305 = tpu.memref_slice %dma_wait3A_302[%dma_wait3A_303, %dma_wait3A_304] : memref<10240x64xf32, #tpu.memory_space<hbm>> -> memref<10240x64xf32, #tpu.memory_space<hbm>>
      tpu.wait_indirect_dma semaphore(%arg21 : memref<!tpu.dma_semaphore, #tpu.memory_space<semaphore_mem>>) src(%dma_wait3A_305 : memref<10240x64xf32, #tpu.memory_space<hbm>>) dst(%arg13 : memref<64x64xf32, #tpu.memory_space<vmem>>)
      "tpu.region"() ({
        %run_scoped3A_396 = tpu.sem_alloc : memref<!tpu.dma_semaphore, #tpu.memory_space<semaphore_mem>>
        %dma_start3A_397 = arith.constant 0 : i32
        %dma_start3A_398 = tpu.memref_slice %arg8[%add3A_295, %dma_start3A_397] : memref<320x64xi32, #tpu.memory_space<vmem>> -> memref<1x64xi32, #tpu.memory_space<vmem>>
        %dma_start3A_399 = tpu.memref_squeeze %dma_start3A_398 : memref<1x64xi32, #tpu.memory_space<vmem>> -> memref<64xi32, #tpu.memory_space<vmem>>
        %dma_start3A_400 = arith.constant 0 : i32
        %dma_start3A_401 = arith.constant 0 : i32
        %dma_start3A_402 = tpu.memref_slice %arg25[%dma_start3A_400, %dma_start3A_401] : memref<10240x64xf32, #tpu.memory_space<vmem_shared>> -> memref<10240x64xf32, #tpu.memory_space<vmem_shared>>
        tpu.enqueue_indirect_dma source(%arg13 : memref<64x64xf32, #tpu.memory_space<vmem>>) target(%dma_start3A_402 : memref<10240x64xf32, #tpu.memory_space<vmem_shared>>) offsets(%dma_start3A_399 : memref<64xi32, #tpu.memory_space<vmem>>) semaphore(%run_scoped3A_396 : memref<!tpu.dma_semaphore, #tpu.memory_space<semaphore_mem>>) {add = true}
        %dma_wait3A_403 = arith.constant 0 : i32
        %dma_wait3A_404 = tpu.memref_slice %arg8[%add3A_295, %dma_wait3A_403] : memref<320x64xi32, #tpu.memory_space<vmem>> -> memref<1x64xi32, #tpu.memory_space<vmem>>
        %dma_wait3A_405 = tpu.memref_squeeze %dma_wait3A_404 : memref<1x64xi32, #tpu.memory_space<vmem>> -> memref<64xi32, #tpu.memory_space<vmem>>
        %dma_wait3A_406 = arith.constant 0 : i32
        %dma_wait3A_407 = arith.constant 0 : i32
        %dma_wait3A_408 = tpu.memref_slice %arg25[%dma_wait3A_406, %dma_wait3A_407] : memref<10240x64xf32, #tpu.memory_space<vmem_shared>> -> memref<10240x64xf32, #tpu.memory_space<vmem_shared>>
        tpu.wait_indirect_dma semaphore(%run_scoped3A_396 : memref<!tpu.dma_semaphore, #tpu.memory_space<semaphore_mem>>) src(%arg13 : memref<64x64xf32, #tpu.memory_space<vmem>>) dst(%dma_wait3A_408 : memref<10240x64xf32, #tpu.memory_space<vmem_shared>>)
        tpu.yield
      }) : () -> ()
      %add3A_306 = arith.constant 8 : i32
      %add3A_307 = arith.addi %add3A_295, %add3A_306 : i32
      %dma_start3A_308 = arith.constant 0 : i32
      %dma_start3A_309 = tpu.memref_slice %arg7[%add3A_307, %dma_start3A_308] : memref<320x64xi32, #tpu.memory_space<vmem>> -> memref<1x64xi32, #tpu.memory_space<vmem>>
      %dma_start3A_310 = tpu.memref_squeeze %dma_start3A_309 : memref<1x64xi32, #tpu.memory_space<vmem>> -> memref<64xi32, #tpu.memory_space<vmem>>
      %dma_start3A_311 = arith.constant 0 : i32
      %dma_start3A_312 = arith.constant 0 : i32
      %dma_start3A_313 = tpu.memref_slice %arg2[%arg0, %dma_start3A_311, %dma_start3A_312] : memref<2x10240x64xf32, #tpu.memory_space<hbm>> -> memref<1x10240x64xf32, #tpu.memory_space<hbm>>
      %dma_start3A_314 = tpu.memref_squeeze %dma_start3A_313 : memref<1x10240x64xf32, #tpu.memory_space<hbm>> -> memref<10240x64xf32, #tpu.memory_space<hbm>>
      %dma_start3A_315 = arith.constant 0 : i32
      %dma_start3A_316 = arith.constant 0 : i32
      %dma_start3A_317 = tpu.memref_slice %dma_start3A_314[%dma_start3A_315, %dma_start3A_316] : memref<10240x64xf32, #tpu.memory_space<hbm>> -> memref<10240x64xf32, #tpu.memory_space<hbm>>
      tpu.enqueue_indirect_dma source(%dma_start3A_317 : memref<10240x64xf32, #tpu.memory_space<hbm>>) target(%arg13 : memref<64x64xf32, #tpu.memory_space<vmem>>) offsets(%dma_start3A_310 : memref<64xi32, #tpu.memory_space<vmem>>) semaphore(%arg21 : memref<!tpu.dma_semaphore, #tpu.memory_space<semaphore_mem>>)
      %mul3A_318 = arith.constant 8 : i32
      %mul3A_319 = arith.muli %scan3A_188, %mul3A_318 : i32
      %add3A_320 = arith.constant 5 : i32
      %add3A_321 = arith.addi %mul3A_319, %add3A_320 : i32
      %dma_wait3A_322 = arith.constant 0 : i32
      %dma_wait3A_323 = tpu.memref_slice %arg7[%add3A_321, %dma_wait3A_322] : memref<320x64xi32, #tpu.memory_space<vmem>> -> memref<1x64xi32, #tpu.memory_space<vmem>>
      %dma_wait3A_324 = tpu.memref_squeeze %dma_wait3A_323 : memref<1x64xi32, #tpu.memory_space<vmem>> -> memref<64xi32, #tpu.memory_space<vmem>>
      %dma_wait3A_325 = arith.constant 0 : i32
      %dma_wait3A_326 = arith.constant 0 : i32
      %dma_wait3A_327 = tpu.memref_slice %arg2[%arg0, %dma_wait3A_325, %dma_wait3A_326] : memref<2x10240x64xf32, #tpu.memory_space<hbm>> -> memref<1x10240x64xf32, #tpu.memory_space<hbm>>
      %dma_wait3A_328 = tpu.memref_squeeze %dma_wait3A_327 : memref<1x10240x64xf32, #tpu.memory_space<hbm>> -> memref<10240x64xf32, #tpu.memory_space<hbm>>
      %dma_wait3A_329 = arith.constant 0 : i32
      %dma_wait3A_330 = arith.constant 0 : i32
      %dma_wait3A_331 = tpu.memref_slice %dma_wait3A_328[%dma_wait3A_329, %dma_wait3A_330] : memref<10240x64xf32, #tpu.memory_space<hbm>> -> memref<10240x64xf32, #tpu.memory_space<hbm>>
      tpu.wait_indirect_dma semaphore(%arg22 : memref<!tpu.dma_semaphore, #tpu.memory_space<semaphore_mem>>) src(%dma_wait3A_331 : memref<10240x64xf32, #tpu.memory_space<hbm>>) dst(%arg14 : memref<64x64xf32, #tpu.memory_space<vmem>>)
      "tpu.region"() ({
        %run_scoped3A_396 = tpu.sem_alloc : memref<!tpu.dma_semaphore, #tpu.memory_space<semaphore_mem>>
        %dma_start3A_397 = arith.constant 0 : i32
        %dma_start3A_398 = tpu.memref_slice %arg8[%add3A_321, %dma_start3A_397] : memref<320x64xi32, #tpu.memory_space<vmem>> -> memref<1x64xi32, #tpu.memory_space<vmem>>
        %dma_start3A_399 = tpu.memref_squeeze %dma_start3A_398 : memref<1x64xi32, #tpu.memory_space<vmem>> -> memref<64xi32, #tpu.memory_space<vmem>>
        %dma_start3A_400 = arith.constant 0 : i32
        %dma_start3A_401 = arith.constant 0 : i32
        %dma_start3A_402 = tpu.memref_slice %arg25[%dma_start3A_400, %dma_start3A_401] : memref<10240x64xf32, #tpu.memory_space<vmem_shared>> -> memref<10240x64xf32, #tpu.memory_space<vmem_shared>>
        tpu.enqueue_indirect_dma source(%arg14 : memref<64x64xf32, #tpu.memory_space<vmem>>) target(%dma_start3A_402 : memref<10240x64xf32, #tpu.memory_space<vmem_shared>>) offsets(%dma_start3A_399 : memref<64xi32, #tpu.memory_space<vmem>>) semaphore(%run_scoped3A_396 : memref<!tpu.dma_semaphore, #tpu.memory_space<semaphore_mem>>) {add = true}
        %dma_wait3A_403 = arith.constant 0 : i32
        %dma_wait3A_404 = tpu.memref_slice %arg8[%add3A_321, %dma_wait3A_403] : memref<320x64xi32, #tpu.memory_space<vmem>> -> memref<1x64xi32, #tpu.memory_space<vmem>>
        %dma_wait3A_405 = tpu.memref_squeeze %dma_wait3A_404 : memref<1x64xi32, #tpu.memory_space<vmem>> -> memref<64xi32, #tpu.memory_space<vmem>>
        %dma_wait3A_406 = arith.constant 0 : i32
        %dma_wait3A_407 = arith.constant 0 : i32
        %dma_wait3A_408 = tpu.memref_slice %arg25[%dma_wait3A_406, %dma_wait3A_407] : memref<10240x64xf32, #tpu.memory_space<vmem_shared>> -> memref<10240x64xf32, #tpu.memory_space<vmem_shared>>
        tpu.wait_indirect_dma semaphore(%run_scoped3A_396 : memref<!tpu.dma_semaphore, #tpu.memory_space<semaphore_mem>>) src(%arg14 : memref<64x64xf32, #tpu.memory_space<vmem>>) dst(%dma_wait3A_408 : memref<10240x64xf32, #tpu.memory_space<vmem_shared>>)
        tpu.yield
      }) : () -> ()
      %add3A_332 = arith.constant 8 : i32
      %add3A_333 = arith.addi %add3A_321, %add3A_332 : i32
      %dma_start3A_334 = arith.constant 0 : i32
      %dma_start3A_335 = tpu.memref_slice %arg7[%add3A_333, %dma_start3A_334] : memref<320x64xi32, #tpu.memory_space<vmem>> -> memref<1x64xi32, #tpu.memory_space<vmem>>
      %dma_start3A_336 = tpu.memref_squeeze %dma_start3A_335 : memref<1x64xi32, #tpu.memory_space<vmem>> -> memref<64xi32, #tpu.memory_space<vmem>>
      %dma_start3A_337 = arith.constant 0 : i32
      %dma_start3A_338 = arith.constant 0 : i32
      %dma_start3A_339 = tpu.memref_slice %arg2[%arg0, %dma_start3A_337, %dma_start3A_338] : memref<2x10240x64xf32, #tpu.memory_space<hbm>> -> memref<1x10240x64xf32, #tpu.memory_space<hbm>>
      %dma_start3A_340 = tpu.memref_squeeze %dma_start3A_339 : memref<1x10240x64xf32, #tpu.memory_space<hbm>> -> memref<10240x64xf32, #tpu.memory_space<hbm>>
      %dma_start3A_341 = arith.constant 0 : i32
      %dma_start3A_342 = arith.constant 0 : i32
      %dma_start3A_343 = tpu.memref_slice %dma_start3A_340[%dma_start3A_341, %dma_start3A_342] : memref<10240x64xf32, #tpu.memory_space<hbm>> -> memref<10240x64xf32, #tpu.memory_space<hbm>>
      tpu.enqueue_indirect_dma source(%dma_start3A_343 : memref<10240x64xf32, #tpu.memory_space<hbm>>) target(%arg14 : memref<64x64xf32, #tpu.memory_space<vmem>>) offsets(%dma_start3A_336 : memref<64xi32, #tpu.memory_space<vmem>>) semaphore(%arg22 : memref<!tpu.dma_semaphore, #tpu.memory_space<semaphore_mem>>)
      %mul3A_344 = arith.constant 8 : i32
      %mul3A_345 = arith.muli %scan3A_188, %mul3A_344 : i32
      %add3A_346 = arith.constant 6 : i32
      %add3A_347 = arith.addi %mul3A_345, %add3A_346 : i32
      %dma_wait3A_348 = arith.constant 0 : i32
      %dma_wait3A_349 = tpu.memref_slice %arg7[%add3A_347, %dma_wait3A_348] : memref<320x64xi32, #tpu.memory_space<vmem>> -> memref<1x64xi32, #tpu.memory_space<vmem>>
      %dma_wait3A_350 = tpu.memref_squeeze %dma_wait3A_349 : memref<1x64xi32, #tpu.memory_space<vmem>> -> memref<64xi32, #tpu.memory_space<vmem>>
      %dma_wait3A_351 = arith.constant 0 : i32
      %dma_wait3A_352 = arith.constant 0 : i32
      %dma_wait3A_353 = tpu.memref_slice %arg2[%arg0, %dma_wait3A_351, %dma_wait3A_352] : memref<2x10240x64xf32, #tpu.memory_space<hbm>> -> memref<1x10240x64xf32, #tpu.memory_space<hbm>>
      %dma_wait3A_354 = tpu.memref_squeeze %dma_wait3A_353 : memref<1x10240x64xf32, #tpu.memory_space<hbm>> -> memref<10240x64xf32, #tpu.memory_space<hbm>>
      %dma_wait3A_355 = arith.constant 0 : i32
      %dma_wait3A_356 = arith.constant 0 : i32
      %dma_wait3A_357 = tpu.memref_slice %dma_wait3A_354[%dma_wait3A_355, %dma_wait3A_356] : memref<10240x64xf32, #tpu.memory_space<hbm>> -> memref<10240x64xf32, #tpu.memory_space<hbm>>
      tpu.wait_indirect_dma semaphore(%arg23 : memref<!tpu.dma_semaphore, #tpu.memory_space<semaphore_mem>>) src(%dma_wait3A_357 : memref<10240x64xf32, #tpu.memory_space<hbm>>) dst(%arg15 : memref<64x64xf32, #tpu.memory_space<vmem>>)
      "tpu.region"() ({
        %run_scoped3A_396 = tpu.sem_alloc : memref<!tpu.dma_semaphore, #tpu.memory_space<semaphore_mem>>
        %dma_start3A_397 = arith.constant 0 : i32
        %dma_start3A_398 = tpu.memref_slice %arg8[%add3A_347, %dma_start3A_397] : memref<320x64xi32, #tpu.memory_space<vmem>> -> memref<1x64xi32, #tpu.memory_space<vmem>>
        %dma_start3A_399 = tpu.memref_squeeze %dma_start3A_398 : memref<1x64xi32, #tpu.memory_space<vmem>> -> memref<64xi32, #tpu.memory_space<vmem>>
        %dma_start3A_400 = arith.constant 0 : i32
        %dma_start3A_401 = arith.constant 0 : i32
        %dma_start3A_402 = tpu.memref_slice %arg25[%dma_start3A_400, %dma_start3A_401] : memref<10240x64xf32, #tpu.memory_space<vmem_shared>> -> memref<10240x64xf32, #tpu.memory_space<vmem_shared>>
        tpu.enqueue_indirect_dma source(%arg15 : memref<64x64xf32, #tpu.memory_space<vmem>>) target(%dma_start3A_402 : memref<10240x64xf32, #tpu.memory_space<vmem_shared>>) offsets(%dma_start3A_399 : memref<64xi32, #tpu.memory_space<vmem>>) semaphore(%run_scoped3A_396 : memref<!tpu.dma_semaphore, #tpu.memory_space<semaphore_mem>>) {add = true}
        %dma_wait3A_403 = arith.constant 0 : i32
        %dma_wait3A_404 = tpu.memref_slice %arg8[%add3A_347, %dma_wait3A_403] : memref<320x64xi32, #tpu.memory_space<vmem>> -> memref<1x64xi32, #tpu.memory_space<vmem>>
        %dma_wait3A_405 = tpu.memref_squeeze %dma_wait3A_404 : memref<1x64xi32, #tpu.memory_space<vmem>> -> memref<64xi32, #tpu.memory_space<vmem>>
        %dma_wait3A_406 = arith.constant 0 : i32
        %dma_wait3A_407 = arith.constant 0 : i32
        %dma_wait3A_408 = tpu.memref_slice %arg25[%dma_wait3A_406, %dma_wait3A_407] : memref<10240x64xf32, #tpu.memory_space<vmem_shared>> -> memref<10240x64xf32, #tpu.memory_space<vmem_shared>>
        tpu.wait_indirect_dma semaphore(%run_scoped3A_396 : memref<!tpu.dma_semaphore, #tpu.memory_space<semaphore_mem>>) src(%arg15 : memref<64x64xf32, #tpu.memory_space<vmem>>) dst(%dma_wait3A_408 : memref<10240x64xf32, #tpu.memory_space<vmem_shared>>)
        tpu.yield
      }) : () -> ()
      %add3A_358 = arith.constant 8 : i32
      %add3A_359 = arith.addi %add3A_347, %add3A_358 : i32
      %dma_start3A_360 = arith.constant 0 : i32
      %dma_start3A_361 = tpu.memref_slice %arg7[%add3A_359, %dma_start3A_360] : memref<320x64xi32, #tpu.memory_space<vmem>> -> memref<1x64xi32, #tpu.memory_space<vmem>>
      %dma_start3A_362 = tpu.memref_squeeze %dma_start3A_361 : memref<1x64xi32, #tpu.memory_space<vmem>> -> memref<64xi32, #tpu.memory_space<vmem>>
      %dma_start3A_363 = arith.constant 0 : i32
      %dma_start3A_364 = arith.constant 0 : i32
      %dma_start3A_365 = tpu.memref_slice %arg2[%arg0, %dma_start3A_363, %dma_start3A_364] : memref<2x10240x64xf32, #tpu.memory_space<hbm>> -> memref<1x10240x64xf32, #tpu.memory_space<hbm>>
      %dma_start3A_366 = tpu.memref_squeeze %dma_start3A_365 : memref<1x10240x64xf32, #tpu.memory_space<hbm>> -> memref<10240x64xf32, #tpu.memory_space<hbm>>
      %dma_start3A_367 = arith.constant 0 : i32
      %dma_start3A_368 = arith.constant 0 : i32
      %dma_start3A_369 = tpu.memref_slice %dma_start3A_366[%dma_start3A_367, %dma_start3A_368] : memref<10240x64xf32, #tpu.memory_space<hbm>> -> memref<10240x64xf32, #tpu.memory_space<hbm>>
      tpu.enqueue_indirect_dma source(%dma_start3A_369 : memref<10240x64xf32, #tpu.memory_space<hbm>>) target(%arg15 : memref<64x64xf32, #tpu.memory_space<vmem>>) offsets(%dma_start3A_362 : memref<64xi32, #tpu.memory_space<vmem>>) semaphore(%arg23 : memref<!tpu.dma_semaphore, #tpu.memory_space<semaphore_mem>>)
      %mul3A_370 = arith.constant 8 : i32
      %mul3A_371 = arith.muli %scan3A_188, %mul3A_370 : i32
      %add3A_372 = arith.constant 7 : i32
      %add3A_373 = arith.addi %mul3A_371, %add3A_372 : i32
      %dma_wait3A_374 = arith.constant 0 : i32
      %dma_wait3A_375 = tpu.memref_slice %arg7[%add3A_373, %dma_wait3A_374] : memref<320x64xi32, #tpu.memory_space<vmem>> -> memref<1x64xi32, #tpu.memory_space<vmem>>
      %dma_wait3A_376 = tpu.memref_squeeze %dma_wait3A_375 : memref<1x64xi32, #tpu.memory_space<vmem>> -> memref<64xi32, #tpu.memory_space<vmem>>
      %dma_wait3A_377 = arith.constant 0 : i32
      %dma_wait3A_378 = arith.constant 0 : i32
      %dma_wait3A_379 = tpu.memref_slice %arg2[%arg0, %dma_wait3A_377, %dma_wait3A_378] : memref<2x10240x64xf32, #tpu.memory_space<hbm>> -> memref<1x10240x64xf32, #tpu.memory_space<hbm>>
      %dma_wait3A_380 = tpu.memref_squeeze %dma_wait3A_379 : memref<1x10240x64xf32, #tpu.memory_space<hbm>> -> memref<10240x64xf32, #tpu.memory_space<hbm>>
      %dma_wait3A_381 = arith.constant 0 : i32
      %dma_wait3A_382 = arith.constant 0 : i32
      %dma_wait3A_383 = tpu.memref_slice %dma_wait3A_380[%dma_wait3A_381, %dma_wait3A_382] : memref<10240x64xf32, #tpu.memory_space<hbm>> -> memref<10240x64xf32, #tpu.memory_space<hbm>>
      tpu.wait_indirect_dma semaphore(%arg24 : memref<!tpu.dma_semaphore, #tpu.memory_space<semaphore_mem>>) src(%dma_wait3A_383 : memref<10240x64xf32, #tpu.memory_space<hbm>>) dst(%arg16 : memref<64x64xf32, #tpu.memory_space<vmem>>)
      "tpu.region"() ({
        %run_scoped3A_396 = tpu.sem_alloc : memref<!tpu.dma_semaphore, #tpu.memory_space<semaphore_mem>>
        %dma_start3A_397 = arith.constant 0 : i32
        %dma_start3A_398 = tpu.memref_slice %arg8[%add3A_373, %dma_start3A_397] : memref<320x64xi32, #tpu.memory_space<vmem>> -> memref<1x64xi32, #tpu.memory_space<vmem>>
        %dma_start3A_399 = tpu.memref_squeeze %dma_start3A_398 : memref<1x64xi32, #tpu.memory_space<vmem>> -> memref<64xi32, #tpu.memory_space<vmem>>
        %dma_start3A_400 = arith.constant 0 : i32
        %dma_start3A_401 = arith.constant 0 : i32
        %dma_start3A_402 = tpu.memref_slice %arg25[%dma_start3A_400, %dma_start3A_401] : memref<10240x64xf32, #tpu.memory_space<vmem_shared>> -> memref<10240x64xf32, #tpu.memory_space<vmem_shared>>
        tpu.enqueue_indirect_dma source(%arg16 : memref<64x64xf32, #tpu.memory_space<vmem>>) target(%dma_start3A_402 : memref<10240x64xf32, #tpu.memory_space<vmem_shared>>) offsets(%dma_start3A_399 : memref<64xi32, #tpu.memory_space<vmem>>) semaphore(%run_scoped3A_396 : memref<!tpu.dma_semaphore, #tpu.memory_space<semaphore_mem>>) {add = true}
        %dma_wait3A_403 = arith.constant 0 : i32
        %dma_wait3A_404 = tpu.memref_slice %arg8[%add3A_373, %dma_wait3A_403] : memref<320x64xi32, #tpu.memory_space<vmem>> -> memref<1x64xi32, #tpu.memory_space<vmem>>
        %dma_wait3A_405 = tpu.memref_squeeze %dma_wait3A_404 : memref<1x64xi32, #tpu.memory_space<vmem>> -> memref<64xi32, #tpu.memory_space<vmem>>
        %dma_wait3A_406 = arith.constant 0 : i32
        %dma_wait3A_407 = arith.constant 0 : i32
        %dma_wait3A_408 = tpu.memref_slice %arg25[%dma_wait3A_406, %dma_wait3A_407] : memref<10240x64xf32, #tpu.memory_space<vmem_shared>> -> memref<10240x64xf32, #tpu.memory_space<vmem_shared>>
        tpu.wait_indirect_dma semaphore(%run_scoped3A_396 : memref<!tpu.dma_semaphore, #tpu.memory_space<semaphore_mem>>) src(%arg16 : memref<64x64xf32, #tpu.memory_space<vmem>>) dst(%dma_wait3A_408 : memref<10240x64xf32, #tpu.memory_space<vmem_shared>>)
        tpu.yield
      }) : () -> ()
      %add3A_384 = arith.constant 8 : i32
      %add3A_385 = arith.addi %add3A_373, %add3A_384 : i32
      %dma_start3A_386 = arith.constant 0 : i32
      %dma_start3A_387 = tpu.memref_slice %arg7[%add3A_385, %dma_start3A_386] : memref<320x64xi32, #tpu.memory_space<vmem>> -> memref<1x64xi32, #tpu.memory_space<vmem>>
      %dma_start3A_388 = tpu.memref_squeeze %dma_start3A_387 : memref<1x64xi32, #tpu.memory_space<vmem>> -> memref<64xi32, #tpu.memory_space<vmem>>
      %dma_start3A_389 = arith.constant 0 : i32
      %dma_start3A_390 = arith.constant 0 : i32
      %dma_start3A_391 = tpu.memref_slice %arg2[%arg0, %dma_start3A_389, %dma_start3A_390] : memref<2x10240x64xf32, #tpu.memory_space<hbm>> -> memref<1x10240x64xf32, #tpu.memory_space<hbm>>
      %dma_start3A_392 = tpu.memref_squeeze %dma_start3A_391 : memref<1x10240x64xf32, #tpu.memory_space<hbm>> -> memref<10240x64xf32, #tpu.memory_space<hbm>>
      %dma_start3A_393 = arith.constant 0 : i32
      %dma_start3A_394 = arith.constant 0 : i32
      %dma_start3A_395 = tpu.memref_slice %dma_start3A_392[%dma_start3A_393, %dma_start3A_394] : memref<10240x64xf32, #tpu.memory_space<hbm>> -> memref<10240x64xf32, #tpu.memory_space<hbm>>
      tpu.enqueue_indirect_dma source(%dma_start3A_395 : memref<10240x64xf32, #tpu.memory_space<hbm>>) target(%arg16 : memref<64x64xf32, #tpu.memory_space<vmem>>) offsets(%dma_start3A_388 : memref<64xi32, #tpu.memory_space<vmem>>) semaphore(%arg24 : memref<!tpu.dma_semaphore, #tpu.memory_space<semaphore_mem>>)
    }
    %scan3A_92 = arith.constant 39 : i32
    %dma_wait3A = arith.constant 312 : i32
    %dma_wait3A_93 = arith.constant 0 : i32
    %dma_wait3A_94 = tpu.memref_slice %arg7[%dma_wait3A, %dma_wait3A_93] : memref<320x64xi32, #tpu.memory_space<vmem>> -> memref<1x64xi32, #tpu.memory_space<vmem>>
    %dma_wait3A_95 = tpu.memref_squeeze %dma_wait3A_94 : memref<1x64xi32, #tpu.memory_space<vmem>> -> memref<64xi32, #tpu.memory_space<vmem>>
    %dma_wait3A_96 = arith.constant 0 : i32
    %dma_wait3A_97 = arith.constant 0 : i32
    %dma_wait3A_98 = tpu.memref_slice %arg2[%arg0, %dma_wait3A_96, %dma_wait3A_97] : memref<2x10240x64xf32, #tpu.memory_space<hbm>> -> memref<1x10240x64xf32, #tpu.memory_space<hbm>>
    %dma_wait3A_99 = tpu.memref_squeeze %dma_wait3A_98 : memref<1x10240x64xf32, #tpu.memory_space<hbm>> -> memref<10240x64xf32, #tpu.memory_space<hbm>>
    %dma_wait3A_100 = arith.constant 0 : i32
    %dma_wait3A_101 = arith.constant 0 : i32
    %dma_wait3A_102 = tpu.memref_slice %dma_wait3A_99[%dma_wait3A_100, %dma_wait3A_101] : memref<10240x64xf32, #tpu.memory_space<hbm>> -> memref<10240x64xf32, #tpu.memory_space<hbm>>
    tpu.wait_indirect_dma semaphore(%arg17 : memref<!tpu.dma_semaphore, #tpu.memory_space<semaphore_mem>>) src(%dma_wait3A_102 : memref<10240x64xf32, #tpu.memory_space<hbm>>) dst(%arg9 : memref<64x64xf32, #tpu.memory_space<vmem>>)
    %run_scoped3A = arith.constant 312 : i32
    "tpu.region"() ({
      %run_scoped3A_188 = tpu.sem_alloc : memref<!tpu.dma_semaphore, #tpu.memory_space<semaphore_mem>>
      %dma_start3A_189 = arith.constant 0 : i32
      %dma_start3A_190 = tpu.memref_slice %arg8[%run_scoped3A, %dma_start3A_189] : memref<320x64xi32, #tpu.memory_space<vmem>> -> memref<1x64xi32, #tpu.memory_space<vmem>>
      %dma_start3A_191 = tpu.memref_squeeze %dma_start3A_190 : memref<1x64xi32, #tpu.memory_space<vmem>> -> memref<64xi32, #tpu.memory_space<vmem>>
      %dma_start3A_192 = arith.constant 0 : i32
      %dma_start3A_193 = arith.constant 0 : i32
      %dma_start3A_194 = tpu.memref_slice %arg25[%dma_start3A_192, %dma_start3A_193] : memref<10240x64xf32, #tpu.memory_space<vmem_shared>> -> memref<10240x64xf32, #tpu.memory_space<vmem_shared>>
      tpu.enqueue_indirect_dma source(%arg9 : memref<64x64xf32, #tpu.memory_space<vmem>>) target(%dma_start3A_194 : memref<10240x64xf32, #tpu.memory_space<vmem_shared>>) offsets(%dma_start3A_191 : memref<64xi32, #tpu.memory_space<vmem>>) semaphore(%run_scoped3A_188 : memref<!tpu.dma_semaphore, #tpu.memory_space<semaphore_mem>>) {add = true}
      %dma_wait3A_195 = arith.constant 0 : i32
      %dma_wait3A_196 = tpu.memref_slice %arg8[%run_scoped3A, %dma_wait3A_195] : memref<320x64xi32, #tpu.memory_space<vmem>> -> memref<1x64xi32, #tpu.memory_space<vmem>>
      %dma_wait3A_197 = tpu.memref_squeeze %dma_wait3A_196 : memref<1x64xi32, #tpu.memory_space<vmem>> -> memref<64xi32, #tpu.memory_space<vmem>>
      %dma_wait3A_198 = arith.constant 0 : i32
      %dma_wait3A_199 = arith.constant 0 : i32
      %dma_wait3A_200 = tpu.memref_slice %arg25[%dma_wait3A_198, %dma_wait3A_199] : memref<10240x64xf32, #tpu.memory_space<vmem_shared>> -> memref<10240x64xf32, #tpu.memory_space<vmem_shared>>
      tpu.wait_indirect_dma semaphore(%run_scoped3A_188 : memref<!tpu.dma_semaphore, #tpu.memory_space<semaphore_mem>>) src(%arg9 : memref<64x64xf32, #tpu.memory_space<vmem>>) dst(%dma_wait3A_200 : memref<10240x64xf32, #tpu.memory_space<vmem_shared>>)
      tpu.yield
    }) : () -> ()
    %dma_wait3A_103 = arith.constant 313 : i32
    %dma_wait3A_104 = arith.constant 0 : i32
    %dma_wait3A_105 = tpu.memref_slice %arg7[%dma_wait3A_103, %dma_wait3A_104] : memref<320x64xi32, #tpu.memory_space<vmem>> -> memref<1x64xi32, #tpu.memory_space<vmem>>
    %dma_wait3A_106 = tpu.memref_squeeze %dma_wait3A_105 : memref<1x64xi32, #tpu.memory_space<vmem>> -> memref<64xi32, #tpu.memory_space<vmem>>
    %dma_wait3A_107 = arith.constant 0 : i32
    %dma_wait3A_108 = arith.constant 0 : i32
    %dma_wait3A_109 = tpu.memref_slice %arg2[%arg0, %dma_wait3A_107, %dma_wait3A_108] : memref<2x10240x64xf32, #tpu.memory_space<hbm>> -> memref<1x10240x64xf32, #tpu.memory_space<hbm>>
    %dma_wait3A_110 = tpu.memref_squeeze %dma_wait3A_109 : memref<1x10240x64xf32, #tpu.memory_space<hbm>> -> memref<10240x64xf32, #tpu.memory_space<hbm>>
    %dma_wait3A_111 = arith.constant 0 : i32
    %dma_wait3A_112 = arith.constant 0 : i32
    %dma_wait3A_113 = tpu.memref_slice %dma_wait3A_110[%dma_wait3A_111, %dma_wait3A_112] : memref<10240x64xf32, #tpu.memory_space<hbm>> -> memref<10240x64xf32, #tpu.memory_space<hbm>>
    tpu.wait_indirect_dma semaphore(%arg18 : memref<!tpu.dma_semaphore, #tpu.memory_space<semaphore_mem>>) src(%dma_wait3A_113 : memref<10240x64xf32, #tpu.memory_space<hbm>>) dst(%arg10 : memref<64x64xf32, #tpu.memory_space<vmem>>)
    %run_scoped3A_114 = arith.constant 313 : i32
    "tpu.region"() ({
      %run_scoped3A_188 = tpu.sem_alloc : memref<!tpu.dma_semaphore, #tpu.memory_space<semaphore_mem>>
      %dma_start3A_189 = arith.constant 0 : i32
      %dma_start3A_190 = tpu.memref_slice %arg8[%run_scoped3A_114, %dma_start3A_189] : memref<320x64xi32, #tpu.memory_space<vmem>> -> memref<1x64xi32, #tpu.memory_space<vmem>>
      %dma_start3A_191 = tpu.memref_squeeze %dma_start3A_190 : memref<1x64xi32, #tpu.memory_space<vmem>> -> memref<64xi32, #tpu.memory_space<vmem>>
      %dma_start3A_192 = arith.constant 0 : i32
      %dma_start3A_193 = arith.constant 0 : i32
      %dma_start3A_194 = tpu.memref_slice %arg25[%dma_start3A_192, %dma_start3A_193] : memref<10240x64xf32, #tpu.memory_space<vmem_shared>> -> memref<10240x64xf32, #tpu.memory_space<vmem_shared>>
      tpu.enqueue_indirect_dma source(%arg10 : memref<64x64xf32, #tpu.memory_space<vmem>>) target(%dma_start3A_194 : memref<10240x64xf32, #tpu.memory_space<vmem_shared>>) offsets(%dma_start3A_191 : memref<64xi32, #tpu.memory_space<vmem>>) semaphore(%run_scoped3A_188 : memref<!tpu.dma_semaphore, #tpu.memory_space<semaphore_mem>>) {add = true}
      %dma_wait3A_195 = arith.constant 0 : i32
      %dma_wait3A_196 = tpu.memref_slice %arg8[%run_scoped3A_114, %dma_wait3A_195] : memref<320x64xi32, #tpu.memory_space<vmem>> -> memref<1x64xi32, #tpu.memory_space<vmem>>
      %dma_wait3A_197 = tpu.memref_squeeze %dma_wait3A_196 : memref<1x64xi32, #tpu.memory_space<vmem>> -> memref<64xi32, #tpu.memory_space<vmem>>
      %dma_wait3A_198 = arith.constant 0 : i32
      %dma_wait3A_199 = arith.constant 0 : i32
      %dma_wait3A_200 = tpu.memref_slice %arg25[%dma_wait3A_198, %dma_wait3A_199] : memref<10240x64xf32, #tpu.memory_space<vmem_shared>> -> memref<10240x64xf32, #tpu.memory_space<vmem_shared>>
      tpu.wait_indirect_dma semaphore(%run_scoped3A_188 : memref<!tpu.dma_semaphore, #tpu.memory_space<semaphore_mem>>) src(%arg10 : memref<64x64xf32, #tpu.memory_space<vmem>>) dst(%dma_wait3A_200 : memref<10240x64xf32, #tpu.memory_space<vmem_shared>>)
      tpu.yield
    }) : () -> ()
    %dma_wait3A_115 = arith.constant 314 : i32
    %dma_wait3A_116 = arith.constant 0 : i32
    %dma_wait3A_117 = tpu.memref_slice %arg7[%dma_wait3A_115, %dma_wait3A_116] : memref<320x64xi32, #tpu.memory_space<vmem>> -> memref<1x64xi32, #tpu.memory_space<vmem>>
    %dma_wait3A_118 = tpu.memref_squeeze %dma_wait3A_117 : memref<1x64xi32, #tpu.memory_space<vmem>> -> memref<64xi32, #tpu.memory_space<vmem>>
    %dma_wait3A_119 = arith.constant 0 : i32
    %dma_wait3A_120 = arith.constant 0 : i32
    %dma_wait3A_121 = tpu.memref_slice %arg2[%arg0, %dma_wait3A_119, %dma_wait3A_120] : memref<2x10240x64xf32, #tpu.memory_space<hbm>> -> memref<1x10240x64xf32, #tpu.memory_space<hbm>>
    %dma_wait3A_122 = tpu.memref_squeeze %dma_wait3A_121 : memref<1x10240x64xf32, #tpu.memory_space<hbm>> -> memref<10240x64xf32, #tpu.memory_space<hbm>>
    %dma_wait3A_123 = arith.constant 0 : i32
    %dma_wait3A_124 = arith.constant 0 : i32
    %dma_wait3A_125 = tpu.memref_slice %dma_wait3A_122[%dma_wait3A_123, %dma_wait3A_124] : memref<10240x64xf32, #tpu.memory_space<hbm>> -> memref<10240x64xf32, #tpu.memory_space<hbm>>
    tpu.wait_indirect_dma semaphore(%arg19 : memref<!tpu.dma_semaphore, #tpu.memory_space<semaphore_mem>>) src(%dma_wait3A_125 : memref<10240x64xf32, #tpu.memory_space<hbm>>) dst(%arg11 : memref<64x64xf32, #tpu.memory_space<vmem>>)
    %run_scoped3A_126 = arith.constant 314 : i32
    "tpu.region"() ({
      %run_scoped3A_188 = tpu.sem_alloc : memref<!tpu.dma_semaphore, #tpu.memory_space<semaphore_mem>>
      %dma_start3A_189 = arith.constant 0 : i32
      %dma_start3A_190 = tpu.memref_slice %arg8[%run_scoped3A_126, %dma_start3A_189] : memref<320x64xi32, #tpu.memory_space<vmem>> -> memref<1x64xi32, #tpu.memory_space<vmem>>
      %dma_start3A_191 = tpu.memref_squeeze %dma_start3A_190 : memref<1x64xi32, #tpu.memory_space<vmem>> -> memref<64xi32, #tpu.memory_space<vmem>>
      %dma_start3A_192 = arith.constant 0 : i32
      %dma_start3A_193 = arith.constant 0 : i32
      %dma_start3A_194 = tpu.memref_slice %arg25[%dma_start3A_192, %dma_start3A_193] : memref<10240x64xf32, #tpu.memory_space<vmem_shared>> -> memref<10240x64xf32, #tpu.memory_space<vmem_shared>>
      tpu.enqueue_indirect_dma source(%arg11 : memref<64x64xf32, #tpu.memory_space<vmem>>) target(%dma_start3A_194 : memref<10240x64xf32, #tpu.memory_space<vmem_shared>>) offsets(%dma_start3A_191 : memref<64xi32, #tpu.memory_space<vmem>>) semaphore(%run_scoped3A_188 : memref<!tpu.dma_semaphore, #tpu.memory_space<semaphore_mem>>) {add = true}
      %dma_wait3A_195 = arith.constant 0 : i32
      %dma_wait3A_196 = tpu.memref_slice %arg8[%run_scoped3A_126, %dma_wait3A_195] : memref<320x64xi32, #tpu.memory_space<vmem>> -> memref<1x64xi32, #tpu.memory_space<vmem>>
      %dma_wait3A_197 = tpu.memref_squeeze %dma_wait3A_196 : memref<1x64xi32, #tpu.memory_space<vmem>> -> memref<64xi32, #tpu.memory_space<vmem>>
      %dma_wait3A_198 = arith.constant 0 : i32
      %dma_wait3A_199 = arith.constant 0 : i32
      %dma_wait3A_200 = tpu.memref_slice %arg25[%dma_wait3A_198, %dma_wait3A_199] : memref<10240x64xf32, #tpu.memory_space<vmem_shared>> -> memref<10240x64xf32, #tpu.memory_space<vmem_shared>>
      tpu.wait_indirect_dma semaphore(%run_scoped3A_188 : memref<!tpu.dma_semaphore, #tpu.memory_space<semaphore_mem>>) src(%arg11 : memref<64x64xf32, #tpu.memory_space<vmem>>) dst(%dma_wait3A_200 : memref<10240x64xf32, #tpu.memory_space<vmem_shared>>)
      tpu.yield
    }) : () -> ()
    %dma_wait3A_127 = arith.constant 315 : i32
    %dma_wait3A_128 = arith.constant 0 : i32
    %dma_wait3A_129 = tpu.memref_slice %arg7[%dma_wait3A_127, %dma_wait3A_128] : memref<320x64xi32, #tpu.memory_space<vmem>> -> memref<1x64xi32, #tpu.memory_space<vmem>>
    %dma_wait3A_130 = tpu.memref_squeeze %dma_wait3A_129 : memref<1x64xi32, #tpu.memory_space<vmem>> -> memref<64xi32, #tpu.memory_space<vmem>>
    %dma_wait3A_131 = arith.constant 0 : i32
    %dma_wait3A_132 = arith.constant 0 : i32
    %dma_wait3A_133 = tpu.memref_slice %arg2[%arg0, %dma_wait3A_131, %dma_wait3A_132] : memref<2x10240x64xf32, #tpu.memory_space<hbm>> -> memref<1x10240x64xf32, #tpu.memory_space<hbm>>
    %dma_wait3A_134 = tpu.memref_squeeze %dma_wait3A_133 : memref<1x10240x64xf32, #tpu.memory_space<hbm>> -> memref<10240x64xf32, #tpu.memory_space<hbm>>
    %dma_wait3A_135 = arith.constant 0 : i32
    %dma_wait3A_136 = arith.constant 0 : i32
    %dma_wait3A_137 = tpu.memref_slice %dma_wait3A_134[%dma_wait3A_135, %dma_wait3A_136] : memref<10240x64xf32, #tpu.memory_space<hbm>> -> memref<10240x64xf32, #tpu.memory_space<hbm>>
    tpu.wait_indirect_dma semaphore(%arg20 : memref<!tpu.dma_semaphore, #tpu.memory_space<semaphore_mem>>) src(%dma_wait3A_137 : memref<10240x64xf32, #tpu.memory_space<hbm>>) dst(%arg12 : memref<64x64xf32, #tpu.memory_space<vmem>>)
    %run_scoped3A_138 = arith.constant 315 : i32
    "tpu.region"() ({
      %run_scoped3A_188 = tpu.sem_alloc : memref<!tpu.dma_semaphore, #tpu.memory_space<semaphore_mem>>
      %dma_start3A_189 = arith.constant 0 : i32
      %dma_start3A_190 = tpu.memref_slice %arg8[%run_scoped3A_138, %dma_start3A_189] : memref<320x64xi32, #tpu.memory_space<vmem>> -> memref<1x64xi32, #tpu.memory_space<vmem>>
      %dma_start3A_191 = tpu.memref_squeeze %dma_start3A_190 : memref<1x64xi32, #tpu.memory_space<vmem>> -> memref<64xi32, #tpu.memory_space<vmem>>
      %dma_start3A_192 = arith.constant 0 : i32
      %dma_start3A_193 = arith.constant 0 : i32
      %dma_start3A_194 = tpu.memref_slice %arg25[%dma_start3A_192, %dma_start3A_193] : memref<10240x64xf32, #tpu.memory_space<vmem_shared>> -> memref<10240x64xf32, #tpu.memory_space<vmem_shared>>
      tpu.enqueue_indirect_dma source(%arg12 : memref<64x64xf32, #tpu.memory_space<vmem>>) target(%dma_start3A_194 : memref<10240x64xf32, #tpu.memory_space<vmem_shared>>) offsets(%dma_start3A_191 : memref<64xi32, #tpu.memory_space<vmem>>) semaphore(%run_scoped3A_188 : memref<!tpu.dma_semaphore, #tpu.memory_space<semaphore_mem>>) {add = true}
      %dma_wait3A_195 = arith.constant 0 : i32
      %dma_wait3A_196 = tpu.memref_slice %arg8[%run_scoped3A_138, %dma_wait3A_195] : memref<320x64xi32, #tpu.memory_space<vmem>> -> memref<1x64xi32, #tpu.memory_space<vmem>>
      %dma_wait3A_197 = tpu.memref_squeeze %dma_wait3A_196 : memref<1x64xi32, #tpu.memory_space<vmem>> -> memref<64xi32, #tpu.memory_space<vmem>>
      %dma_wait3A_198 = arith.constant 0 : i32
      %dma_wait3A_199 = arith.constant 0 : i32
      %dma_wait3A_200 = tpu.memref_slice %arg25[%dma_wait3A_198, %dma_wait3A_199] : memref<10240x64xf32, #tpu.memory_space<vmem_shared>> -> memref<10240x64xf32, #tpu.memory_space<vmem_shared>>
      tpu.wait_indirect_dma semaphore(%run_scoped3A_188 : memref<!tpu.dma_semaphore, #tpu.memory_space<semaphore_mem>>) src(%arg12 : memref<64x64xf32, #tpu.memory_space<vmem>>) dst(%dma_wait3A_200 : memref<10240x64xf32, #tpu.memory_space<vmem_shared>>)
      tpu.yield
    }) : () -> ()
    %dma_wait3A_139 = arith.constant 316 : i32
    %dma_wait3A_140 = arith.constant 0 : i32
    %dma_wait3A_141 = tpu.memref_slice %arg7[%dma_wait3A_139, %dma_wait3A_140] : memref<320x64xi32, #tpu.memory_space<vmem>> -> memref<1x64xi32, #tpu.memory_space<vmem>>
    %dma_wait3A_142 = tpu.memref_squeeze %dma_wait3A_141 : memref<1x64xi32, #tpu.memory_space<vmem>> -> memref<64xi32, #tpu.memory_space<vmem>>
    %dma_wait3A_143 = arith.constant 0 : i32
    %dma_wait3A_144 = arith.constant 0 : i32
    %dma_wait3A_145 = tpu.memref_slice %arg2[%arg0, %dma_wait3A_143, %dma_wait3A_144] : memref<2x10240x64xf32, #tpu.memory_space<hbm>> -> memref<1x10240x64xf32, #tpu.memory_space<hbm>>
    %dma_wait3A_146 = tpu.memref_squeeze %dma_wait3A_145 : memref<1x10240x64xf32, #tpu.memory_space<hbm>> -> memref<10240x64xf32, #tpu.memory_space<hbm>>
    %dma_wait3A_147 = arith.constant 0 : i32
    %dma_wait3A_148 = arith.constant 0 : i32
    %dma_wait3A_149 = tpu.memref_slice %dma_wait3A_146[%dma_wait3A_147, %dma_wait3A_148] : memref<10240x64xf32, #tpu.memory_space<hbm>> -> memref<10240x64xf32, #tpu.memory_space<hbm>>
    tpu.wait_indirect_dma semaphore(%arg21 : memref<!tpu.dma_semaphore, #tpu.memory_space<semaphore_mem>>) src(%dma_wait3A_149 : memref<10240x64xf32, #tpu.memory_space<hbm>>) dst(%arg13 : memref<64x64xf32, #tpu.memory_space<vmem>>)
    %run_scoped3A_150 = arith.constant 316 : i32
    "tpu.region"() ({
      %run_scoped3A_188 = tpu.sem_alloc : memref<!tpu.dma_semaphore, #tpu.memory_space<semaphore_mem>>
      %dma_start3A_189 = arith.constant 0 : i32
      %dma_start3A_190 = tpu.memref_slice %arg8[%run_scoped3A_150, %dma_start3A_189] : memref<320x64xi32, #tpu.memory_space<vmem>> -> memref<1x64xi32, #tpu.memory_space<vmem>>
      %dma_start3A_191 = tpu.memref_squeeze %dma_start3A_190 : memref<1x64xi32, #tpu.memory_space<vmem>> -> memref<64xi32, #tpu.memory_space<vmem>>
      %dma_start3A_192 = arith.constant 0 : i32
      %dma_start3A_193 = arith.constant 0 : i32
      %dma_start3A_194 = tpu.memref_slice %arg25[%dma_start3A_192, %dma_start3A_193] : memref<10240x64xf32, #tpu.memory_space<vmem_shared>> -> memref<10240x64xf32, #tpu.memory_space<vmem_shared>>
      tpu.enqueue_indirect_dma source(%arg13 : memref<64x64xf32, #tpu.memory_space<vmem>>) target(%dma_start3A_194 : memref<10240x64xf32, #tpu.memory_space<vmem_shared>>) offsets(%dma_start3A_191 : memref<64xi32, #tpu.memory_space<vmem>>) semaphore(%run_scoped3A_188 : memref<!tpu.dma_semaphore, #tpu.memory_space<semaphore_mem>>) {add = true}
      %dma_wait3A_195 = arith.constant 0 : i32
      %dma_wait3A_196 = tpu.memref_slice %arg8[%run_scoped3A_150, %dma_wait3A_195] : memref<320x64xi32, #tpu.memory_space<vmem>> -> memref<1x64xi32, #tpu.memory_space<vmem>>
      %dma_wait3A_197 = tpu.memref_squeeze %dma_wait3A_196 : memref<1x64xi32, #tpu.memory_space<vmem>> -> memref<64xi32, #tpu.memory_space<vmem>>
      %dma_wait3A_198 = arith.constant 0 : i32
      %dma_wait3A_199 = arith.constant 0 : i32
      %dma_wait3A_200 = tpu.memref_slice %arg25[%dma_wait3A_198, %dma_wait3A_199] : memref<10240x64xf32, #tpu.memory_space<vmem_shared>> -> memref<10240x64xf32, #tpu.memory_space<vmem_shared>>
      tpu.wait_indirect_dma semaphore(%run_scoped3A_188 : memref<!tpu.dma_semaphore, #tpu.memory_space<semaphore_mem>>) src(%arg13 : memref<64x64xf32, #tpu.memory_space<vmem>>) dst(%dma_wait3A_200 : memref<10240x64xf32, #tpu.memory_space<vmem_shared>>)
      tpu.yield
    }) : () -> ()
    %dma_wait3A_151 = arith.constant 317 : i32
    %dma_wait3A_152 = arith.constant 0 : i32
    %dma_wait3A_153 = tpu.memref_slice %arg7[%dma_wait3A_151, %dma_wait3A_152] : memref<320x64xi32, #tpu.memory_space<vmem>> -> memref<1x64xi32, #tpu.memory_space<vmem>>
    %dma_wait3A_154 = tpu.memref_squeeze %dma_wait3A_153 : memref<1x64xi32, #tpu.memory_space<vmem>> -> memref<64xi32, #tpu.memory_space<vmem>>
    %dma_wait3A_155 = arith.constant 0 : i32
    %dma_wait3A_156 = arith.constant 0 : i32
    %dma_wait3A_157 = tpu.memref_slice %arg2[%arg0, %dma_wait3A_155, %dma_wait3A_156] : memref<2x10240x64xf32, #tpu.memory_space<hbm>> -> memref<1x10240x64xf32, #tpu.memory_space<hbm>>
    %dma_wait3A_158 = tpu.memref_squeeze %dma_wait3A_157 : memref<1x10240x64xf32, #tpu.memory_space<hbm>> -> memref<10240x64xf32, #tpu.memory_space<hbm>>
    %dma_wait3A_159 = arith.constant 0 : i32
    %dma_wait3A_160 = arith.constant 0 : i32
    %dma_wait3A_161 = tpu.memref_slice %dma_wait3A_158[%dma_wait3A_159, %dma_wait3A_160] : memref<10240x64xf32, #tpu.memory_space<hbm>> -> memref<10240x64xf32, #tpu.memory_space<hbm>>
    tpu.wait_indirect_dma semaphore(%arg22 : memref<!tpu.dma_semaphore, #tpu.memory_space<semaphore_mem>>) src(%dma_wait3A_161 : memref<10240x64xf32, #tpu.memory_space<hbm>>) dst(%arg14 : memref<64x64xf32, #tpu.memory_space<vmem>>)
    %run_scoped3A_162 = arith.constant 317 : i32
    "tpu.region"() ({
      %run_scoped3A_188 = tpu.sem_alloc : memref<!tpu.dma_semaphore, #tpu.memory_space<semaphore_mem>>
      %dma_start3A_189 = arith.constant 0 : i32
      %dma_start3A_190 = tpu.memref_slice %arg8[%run_scoped3A_162, %dma_start3A_189] : memref<320x64xi32, #tpu.memory_space<vmem>> -> memref<1x64xi32, #tpu.memory_space<vmem>>
      %dma_start3A_191 = tpu.memref_squeeze %dma_start3A_190 : memref<1x64xi32, #tpu.memory_space<vmem>> -> memref<64xi32, #tpu.memory_space<vmem>>
      %dma_start3A_192 = arith.constant 0 : i32
      %dma_start3A_193 = arith.constant 0 : i32
      %dma_start3A_194 = tpu.memref_slice %arg25[%dma_start3A_192, %dma_start3A_193] : memref<10240x64xf32, #tpu.memory_space<vmem_shared>> -> memref<10240x64xf32, #tpu.memory_space<vmem_shared>>
      tpu.enqueue_indirect_dma source(%arg14 : memref<64x64xf32, #tpu.memory_space<vmem>>) target(%dma_start3A_194 : memref<10240x64xf32, #tpu.memory_space<vmem_shared>>) offsets(%dma_start3A_191 : memref<64xi32, #tpu.memory_space<vmem>>) semaphore(%run_scoped3A_188 : memref<!tpu.dma_semaphore, #tpu.memory_space<semaphore_mem>>) {add = true}
      %dma_wait3A_195 = arith.constant 0 : i32
      %dma_wait3A_196 = tpu.memref_slice %arg8[%run_scoped3A_162, %dma_wait3A_195] : memref<320x64xi32, #tpu.memory_space<vmem>> -> memref<1x64xi32, #tpu.memory_space<vmem>>
      %dma_wait3A_197 = tpu.memref_squeeze %dma_wait3A_196 : memref<1x64xi32, #tpu.memory_space<vmem>> -> memref<64xi32, #tpu.memory_space<vmem>>
      %dma_wait3A_198 = arith.constant 0 : i32
      %dma_wait3A_199 = arith.constant 0 : i32
      %dma_wait3A_200 = tpu.memref_slice %arg25[%dma_wait3A_198, %dma_wait3A_199] : memref<10240x64xf32, #tpu.memory_space<vmem_shared>> -> memref<10240x64xf32, #tpu.memory_space<vmem_shared>>
      tpu.wait_indirect_dma semaphore(%run_scoped3A_188 : memref<!tpu.dma_semaphore, #tpu.memory_space<semaphore_mem>>) src(%arg14 : memref<64x64xf32, #tpu.memory_space<vmem>>) dst(%dma_wait3A_200 : memref<10240x64xf32, #tpu.memory_space<vmem_shared>>)
      tpu.yield
    }) : () -> ()
    %dma_wait3A_163 = arith.constant 318 : i32
    %dma_wait3A_164 = arith.constant 0 : i32
    %dma_wait3A_165 = tpu.memref_slice %arg7[%dma_wait3A_163, %dma_wait3A_164] : memref<320x64xi32, #tpu.memory_space<vmem>> -> memref<1x64xi32, #tpu.memory_space<vmem>>
    %dma_wait3A_166 = tpu.memref_squeeze %dma_wait3A_165 : memref<1x64xi32, #tpu.memory_space<vmem>> -> memref<64xi32, #tpu.memory_space<vmem>>
    %dma_wait3A_167 = arith.constant 0 : i32
    %dma_wait3A_168 = arith.constant 0 : i32
    %dma_wait3A_169 = tpu.memref_slice %arg2[%arg0, %dma_wait3A_167, %dma_wait3A_168] : memref<2x10240x64xf32, #tpu.memory_space<hbm>> -> memref<1x10240x64xf32, #tpu.memory_space<hbm>>
    %dma_wait3A_170 = tpu.memref_squeeze %dma_wait3A_169 : memref<1x10240x64xf32, #tpu.memory_space<hbm>> -> memref<10240x64xf32, #tpu.memory_space<hbm>>
    %dma_wait3A_171 = arith.constant 0 : i32
    %dma_wait3A_172 = arith.constant 0 : i32
    %dma_wait3A_173 = tpu.memref_slice %dma_wait3A_170[%dma_wait3A_171, %dma_wait3A_172] : memref<10240x64xf32, #tpu.memory_space<hbm>> -> memref<10240x64xf32, #tpu.memory_space<hbm>>
    tpu.wait_indirect_dma semaphore(%arg23 : memref<!tpu.dma_semaphore, #tpu.memory_space<semaphore_mem>>) src(%dma_wait3A_173 : memref<10240x64xf32, #tpu.memory_space<hbm>>) dst(%arg15 : memref<64x64xf32, #tpu.memory_space<vmem>>)
    %run_scoped3A_174 = arith.constant 318 : i32
    "tpu.region"() ({
      %run_scoped3A_188 = tpu.sem_alloc : memref<!tpu.dma_semaphore, #tpu.memory_space<semaphore_mem>>
      %dma_start3A_189 = arith.constant 0 : i32
      %dma_start3A_190 = tpu.memref_slice %arg8[%run_scoped3A_174, %dma_start3A_189] : memref<320x64xi32, #tpu.memory_space<vmem>> -> memref<1x64xi32, #tpu.memory_space<vmem>>
      %dma_start3A_191 = tpu.memref_squeeze %dma_start3A_190 : memref<1x64xi32, #tpu.memory_space<vmem>> -> memref<64xi32, #tpu.memory_space<vmem>>
      %dma_start3A_192 = arith.constant 0 : i32
      %dma_start3A_193 = arith.constant 0 : i32
      %dma_start3A_194 = tpu.memref_slice %arg25[%dma_start3A_192, %dma_start3A_193] : memref<10240x64xf32, #tpu.memory_space<vmem_shared>> -> memref<10240x64xf32, #tpu.memory_space<vmem_shared>>
      tpu.enqueue_indirect_dma source(%arg15 : memref<64x64xf32, #tpu.memory_space<vmem>>) target(%dma_start3A_194 : memref<10240x64xf32, #tpu.memory_space<vmem_shared>>) offsets(%dma_start3A_191 : memref<64xi32, #tpu.memory_space<vmem>>) semaphore(%run_scoped3A_188 : memref<!tpu.dma_semaphore, #tpu.memory_space<semaphore_mem>>) {add = true}
      %dma_wait3A_195 = arith.constant 0 : i32
      %dma_wait3A_196 = tpu.memref_slice %arg8[%run_scoped3A_174, %dma_wait3A_195] : memref<320x64xi32, #tpu.memory_space<vmem>> -> memref<1x64xi32, #tpu.memory_space<vmem>>
      %dma_wait3A_197 = tpu.memref_squeeze %dma_wait3A_196 : memref<1x64xi32, #tpu.memory_space<vmem>> -> memref<64xi32, #tpu.memory_space<vmem>>
      %dma_wait3A_198 = arith.constant 0 : i32
      %dma_wait3A_199 = arith.constant 0 : i32
      %dma_wait3A_200 = tpu.memref_slice %arg25[%dma_wait3A_198, %dma_wait3A_199] : memref<10240x64xf32, #tpu.memory_space<vmem_shared>> -> memref<10240x64xf32, #tpu.memory_space<vmem_shared>>
      tpu.wait_indirect_dma semaphore(%run_scoped3A_188 : memref<!tpu.dma_semaphore, #tpu.memory_space<semaphore_mem>>) src(%arg15 : memref<64x64xf32, #tpu.memory_space<vmem>>) dst(%dma_wait3A_200 : memref<10240x64xf32, #tpu.memory_space<vmem_shared>>)
      tpu.yield
    }) : () -> ()
    %dma_wait3A_175 = arith.constant 319 : i32
    %dma_wait3A_176 = arith.constant 0 : i32
    %dma_wait3A_177 = tpu.memref_slice %arg7[%dma_wait3A_175, %dma_wait3A_176] : memref<320x64xi32, #tpu.memory_space<vmem>> -> memref<1x64xi32, #tpu.memory_space<vmem>>
    %dma_wait3A_178 = tpu.memref_squeeze %dma_wait3A_177 : memref<1x64xi32, #tpu.memory_space<vmem>> -> memref<64xi32, #tpu.memory_space<vmem>>
    %dma_wait3A_179 = arith.constant 0 : i32
    %dma_wait3A_180 = arith.constant 0 : i32
    %dma_wait3A_181 = tpu.memref_slice %arg2[%arg0, %dma_wait3A_179, %dma_wait3A_180] : memref<2x10240x64xf32, #tpu.memory_space<hbm>> -> memref<1x10240x64xf32, #tpu.memory_space<hbm>>
    %dma_wait3A_182 = tpu.memref_squeeze %dma_wait3A_181 : memref<1x10240x64xf32, #tpu.memory_space<hbm>> -> memref<10240x64xf32, #tpu.memory_space<hbm>>
    %dma_wait3A_183 = arith.constant 0 : i32
    %dma_wait3A_184 = arith.constant 0 : i32
    %dma_wait3A_185 = tpu.memref_slice %dma_wait3A_182[%dma_wait3A_183, %dma_wait3A_184] : memref<10240x64xf32, #tpu.memory_space<hbm>> -> memref<10240x64xf32, #tpu.memory_space<hbm>>
    tpu.wait_indirect_dma semaphore(%arg24 : memref<!tpu.dma_semaphore, #tpu.memory_space<semaphore_mem>>) src(%dma_wait3A_185 : memref<10240x64xf32, #tpu.memory_space<hbm>>) dst(%arg16 : memref<64x64xf32, #tpu.memory_space<vmem>>)
    %run_scoped3A_186 = arith.constant 319 : i32
    "tpu.region"() ({
      %run_scoped3A_188 = tpu.sem_alloc : memref<!tpu.dma_semaphore, #tpu.memory_space<semaphore_mem>>
      %dma_start3A_189 = arith.constant 0 : i32
      %dma_start3A_190 = tpu.memref_slice %arg8[%run_scoped3A_186, %dma_start3A_189] : memref<320x64xi32, #tpu.memory_space<vmem>> -> memref<1x64xi32, #tpu.memory_space<vmem>>
      %dma_start3A_191 = tpu.memref_squeeze %dma_start3A_190 : memref<1x64xi32, #tpu.memory_space<vmem>> -> memref<64xi32, #tpu.memory_space<vmem>>
      %dma_start3A_192 = arith.constant 0 : i32
      %dma_start3A_193 = arith.constant 0 : i32
      %dma_start3A_194 = tpu.memref_slice %arg25[%dma_start3A_192, %dma_start3A_193] : memref<10240x64xf32, #tpu.memory_space<vmem_shared>> -> memref<10240x64xf32, #tpu.memory_space<vmem_shared>>
      tpu.enqueue_indirect_dma source(%arg16 : memref<64x64xf32, #tpu.memory_space<vmem>>) target(%dma_start3A_194 : memref<10240x64xf32, #tpu.memory_space<vmem_shared>>) offsets(%dma_start3A_191 : memref<64xi32, #tpu.memory_space<vmem>>) semaphore(%run_scoped3A_188 : memref<!tpu.dma_semaphore, #tpu.memory_space<semaphore_mem>>) {add = true}
      %dma_wait3A_195 = arith.constant 0 : i32
      %dma_wait3A_196 = tpu.memref_slice %arg8[%run_scoped3A_186, %dma_wait3A_195] : memref<320x64xi32, #tpu.memory_space<vmem>> -> memref<1x64xi32, #tpu.memory_space<vmem>>
      %dma_wait3A_197 = tpu.memref_squeeze %dma_wait3A_196 : memref<1x64xi32, #tpu.memory_space<vmem>> -> memref<64xi32, #tpu.memory_space<vmem>>
      %dma_wait3A_198 = arith.constant 0 : i32
      %dma_wait3A_199 = arith.constant 0 : i32
      %dma_wait3A_200 = tpu.memref_slice %arg25[%dma_wait3A_198, %dma_wait3A_199] : memref<10240x64xf32, #tpu.memory_space<vmem_shared>> -> memref<10240x64xf32, #tpu.memory_space<vmem_shared>>
      tpu.wait_indirect_dma semaphore(%run_scoped3A_188 : memref<!tpu.dma_semaphore, #tpu.memory_space<semaphore_mem>>) src(%arg16 : memref<64x64xf32, #tpu.memory_space<vmem>>) dst(%dma_wait3A_200 : memref<10240x64xf32, #tpu.memory_space<vmem_shared>>)
      tpu.yield
    }) : () -> ()
    %barrier3A_187 = arith.constant 0 : index
    tpu.barrier barrier_id(%barrier3A_187)
    "tpu.region"() ({
      %run_scoped3A_188 = tpu.sem_alloc : memref<!tpu.dma_semaphore, #tpu.memory_space<semaphore_mem>>
      %dma_start3A_189 = arith.constant 0 : i32
      %dma_start3A_190 = tpu.memref_slice %arg6[%arg0, %mul3A_0, %dma_start3A_189] : memref<2x10240x64xf32, #tpu.memory_space<hbm>> -> memref<1x640x64xf32, #tpu.memory_space<hbm>>
      %dma_start3A_191 = tpu.memref_squeeze %dma_start3A_190 : memref<1x640x64xf32, #tpu.memory_space<hbm>> -> memref<640x64xf32, #tpu.memory_space<hbm>>
      %dma_start3A_192 = arith.constant 0 : i32
      %dma_start3A_193 = tpu.memref_slice %arg25[%mul3A_0, %dma_start3A_192] : memref<10240x64xf32, #tpu.memory_space<vmem_shared>> -> memref<640x64xf32, #tpu.memory_space<vmem_shared>>
      tpu.enqueue_dma source(%dma_start3A_193 : memref<640x64xf32, #tpu.memory_space<vmem_shared>>) target(%dma_start3A_191 : memref<640x64xf32, #tpu.memory_space<hbm>>) target_semaphore(%run_scoped3A_188 : memref<!tpu.dma_semaphore, #tpu.memory_space<semaphore_mem>>)
      %dma_wait3A_194 = arith.constant 0 : i32
      %dma_wait3A_195 = tpu.memref_slice %arg6[%arg0, %mul3A_0, %dma_wait3A_194] : memref<2x10240x64xf32, #tpu.memory_space<hbm>> -> memref<1x640x64xf32, #tpu.memory_space<hbm>>
      %dma_wait3A_196 = tpu.memref_squeeze %dma_wait3A_195 : memref<1x640x64xf32, #tpu.memory_space<hbm>> -> memref<640x64xf32, #tpu.memory_space<hbm>>
      %dma_wait3A_197 = arith.constant 0 : i32
      %dma_wait3A_198 = tpu.memref_slice %arg25[%mul3A_0, %dma_wait3A_197] : memref<10240x64xf32, #tpu.memory_space<vmem_shared>> -> memref<640x64xf32, #tpu.memory_space<vmem_shared>>
      tpu.wait_dma2 semaphore(%run_scoped3A_188 : memref<!tpu.dma_semaphore, #tpu.memory_space<semaphore_mem>>) src(%dma_wait3A_198 : memref<640x64xf32, #tpu.memory_space<vmem_shared>>) dst(%dma_wait3A_196 : memref<640x64xf32, #tpu.memory_space<hbm>>)
      tpu.yield
    }) : () -> ()
    return
  }
}

module attributes {stable_mosaic.version = 14 : i64} {
  func.func @_mm1_body(%arg0: i32, %arg1: i32, %arg2: memref<1024x128xf32, #tpu.memory_space<vmem>>, %arg3: memref<1x128x64xf32, #tpu.memory_space<vmem>>, %arg4: memref<1x1024x64xf32, #tpu.memory_space<vmem>>) attributes {dimension_semantics = [#tpu.dimension_semantics<arbitrary>, #tpu.dimension_semantics<arbitrary>], iteration_bounds = array<i64: 2, 10>, scalar_prefetch = 0 : i64, scratch_operands = 0 : i64, tpu.core_type = #tpu.core_type<tc>, window_params = [{transform_indices = @transform_0, window_bounds = array<i64: 1024, 128>}, {transform_indices = @transform_1, window_bounds = array<i64: 1, 128, 64>}, {transform_indices = @transform_2, window_bounds = array<i64: 1, 1024, 64>}]} {
    %get3A = arith.constant 0 : index
    %get3A_0 = arith.constant 0 : index
    %get3A_1 = vector.load %arg2[%get3A, %get3A_0] : memref<1024x128xf32, #tpu.memory_space<vmem>>, vector<1024x128xf32>
    %get3A_2 = arith.constant 0 : index
    %get3A_3 = arith.constant 0 : index
    %get3A_4 = arith.constant 0 : index
    %get3A_5 = vector.load %arg3[%get3A_2, %get3A_3, %get3A_4] : memref<1x128x64xf32, #tpu.memory_space<vmem>>, vector<1x128x64xf32>
    %get3A_6 = vector.shape_cast %get3A_5 : vector<1x128x64xf32> to vector<128x64xf32>
    %dot_general3A = arith.constant dense<0.000000e+00> : vector<1024x64xf32>
    %dot_general3A_7 = tpu.matmul %get3A_1, %get3A_6, %dot_general3A {dimension_numbers = #tpu.dot_dimension_numbers<[1], [0], [0], [1], [0, 0, 1, 1], [], []>, transpose_lhs_hint = false} : vector<1024x128xf32>, vector<128x64xf32>, vector<1024x64xf32> -> vector<1024x64xf32>
    %swap3A = arith.constant 0 : index
    %swap3A_8 = arith.constant 0 : index
    %swap3A_9 = arith.constant 0 : index
    %swap3A_10 = vector.load %arg4[%swap3A, %swap3A_8, %swap3A_9] : memref<1x1024x64xf32, #tpu.memory_space<vmem>>, vector<1x1024x64xf32>
    %swap3A_11 = vector.shape_cast %swap3A_10 : vector<1x1024x64xf32> to vector<1024x64xf32>
    %swap3A_12 = vector.shape_cast %dot_general3A_7 : vector<1024x64xf32> to vector<1x1024x64xf32>
    tpu.vector_store %arg4[%swap3A, %swap3A_8, %swap3A_9], %swap3A_12 {strides = array<i32>} : memref<1x1024x64xf32, #tpu.memory_space<vmem>>, vector<1x1024x64xf32>,
    return
  }
  func.func @transform_0(%arg0: i32, %arg1: i32) -> (i32, i32) {
    %c0_i32 = arith.constant 0 : i32
    %c0_i32_0 = arith.constant 0 : i32
    return %arg1, %c0_i32 : i32, i32
  }
  func.func @transform_1(%arg0: i32, %arg1: i32) -> (i32, i32, i32) {
    %c0_i32 = arith.constant 0 : i32
    %c0_i32_0 = arith.constant 0 : i32
    %c0_i32_1 = arith.constant 0 : i32
    return %arg0, %c0_i32, %c0_i32_0 : i32, i32, i32
  }
  func.func @transform_2(%arg0: i32, %arg1: i32) -> (i32, i32, i32) {
    %c0_i32 = arith.constant 0 : i32
    %c0_i32_0 = arith.constant 0 : i32
    return %arg0, %arg1, %c0_i32 : i32, i32, i32
  }
}

module attributes {stable_mosaic.version = 14 : i64} {
  func.func @_scale1_body(%arg0: i32, %arg1: i32, %arg2: memref<1x1024x64xf32, #tpu.memory_space<vmem>>, %arg3: memref<1x1024x64xf32, #tpu.memory_space<vmem>>, %arg4: memref<1x1024x64xf32, #tpu.memory_space<vmem>>, %arg5: memref<1x1024x64xf32, #tpu.memory_space<vmem>>) attributes {dimension_semantics = [#tpu.dimension_semantics<arbitrary>, #tpu.dimension_semantics<arbitrary>], iteration_bounds = array<i64: 2, 10>, scalar_prefetch = 0 : i64, scratch_operands = 0 : i64, tpu.core_type = #tpu.core_type<tc>, window_params = [{transform_indices = @transform_0, window_bounds = array<i64: 1, 1024, 64>}, {transform_indices = @transform_1, window_bounds = array<i64: 1, 1024, 64>}, {transform_indices = @transform_2, window_bounds = array<i64: 1, 1024, 64>}, {transform_indices = @transform_3, window_bounds = array<i64: 1, 1024, 64>}]} {
    %get3A = arith.constant 0 : index
    %get3A_0 = arith.constant 0 : index
    %get3A_1 = arith.constant 0 : index
    %get3A_2 = vector.load %arg2[%get3A, %get3A_0, %get3A_1] : memref<1x1024x64xf32, #tpu.memory_space<vmem>>, vector<1x1024x64xf32>
    %get3A_3 = vector.shape_cast %get3A_2 : vector<1x1024x64xf32> to vector<1024x64xf32>
    %get3A_4 = arith.constant 0 : index
    %get3A_5 = arith.constant 0 : index
    %get3A_6 = arith.constant 0 : index
    %get3A_7 = vector.load %arg3[%get3A_4, %get3A_5, %get3A_6] : memref<1x1024x64xf32, #tpu.memory_space<vmem>>, vector<1x1024x1xf32>
    %get3A_8 = vector.shape_cast %get3A_7 : vector<1x1024x1xf32> to vector<1024x1xf32>
    %get3A_9 = arith.constant 0 : index
    %get3A_10 = arith.constant 0 : index
    %get3A_11 = arith.constant 0 : index
    %get3A_12 = vector.load %arg4[%get3A_9, %get3A_10, %get3A_11] : memref<1x1024x64xf32, #tpu.memory_space<vmem>>, vector<1x1024x1xf32>
    %get3A_13 = vector.shape_cast %get3A_12 : vector<1x1024x1xf32> to vector<1024x1xf32>
    %add3A = arith.addf %get3A_8, %get3A_13 : vector<1024x1xf32>
    %add3A_14 = arith.constant 1.000000e+00 : f32
    %add3A_15 = vector.broadcast %add3A_14 : f32 to vector<1024x1xf32>
    %add3A_16 = arith.addf %add3A, %add3A_15 : vector<1024x1xf32>
    %rsqrt3A = math.rsqrt %add3A_16 : vector<1024x1xf32>
    %mul3A = vector.broadcast %rsqrt3A : vector<1024x1xf32> to vector<1024x64xf32>
    %mul3A_17 = arith.mulf %get3A_3, %mul3A : vector<1024x64xf32>
    %swap3A = arith.constant 0 : index
    %swap3A_18 = arith.constant 0 : index
    %swap3A_19 = arith.constant 0 : index
    %swap3A_20 = vector.load %arg5[%swap3A, %swap3A_18, %swap3A_19] : memref<1x1024x64xf32, #tpu.memory_space<vmem>>, vector<1x1024x64xf32>
    %swap3A_21 = vector.shape_cast %swap3A_20 : vector<1x1024x64xf32> to vector<1024x64xf32>
    %swap3A_22 = vector.shape_cast %mul3A_17 : vector<1024x64xf32> to vector<1x1024x64xf32>
    tpu.vector_store %arg5[%swap3A, %swap3A_18, %swap3A_19], %swap3A_22 {strides = array<i32>} : memref<1x1024x64xf32, #tpu.memory_space<vmem>>, vector<1x1024x64xf32>,
    return
  }
  func.func @transform_0(%arg0: i32, %arg1: i32) -> (i32, i32, i32) {
    %c0_i32 = arith.constant 0 : i32
    %c0_i32_0 = arith.constant 0 : i32
    return %arg0, %arg1, %c0_i32 : i32, i32, i32
  }
  func.func @transform_1(%arg0: i32, %arg1: i32) -> (i32, i32, i32) {
    %c0_i32 = arith.constant 0 : i32
    %c0_i32_0 = arith.constant 0 : i32
    %c0_i32_1 = arith.constant 0 : i32
    return %c0_i32, %arg1, %c0_i32_0 : i32, i32, i32
  }
  func.func @transform_2(%arg0: i32, %arg1: i32) -> (i32, i32, i32) {
    %c1_i32 = arith.constant 1 : i32
    %c0_i32 = arith.constant 0 : i32
    %c0_i32_0 = arith.constant 0 : i32
    return %c1_i32, %arg1, %c0_i32 : i32, i32, i32
  }
  func.func @transform_3(%arg0: i32, %arg1: i32) -> (i32, i32, i32) {
    %c0_i32 = arith.constant 0 : i32
    %c0_i32_0 = arith.constant 0 : i32
    return %arg0, %arg1, %c0_i32 : i32, i32, i32
  }
}

module attributes {stable_mosaic.version = 14 : i64} {
  func.func @_tc2_body(%arg0: i32, %arg1: i32, %arg2: memref<2x1024x64xf32, #tpu.memory_space<vmem>>, %arg3: memref<2x1024x64xf32, #tpu.memory_space<vmem>>, %arg4: memref<1x1024x64xf32, #tpu.memory_space<vmem>>, %arg5: memref<1x1024x64xf32, #tpu.memory_space<vmem>>, %arg6: memref<1x128xf32, #tpu.memory_space<vmem>>, %arg7: memref<1x128x64xf32, #tpu.memory_space<vmem>>, %arg8: memref<1x1024x64xf32, #tpu.memory_space<vmem>>) attributes {dimension_semantics = [#tpu.dimension_semantics<arbitrary>, #tpu.dimension_semantics<arbitrary>], iteration_bounds = array<i64: 2, 10>, scalar_prefetch = 0 : i64, scratch_operands = 0 : i64, tpu.core_type = #tpu.core_type<tc>, window_params = [{transform_indices = @transform_0, window_bounds = array<i64: 2, 1024, 64>}, {transform_indices = @transform_1, window_bounds = array<i64: 2, 1024, 64>}, {transform_indices = @transform_2, window_bounds = array<i64: 1, 1024, 64>}, {transform_indices = @transform_3, window_bounds = array<i64: 1, 1024, 64>}, {pipeline_mode = #tpu.pipeline_mode<synchronous>, transform_indices = @transform_4, window_bounds = array<i64: 1, 128>}, {transform_indices = @transform_5, window_bounds = array<i64: 1, 128, 64>}, {transform_indices = @transform_6, window_bounds = array<i64: 1, 1024, 64>}]} {
    %get3A = arith.constant 0 : index
    %get3A_0 = arith.constant 0 : index
    %get3A_1 = arith.constant 0 : index
    %get3A_2 = vector.load %arg4[%get3A, %get3A_0, %get3A_1] : memref<1x1024x64xf32, #tpu.memory_space<vmem>>, vector<1x1024x1xf32>
    %get3A_3 = vector.shape_cast %get3A_2 : vector<1x1024x1xf32> to vector<1024x1xf32>
    %get3A_4 = arith.constant 0 : index
    %get3A_5 = arith.constant 0 : index
    %get3A_6 = arith.constant 0 : index
    %get3A_7 = vector.load %arg5[%get3A_4, %get3A_5, %get3A_6] : memref<1x1024x64xf32, #tpu.memory_space<vmem>>, vector<1x1024x1xf32>
    %get3A_8 = vector.shape_cast %get3A_7 : vector<1x1024x1xf32> to vector<1024x1xf32>
    %add3A = arith.addf %get3A_3, %get3A_8 : vector<1024x1xf32>
    %add3A_9 = arith.constant 1.000000e+00 : f32
    %add3A_10 = vector.broadcast %add3A_9 : f32 to vector<1024x1xf32>
    %add3A_11 = arith.addf %add3A, %add3A_10 : vector<1024x1xf32>
    %rsqrt3A = math.rsqrt %add3A_11 : vector<1024x1xf32>
    %get3A_12 = arith.constant 0 : index
    %get3A_13 = arith.constant 0 : index
    %get3A_14 = arith.constant 0 : index
    %get3A_15 = vector.load %arg3[%get3A_12, %get3A_13, %get3A_14] : memref<2x1024x64xf32, #tpu.memory_space<vmem>>, vector<1x1024x64xf32>
    %get3A_16 = vector.shape_cast %get3A_15 : vector<1x1024x64xf32> to vector<1024x64xf32>
    %get3A_17 = arith.constant 0 : index
    %get3A_18 = arith.constant 0 : index
    %get3A_19 = arith.constant 0 : index
    %get3A_20 = vector.load %arg2[%get3A_17, %get3A_18, %get3A_19] : memref<2x1024x64xf32, #tpu.memory_space<vmem>>, vector<1x1024x64xf32>
    %get3A_21 = vector.shape_cast %get3A_20 : vector<1x1024x64xf32> to vector<1024x64xf32>
    %add3A_22 = arith.addf %get3A_16, %get3A_21 : vector<1024x64xf32>
    %mul3A = vector.broadcast %rsqrt3A : vector<1024x1xf32> to vector<1024x64xf32>
    %mul3A_23 = arith.mulf %mul3A, %add3A_22 : vector<1024x64xf32>
    %get3A_24 = arith.constant 1 : index
    %get3A_25 = arith.constant 0 : index
    %get3A_26 = arith.constant 0 : index
    %get3A_27 = vector.load %arg3[%get3A_24, %get3A_25, %get3A_26] : memref<2x1024x64xf32, #tpu.memory_space<vmem>>, vector<1x1024x64xf32>
    %get3A_28 = vector.shape_cast %get3A_27 : vector<1x1024x64xf32> to vector<1024x64xf32>
    %get3A_29 = arith.constant 1 : index
    %get3A_30 = arith.constant 0 : index
    %get3A_31 = arith.constant 0 : index
    %get3A_32 = vector.load %arg2[%get3A_29, %get3A_30, %get3A_31] : memref<2x1024x64xf32, #tpu.memory_space<vmem>>, vector<1x1024x64xf32>
    %get3A_33 = vector.shape_cast %get3A_32 : vector<1x1024x64xf32> to vector<1024x64xf32>
    %add3A_34 = arith.addf %get3A_28, %get3A_33 : vector<1024x64xf32>
    %mul3A_35 = vector.broadcast %rsqrt3A : vector<1024x1xf32> to vector<1024x64xf32>
    %mul3A_36 = arith.mulf %mul3A_35, %add3A_34 : vector<1024x64xf32>
    %concatenate3A = tpu.concatenate %mul3A_23, %mul3A_36 in 1 : vector<1024x64xf32>, vector<1024x64xf32> -> vector<1024x128xf32>
    %get3A_37 = arith.constant 0 : index
    %get3A_38 = arith.constant 0 : index
    %get3A_39 = vector.load %arg6[%get3A_37, %get3A_38] : memref<1x128xf32, #tpu.memory_space<vmem>>, vector<1x128xf32>
    %add3A_40 = vector.broadcast %get3A_39 : vector<1x128xf32> to vector<1024x128xf32>
    %add3A_41 = arith.addf %concatenate3A, %add3A_40 : vector<1024x128xf32>
    %max3A = arith.constant 0.000000e+00 : f32
    %max3A_42 = vector.broadcast %max3A : f32 to vector<1024x128xf32>
    %max3A_43 = arith.maximumf %add3A_41, %max3A_42 : vector<1024x128xf32>
    %get3A_44 = arith.constant 0 : index
    %get3A_45 = arith.constant 0 : index
    %get3A_46 = arith.constant 0 : index
    %get3A_47 = vector.load %arg7[%get3A_44, %get3A_45, %get3A_46] : memref<1x128x64xf32, #tpu.memory_space<vmem>>, vector<1x128x64xf32>
    %get3A_48 = vector.shape_cast %get3A_47 : vector<1x128x64xf32> to vector<128x64xf32>
    %dot_general3A = arith.constant dense<0.000000e+00> : vector<1024x64xf32>
    %dot_general3A_49 = tpu.matmul %max3A_43, %get3A_48, %dot_general3A {dimension_numbers = #tpu.dot_dimension_numbers<[1], [0], [0], [1], [0, 0, 1, 1], [], []>, transpose_lhs_hint = false} : vector<1024x128xf32>, vector<128x64xf32>, vector<1024x64xf32> -> vector<1024x64xf32>
    %mul3A_50 = vector.broadcast %rsqrt3A : vector<1024x1xf32> to vector<1024x64xf32>
    %mul3A_51 = arith.mulf %mul3A_50, %dot_general3A_49 : vector<1024x64xf32>
    %swap3A = arith.constant 0 : index
    %swap3A_52 = arith.constant 0 : index
    %swap3A_53 = arith.constant 0 : index
    %swap3A_54 = vector.load %arg8[%swap3A, %swap3A_52, %swap3A_53] : memref<1x1024x64xf32, #tpu.memory_space<vmem>>, vector<1x1024x64xf32>
    %swap3A_55 = vector.shape_cast %swap3A_54 : vector<1x1024x64xf32> to vector<1024x64xf32>
    %swap3A_56 = vector.shape_cast %mul3A_51 : vector<1024x64xf32> to vector<1x1024x64xf32>
    tpu.vector_store %arg8[%swap3A, %swap3A_52, %swap3A_53], %swap3A_56 {strides = array<i32>} : memref<1x1024x64xf32, #tpu.memory_space<vmem>>, vector<1x1024x64xf32>,
    return
  }
  func.func @transform_0(%arg0: i32, %arg1: i32) -> (i32, i32, i32) {
    %c0_i32 = arith.constant 0 : i32
    %c0_i32_0 = arith.constant 0 : i32
    %c0_i32_1 = arith.constant 0 : i32
    return %c0_i32, %arg1, %c0_i32_0 : i32, i32, i32
  }
  func.func @transform_1(%arg0: i32, %arg1: i32) -> (i32, i32, i32) {
    %c0_i32 = arith.constant 0 : i32
    %c0_i32_0 = arith.constant 0 : i32
    %c0_i32_1 = arith.constant 0 : i32
    return %c0_i32, %arg1, %c0_i32_0 : i32, i32, i32
  }
  func.func @transform_2(%arg0: i32, %arg1: i32) -> (i32, i32, i32) {
    %c0_i32 = arith.constant 0 : i32
    %c0_i32_0 = arith.constant 0 : i32
    %c0_i32_1 = arith.constant 0 : i32
    return %c0_i32, %arg1, %c0_i32_0 : i32, i32, i32
  }
  func.func @transform_3(%arg0: i32, %arg1: i32) -> (i32, i32, i32) {
    %c1_i32 = arith.constant 1 : i32
    %c0_i32 = arith.constant 0 : i32
    %c0_i32_0 = arith.constant 0 : i32
    return %c1_i32, %arg1, %c0_i32 : i32, i32, i32
  }
  func.func @transform_4(%arg0: i32, %arg1: i32) -> (i32, i32) {
    %c0_i32 = arith.constant 0 : i32
    %c0_i32_0 = arith.constant 0 : i32
    %c0_i32_1 = arith.constant 0 : i32
    return %c0_i32, %c0_i32_0 : i32, i32
  }
  func.func @transform_5(%arg0: i32, %arg1: i32) -> (i32, i32, i32) {
    %c0_i32 = arith.constant 0 : i32
    %c0_i32_0 = arith.constant 0 : i32
    %c0_i32_1 = arith.constant 0 : i32
    return %arg0, %c0_i32, %c0_i32_0 : i32, i32, i32
  }
  func.func @transform_6(%arg0: i32, %arg1: i32) -> (i32, i32, i32) {
    %c0_i32 = arith.constant 0 : i32
    %c0_i32_0 = arith.constant 0 : i32
    return %arg0, %arg1, %c0_i32 : i32, i32, i32
  }
}

module attributes {stable_mosaic.version = 14 : i64} {
  func.func @_tc3_body(%arg0: i32, %arg1: memref<2x1024x64xf32, #tpu.memory_space<vmem>>, %arg2: memref<2x1024x64xf32, #tpu.memory_space<vmem>>, %arg3: memref<1x1024x64xf32, #tpu.memory_space<vmem>>, %arg4: memref<1x1024x64xf32, #tpu.memory_space<vmem>>, %arg5: memref<1x128xf32, #tpu.memory_space<vmem>>, %arg6: memref<1024x128xf32, #tpu.memory_space<vmem>>) attributes {dimension_semantics = [#tpu.dimension_semantics<arbitrary>], iteration_bounds = array<i64: 10>, scalar_prefetch = 0 : i64, scratch_operands = 0 : i64, tpu.core_type = #tpu.core_type<tc>, window_params = [{transform_indices = @transform_0, window_bounds = array<i64: 2, 1024, 64>}, {transform_indices = @transform_1, window_bounds = array<i64: 2, 1024, 64>}, {transform_indices = @transform_2, window_bounds = array<i64: 1, 1024, 64>}, {transform_indices = @transform_3, window_bounds = array<i64: 1, 1024, 64>}, {pipeline_mode = #tpu.pipeline_mode<synchronous>, transform_indices = @transform_4, window_bounds = array<i64: 1, 128>}, {transform_indices = @transform_5, window_bounds = array<i64: 1024, 128>}]} {
    %get3A = arith.constant 0 : index
    %get3A_0 = arith.constant 0 : index
    %get3A_1 = arith.constant 0 : index
    %get3A_2 = vector.load %arg3[%get3A, %get3A_0, %get3A_1] : memref<1x1024x64xf32, #tpu.memory_space<vmem>>, vector<1x1024x1xf32>
    %get3A_3 = vector.shape_cast %get3A_2 : vector<1x1024x1xf32> to vector<1024x1xf32>
    %get3A_4 = arith.constant 0 : index
    %get3A_5 = arith.constant 0 : index
    %get3A_6 = arith.constant 0 : index
    %get3A_7 = vector.load %arg4[%get3A_4, %get3A_5, %get3A_6] : memref<1x1024x64xf32, #tpu.memory_space<vmem>>, vector<1x1024x1xf32>
    %get3A_8 = vector.shape_cast %get3A_7 : vector<1x1024x1xf32> to vector<1024x1xf32>
    %add3A = arith.addf %get3A_3, %get3A_8 : vector<1024x1xf32>
    %add3A_9 = arith.constant 1.000000e+00 : f32
    %add3A_10 = vector.broadcast %add3A_9 : f32 to vector<1024x1xf32>
    %add3A_11 = arith.addf %add3A, %add3A_10 : vector<1024x1xf32>
    %rsqrt3A = math.rsqrt %add3A_11 : vector<1024x1xf32>
    %get3A_12 = arith.constant 0 : index
    %get3A_13 = arith.constant 0 : index
    %get3A_14 = arith.constant 0 : index
    %get3A_15 = vector.load %arg2[%get3A_12, %get3A_13, %get3A_14] : memref<2x1024x64xf32, #tpu.memory_space<vmem>>, vector<1x1024x64xf32>
    %get3A_16 = vector.shape_cast %get3A_15 : vector<1x1024x64xf32> to vector<1024x64xf32>
    %get3A_17 = arith.constant 0 : index
    %get3A_18 = arith.constant 0 : index
    %get3A_19 = arith.constant 0 : index
    %get3A_20 = vector.load %arg1[%get3A_17, %get3A_18, %get3A_19] : memref<2x1024x64xf32, #tpu.memory_space<vmem>>, vector<1x1024x64xf32>
    %get3A_21 = vector.shape_cast %get3A_20 : vector<1x1024x64xf32> to vector<1024x64xf32>
    %add3A_22 = arith.addf %get3A_16, %get3A_21 : vector<1024x64xf32>
    %mul3A = vector.broadcast %rsqrt3A : vector<1024x1xf32> to vector<1024x64xf32>
    %mul3A_23 = arith.mulf %mul3A, %add3A_22 : vector<1024x64xf32>
    %get3A_24 = arith.constant 1 : index
    %get3A_25 = arith.constant 0 : index
    %get3A_26 = arith.constant 0 : index
    %get3A_27 = vector.load %arg2[%get3A_24, %get3A_25, %get3A_26] : memref<2x1024x64xf32, #tpu.memory_space<vmem>>, vector<1x1024x64xf32>
    %get3A_28 = vector.shape_cast %get3A_27 : vector<1x1024x64xf32> to vector<1024x64xf32>
    %get3A_29 = arith.constant 1 : index
    %get3A_30 = arith.constant 0 : index
    %get3A_31 = arith.constant 0 : index
    %get3A_32 = vector.load %arg1[%get3A_29, %get3A_30, %get3A_31] : memref<2x1024x64xf32, #tpu.memory_space<vmem>>, vector<1x1024x64xf32>
    %get3A_33 = vector.shape_cast %get3A_32 : vector<1x1024x64xf32> to vector<1024x64xf32>
    %add3A_34 = arith.addf %get3A_28, %get3A_33 : vector<1024x64xf32>
    %mul3A_35 = vector.broadcast %rsqrt3A : vector<1024x1xf32> to vector<1024x64xf32>
    %mul3A_36 = arith.mulf %mul3A_35, %add3A_34 : vector<1024x64xf32>
    %concatenate3A = tpu.concatenate %mul3A_23, %mul3A_36 in 1 : vector<1024x64xf32>, vector<1024x64xf32> -> vector<1024x128xf32>
    %get3A_37 = arith.constant 0 : index
    %get3A_38 = arith.constant 0 : index
    %get3A_39 = vector.load %arg5[%get3A_37, %get3A_38] : memref<1x128xf32, #tpu.memory_space<vmem>>, vector<1x128xf32>
    %add3A_40 = vector.broadcast %get3A_39 : vector<1x128xf32> to vector<1024x128xf32>
    %add3A_41 = arith.addf %concatenate3A, %add3A_40 : vector<1024x128xf32>
    %swap3A = arith.constant 0 : index
    %swap3A_42 = arith.constant 0 : index
    %swap3A_43 = vector.load %arg6[%swap3A, %swap3A_42] : memref<1024x128xf32, #tpu.memory_space<vmem>>, vector<1024x128xf32>
    tpu.vector_store %arg6[%swap3A, %swap3A_42], %add3A_41 {strides = array<i32>} : memref<1024x128xf32, #tpu.memory_space<vmem>>, vector<1024x128xf32>,
    return
  }
  func.func @transform_0(%arg0: i32) -> (i32, i32, i32) {
    %c0_i32 = arith.constant 0 : i32
    %c0_i32_0 = arith.constant 0 : i32
    %c0_i32_1 = arith.constant 0 : i32
    return %c0_i32, %arg0, %c0_i32_0 : i32, i32, i32
  }
  func.func @transform_1(%arg0: i32) -> (i32, i32, i32) {
    %c0_i32 = arith.constant 0 : i32
    %c0_i32_0 = arith.constant 0 : i32
    %c0_i32_1 = arith.constant 0 : i32
    return %c0_i32, %arg0, %c0_i32_0 : i32, i32, i32
  }
  func.func @transform_2(%arg0: i32) -> (i32, i32, i32) {
    %c0_i32 = arith.constant 0 : i32
    %c0_i32_0 = arith.constant 0 : i32
    %c0_i32_1 = arith.constant 0 : i32
    return %c0_i32, %arg0, %c0_i32_0 : i32, i32, i32
  }
  func.func @transform_3(%arg0: i32) -> (i32, i32, i32) {
    %c1_i32 = arith.constant 1 : i32
    %c0_i32 = arith.constant 0 : i32
    %c0_i32_0 = arith.constant 0 : i32
    return %c1_i32, %arg0, %c0_i32 : i32, i32, i32
  }
  func.func @transform_4(%arg0: i32) -> (i32, i32) {
    %c0_i32 = arith.constant 0 : i32
    %c0_i32_0 = arith.constant 0 : i32
    %c0_i32_1 = arith.constant 0 : i32
    return %c0_i32, %c0_i32_0 : i32, i32
  }
  func.func @transform_5(%arg0: i32) -> (i32, i32) {
    %c0_i32 = arith.constant 0 : i32
    %c0_i32_0 = arith.constant 0 : i32
    return %arg0, %c0_i32 : i32, i32
  }
}

</mosaic_0001>

<sc_bundles>
// kernel: kernel.12.cloned.1.call-start
scs
__scs_entry_jumppad:
0x0: {  	(pc) =	sbr.rel $0x88, $3  }
0x1: {  	(tag) =	ssettag $0x0;
	lr =	simm.s32 $0x1  }
0x2: {  	[smem:$0x3F9B] =	sst lr;
	_ =	strace $0xD0000000  }
0x3: {  	_ = 	snop  }
0x4: {  	_ = 	snop  }
0x5: {  	_ = 	snop  }
0x6: {  	_ = 	snop  }
0x7: {  	_ = 	snop  }
__scs_overlays_trampoline_lowered:
0x8: {  	[smem:$0x3FAA] =	sst s0  }
0x9: {  	[smem:$0x3FAB] =	sst s1  }
0xa: {  	[smem:$0x3FAC] =	sst s2  }
0xb: {  	[smem:$0x3FAD] =	sst s3  }
0xc: {  	[smem:$0x3FAE] =	sst s4  }
0xd: {  	[smem:$0x3FAF] =	sst s5  }
0xe: {  	[smem:$0x3FB0] =	sst s6  }
0xf: {  	[smem:$0x3FB1] =	sst s7  }
0x10: {  	[smem:$0x3FB2] =	sst s8  }
0x11: {  	[smem:$0x3FB3] =	sst s9;
	s0 =	simm.s32 @!p0 $0x0  }
0x12: {  	s1 =	sld [smem:$0x3F99];
	s0 =	simm.s32 @p0 $0x1  }
0x13: {  	[smem:$0x3FB4] =	sst s0;
	s0 =	simm.s32 @!p1 $0x0  }
0x14: {  	s2 =	sld [smem:$0x3F98];
	s0 =	simm.s32 @p1 $0x1  }
0x15: {  	[smem:$0x3FB5] =	sst s0;
	s0 =	simm.s32 @!p2 $0x0  }
0x16: {  	s3 =	sld [smem:$0x3FDB];
	s0 =	simm.s32 @p2 $0x1  }
0x17: {  	s4 =	simm.s32 $0x1BF5;
	[smem:$0x3FB7] =	sst s0  }
0x18: {  	s0 =	sld [smem:$0x3F9A];
	_ =	swait.ge [sflag:s4], $0x0  }
0x19: {  	s7 =	sld [smem:$0x3F9B]  }
0x1a: {  	s8 =	sadd.s32 $0xFFFFE003, lr  }
0x1b: {  	s9 =	sadd.s32 $0xFFFFFEF7, lr;
	s5 =	simm.s32 $0xFFFFFFFF;
	p2 =	slt.u32 s8, $0xFFFFF086  }
0x1c: {  	p1 =	slt.u32 s9, $0xF7A;
	s5 =	simm.s32 @!p2 $0x0  }
0x1d: {  	s5 =	simm.s32 @p1 $0x1;
	p0 =	seq.s32 s7, s2  }
0x1e: {  	s7 =	smul.u32 @!p0 $0xF7A, s2;
	p2 =	seq.s32 @!p0 s5, $0x0  }
0x1f: {  	s9 =	smul.u32 $0xF7A, s1;
	s8 =	simm.s32 @!p0 $0x1BF5;
	p2 =	por !p2, p0  }
0x20: {  	[sflag:s8] =	ssyncset.s32 @!p0 $0xFFFFF086;
	s6 =	sadd.s32 @!p0 s3, s7;
	s7 =	simm.s32 @!p0 $0x108  }
0x21: {  	s3 =	sadd.s32 s3, s9;
	s6 =	sadd.s32 @!p0 $0x88, s6;
	s7 =	simm.s32 @p2 $0x1082  }
0x22: {  	[simem:s7], [sflag:s8] =	dma.local @!p0 [hbm:s6], $0xF7A  }
0x23: {  	s9 =	sor.u32 $0xD0000000, s2;
	s6 =	simm.s32 $0x108;
	_ =	swait.ge @!p0 [sflag:s8], $0x0  }
0x24: {  	s3 =	sadd.s32 $0x88, s3;
	s6 =	simm.s32 @!p1 $0x1082;
	[sflag:s4] =	ssyncset.s32 $0xFFFFF086  }
0x25: {  	[simem:s6], [sflag:s4] =	dma.local [hbm:s3], $0xF7A  }
0x26: {  	[smem:$0x3F9B] =	sst s1;
	(tag) =	ssettag s2;
	_ =	strace s9  }
0x27: {  	s1 =	sld [smem:$0x3FAB]  }
0x28: {  	s2 =	sld [smem:$0x3FAC]  }
0x29: {  	s4 =	sld [smem:$0x3FAE]  }
0x2a: {  	p0 =	seq.s32 s5, $0x0;
	s5 =	sld [smem:$0x3FAF]  }
0x2b: {  	s6 =	sld [smem:$0x3FB0]  }
0x2c: {  	s7 =	sld [smem:$0x3FB1]  }
0x2d: {  	s3 =	simm.s32 $0x108;
	s8 =	sld [smem:$0x3FB2]  }
0x2e: {  	s3 =	simm.s32 @!p0 $0x1082;
	s9 =	sld [smem:$0x3FB3]  }
0x2f: {  	lr =	sadd.s32 s0, s3;
	s0 =	sld [smem:$0x3FAA]  }
0x30: {  	s3 =	sld [smem:$0x3FAD]  }
0x31: {  	[smem:$0x3FB6] =	sst s10  }
0x32: {  	s10 =	sld [smem:$0x3FB4];
	_ =	sdelay $0x3  }
0x33: {  	p0 =	seq.s32 s10, $0x1;
	s10 =	sld [smem:$0x3FB6];
	_ =	sdelay $0x3  }
0x34: {  	[smem:$0x3FB6] =	sst s10  }
0x35: {  	s10 =	sld [smem:$0x3FB5];
	_ =	sdelay $0x3  }
0x36: {  	p1 =	seq.s32 s10, $0x1;
	s10 =	sld [smem:$0x3FB6];
	_ =	sdelay $0x3  }
0x37: {  	[smem:$0x3FB6] =	sst s10  }
0x38: {  	s10 =	sld [smem:$0x3FB7]  }
0x39: {  	_ = 	snop;
	(pc) =	sbr.ind lr, $3  }
0x3a: {  	_ = 	snop  }
0x3b: {  	_ = 	snop  }
0x3c: {  	p2 =	seq.s32 s10, $0x1;
	s10 =	sld [smem:$0x3FB6]  }
0x3d: {  	_ =	shalt  }
0x3e: {  	_ =	shalt  }
0x3f: {  	_ =	shalt  }
0x40: {  	_ =	shalt  }
0x41: {  	_ =	shalt  }
0x42: {  	_ =	shalt  }
0x43: {  	_ =	shalt  }
0x44: {  	_ =	shalt  }
0x45: {  	_ =	shalt  }
0x46: {  	_ =	shalt  }
0x47: {  	_ =	shalt  }
0x48: {  	_ =	shalt  }
0x49: {  	_ =	shalt  }
0x4a: {  	_ =	shalt  }
0x4b: {  	_ =	shalt  }
0x4c: {  	_ =	shalt  }
0x4d: {  	_ =	shalt  }
0x4e: {  	_ =	shalt  }
0x4f: {  	_ =	shalt  }
0x50: {  	_ =	shalt  }
0x51: {  	_ =	shalt  }
0x52: {  	_ =	shalt  }
0x53: {  	_ =	shalt  }
0x54: {  	_ =	shalt  }
0x55: {  	_ =	shalt  }
0x56: {  	_ =	shalt  }
0x57: {  	_ =	shalt  }
0x58: {  	_ =	shalt  }
0x59: {  	_ =	shalt  }
0x5a: {  	_ =	shalt  }
0x5b: {  	_ =	shalt  }
0x5c: {  	_ =	shalt  }
0x5d: {  	_ =	shalt  }
0x5e: {  	_ =	shalt  }
0x5f: {  	_ =	shalt  }
0x60: {  	_ =	shalt  }
0x61: {  	_ =	shalt  }
0x62: {  	_ =	shalt  }
0x63: {  	_ =	shalt  }
0x64: {  	_ =	shalt  }
0x65: {  	_ =	shalt  }
0x66: {  	_ =	shalt  }
0x67: {  	_ =	shalt  }
0x68: {  	_ =	shalt  }
0x69: {  	_ =	shalt  }
0x6a: {  	_ =	shalt  }
0x6b: {  	_ =	shalt  }
0x6c: {  	_ =	shalt  }
0x6d: {  	_ =	shalt  }
0x6e: {  	_ =	shalt  }
0x6f: {  	_ =	shalt  }
0x70: {  	_ =	shalt  }
0x71: {  	_ =	shalt  }
0x72: {  	_ =	shalt  }
0x73: {  	_ =	shalt  }
0x74: {  	_ =	shalt  }
0x75: {  	_ =	shalt  }
0x76: {  	_ =	shalt  }
0x77: {  	_ =	shalt  }
0x78: {  	_ =	shalt  }
0x79: {  	_ =	shalt  }
0x7a: {  	_ =	shalt  }
0x7b: {  	_ =	shalt  }
0x7c: {  	_ =	shalt  }
0x7d: {  	_ =	shalt  }
0x7e: {  	_ =	shalt  }
0x7f: {  	_ =	shalt  }
0x80: {  	_ =	shalt  }
0x81: {  	_ =	shalt  }
0x82: {  	_ =	shalt  }
0x83: {  	_ =	shalt  }
0x84: {  	_ =	shalt  }
0x85: {  	_ =	shalt  }
0x86: {  	_ =	shalt  }
0x87: {  	_ =	shalt  }
.Lfunc_end0:
.L_simem_size_0:
called_computation.1_lowered:
.L_overlay_start_0:
0x88: {  	s2 =	sld [smem:$0x3FD9]  }
0x89: {  	s3 =	sld [smem:$0x3FFE];
	_ =	sdelay $0x1  }
0x8a: {  	s1 =	srdreg.scid  }
0x8b: {  	s0 =	sand.u32 $0x1, s1  }
0x8c: {  	s17 =	sshll.u32 s0, $0xA;
	s2 =	sadd.s32 s3, s2  }
0x8d: {  	s2 =	sadd.s32 s2, s17  }
0x8e: {  	[smem:$0x3FC2] =	sst s2  }
0x8f: {  	_ = 	snop  }
0x90: {  	s2 =	sld [smem:$0x3FD0];
	(tm) =	ssettm $0x1  }
0x91: {  	s18 =	sld [smem:$0x3FFB];
	_ =	sdelay $0x3  }
0x92: {  	_ =	strace s18  }
0x93: {  	s3 =	sld [smem:$0x3FFC];
	_ =	sdelay $0x3  }
0x94: {  	_ =	strace s3  }
0x95: {  	s3 =	sld [smem:$0x3FFD];
	_ =	sdelay $0x3  }
0x96: {  	_ =	strace s3  }
0x97: {  	_ =	strace $0x8FFFFFFF  }
0x98: {  	s19 =	sld [smem:$0x3FDB];
	_ =	sdelay $0x1  }
0x99: {  	s4 =	simm.s32 $_scs_section_size  }
0x9a: {  	s5 =	simm.s32 $_size__tile_overlayer_lowered;
	s6 =	simm.s32 $_tile_overlayer_lowered  }
0x9b: {  	s22 =	simm.s32 $0x1BFF;
	s21 =	sshll.u32 s6, $0x1;
	s3 =	sadd.s32 s4, s19  }
0x9c: {  	s7 =	simm.s32 $0x0;
	s20 =	sshll.u32 s5, $0x1;
	s5 =	sadd.s32 s21, s3  }
0x9d: {  	[timem:s7], [sflag:s22] =	dma.local [hbm:s5], s20  }
0x9e: {  	_ =	swait.ge [sflag:s22], s20  }
0x9f: {  	s4 =	ssub.s32 $0x0, s20;
	[sflag:s22] =	ssyncset.done $0x0  }
0xa0: {  	[sflag:s22] =	ssyncadd.s32 s4;
	_ =	sdelay $0x1  }
0xa1: {  	s23 =	simm.s32 $0x1B8B  }
0xa2: {  	_ =	swait.ge [sflag:s23], $0x1  }
0xa3: {  	[sflag:s23] =	ssyncset.done $0x0  }
0xa4: {  	s25 =	simm.s32 $0x1B8E;
	s24 =	sld [smem:$0x3FFE];
	[sflag:s23] =	ssyncadd.s32 $0xFFFFFFFF  }
0xa5: {  	s26 =	simm.s32 $execute0_lowered;
	[smem:$0x3FD2] =	sst s25  }
0xa6: {  	s5 =	sshll.u32 s26, $0x1;
	_ =	strace $0x80000049;
	[dreg:$0x1] =	wrdreg $0xFFFFFFFF  }
0xa7: {  	s28 =	simm.s32 $_size_execute0_lowered;
	s3 =	sadd.s32 s3, s5;
	[dreg:$0x0] =	wrdreg $0x0  }
0xa8: {  	s5 =	sshll.u32 s28, $0x1;
	[dreg:$0x2] =	wrdreg s3  }
0xa9: {  	[dreg:$0x3] =	wrdreg s5  }
0xaa: {  	[dreg:$0x4] =	wrdreg $0xC0  }
0xab: {  	_ =	task [dreg:s7], $0x5FFFF  }
0xac: {  	[dreg:$0x1] =	wrdreg $0xFFFFFFFF  }
0xad: {  	[dreg:$0x0] =	wrdreg $0x60  }
0xae: {  	[dreg:$0x2] =	wrdreg s24  }
0xaf: {  	[dreg:$0x3] =	wrdreg s2  }
0xb0: {  	[dreg:$0x4] =	wrdreg $0x120000  }
0xb1: {  	[dreg:$0x5] =	wrdreg $0x9  }
0xb2: {  	_ =	task.clear_ibuf [dreg:s7], $0x6FFFF;
	_ =	strace $0x90000049  }
0xb3: {  	s29 =	simm.s32 $0x9;
	_ =	strace $0x8000004B  }
0xb4: {  	_ =	swait.ge [sflag:s29], $0x1  }
0xb5: {  	[sflag:s29] =	ssyncadd.s32 $0xFFFFFFFF  }
0xb6: {  	_ =	strace $0x9000004B  }
0xb7: {  	_ =	sfence  }
0xb8: {  	s30 =	sld [smem:$0x0];
	_ =	sdelay $0x2  }
0xb9: {  	s31 =	sshll.u32 s1, $0xD;
	s1 =	sshrl.u32 s1, $0x2  }
0xba: {  	s3 =	sand.u32 $0x4000, s31;
	s1 =	sadd.s32 s1, s30  }
0xbb: {  	s0 =	sor.u32 s3, s0;
	s1 =	sshll.u32 s1, $0x11  }
0xbc: {  	s0 =	sor.u32 s1, s0  }
0xbd: {  	s0 =	sadd.s32 $0x8F2B, s0  }
0xbe: {  	[sflag:s0] =	ssyncadd.remote.s32 $0x1  }
0xbf: {  	_ =	sfence.sel $0xFFFF  }
0xc0: {  	[dreg:$0x0] =	wrdreg $0xFFFFFFFF;
	(pc) =	sbr.abs _section_cstart, $3  }
0xc1: {  	[dreg:$0x1] =	wrdreg $0xFFFFFFFF  }
0xc2: {  	_ =	task.clear_ibuf [dreg:s7], $0x2FFFF;
	_ =	strace $0x9FFFFFFF  }
0xc3: {  	(tm) =	ssettm $0x7FFFFFFF  }
tec
execute0_lowered:
.L_overlay_start_1:
0x0: {  	(tag) =	ssettag $0x1  }
0x1: {  	s0 =	rddreg [dreg:$0x0]  }
0x2: {  	s1 =	rddreg [dreg:$0x1];
	s3 =	srdreg.scid  }
0x3: {  	s2 =	rddreg [dreg:$0x2];
	s12 =	stileid.u32;
	s14 =	simm.s32 $0x40  }
0x4: {  	s15 =	simm.s32 $0xA000;
	s16 =	simm.s32 $0xB000;
	s18 =	simm.s32 $0xC000  }
0x5: {  	s20 =	simm.s32 $0xD000;
	s22 =	simm.s32 $0xE000;
	s29 =	simm.s32 $0x11000  }
0x6: {  	s30 =	simm.s32 $0x1;
	s31 =	simm.s32 $0x2;
	s13 =	simm.s32 $0x5  }
0x7: {  	s17 =	simm.s32 $0x6;
	s19 =	simm.s32 $0x7;
	s21 =	simm.s32 $0x8  }
0x8: {  	s28 =	simm.s32 $0x0;
	s4 =	sand.u32 $0x1, s3;
	s7 =	smul.u32 $0xA00, s12  }
0x9: {  	s3 =	simm.s32 $0x0;
	s8 =	smul.u32 $0xA000, s12;
	s24 =	sadd.s32 $0x1800, s0  }
0xa: {  	s25 =	sshll.u32 s12, $0x6;
	s12 =	simm.s32 $0x9;
	[smem:$0x7FF] =	sst s3  }
0xb: {  	s5 =	smul.u32 $0xA0000, s4;
	s10 =	ssub.s32 $0x2, s4;
	_ =	strace $0x8000004A  }
0xc: {  	s23 =	sadd.s32 s7, s0;
	[dreg:$0x4] =	wrdreg s24;
	s11 =	sshrl.u32 s10, $0x1  }
0xd: {  	s26 =	sadd.s32 s8, s2;
	s7 =	sadd.s32 s1, s7;
	s24 =	simm.s32 $0xF000  }
0xe: {  	s1 =	simm.s32 $0x4;
	s6 =	sshrl.u32 s5, $0x3;
	s5 =	sadd.s32 s8, s5  }
0xf: {  	s10 =	ssub.s32 s10, s11;
	s11 =	sshrl.u32 s26, $0x3;
	s26 =	simm.s32 $0x10000  }
0x10: {  	s9 =	sadd.s32 s6, s0;
	s5 =	sshrl.u32 s5, $0x3;
	s6 =	sadd.s32 $0x2AC00, s23  }
0x11: {  	s10 =	smax.u32 s10, $0x1;
	s0 =	sadd.s32 s5, s0;
	s5 =	sor.u32 $0x1C09, s25  }
0x12: {  	s8 =	sadd.s32 $0x2C00, s9;
	s9 =	sadd.s32 $0x84C00, s0;
	s0 =	simm.s32 $0x3  }
.LBB2_1:
0x13: {  	s4 =	rddreg [dreg:$0x4]  }
0x14: {  	[spmem:s11], [sflag:s5] =	dma.local [hbm:s4], $0x1400  }
0x15: {  	_ =	swait.ge [sflag:s12], $0x1400  }
0x16: {  	[sflag:s12] =	ssyncset.done $0x0  }
0x17: {  	[sflag:s12] =	ssyncadd.s32 $0xFFFFEC00  }
0x18: {  	[tilespmem:s3], [sflag:$0x9] =	stream.linear.gather [hbm4b:s6+s3], $0x5000, $0x38;
	[tilespmem:$0x1C000] =	vst v63  }
0x19: {  	_ =	swait.ge [sflag:s12], $0x5000  }
0x1a: {  	[sflag:s12] =	ssyncset.done $0x0  }
0x1b: {  	s25 =	simm.s32 $0x5000;
	[sflag:s12] =	ssyncadd.s32 $0xFFFFB000  }
0x1c: {  	[tilespmem:s25], [sflag:$0x9] =	stream.linear.gather [hbm4b:s7+s3], $0x5000, $0x38;
	[tilespmem:$0x1C000] =	vst v63  }
0x1d: {  	_ =	swait.ge [sflag:s12], $0x5000  }
0x1e: {  	[sflag:s12] =	ssyncset.done $0x0  }
0x1f: {  	[sflag:s12] =	ssyncadd.s32 $0xFFFFB000  }
0x20: {  	[bflag:$0x0] =	sbarrier.arrive $0xFFFF  }
0x21: {  	[tilespmem:s15], [sflag:$0x1] =	stream.indirect.gather [hbm4b:s8+s14], $0x40, s3, s14, $0xb8;
	[tilespmem:$0x1C000] =	vst v63  }
0x22: {  	_ = 	snop  }
0x23: {  	[tilespmem:s16], [sflag:$0x2] =	stream.indirect.gather [hbm4b:s8+s14], $0x40, s14, s14, $0xb8;
	[tilespmem:$0x1C000] =	vst v63  }
0x24: {  	s23 =	simm.s32 $0x80  }
0x25: {  	[tilespmem:s18], [sflag:$0x3] =	stream.indirect.gather [hbm4b:s8+s14], $0x40, s23, s14, $0xb8;
	[tilespmem:$0x1C000] =	vst v63  }
0x26: {  	s25 =	simm.s32 $0xC0  }
0x27: {  	[tilespmem:s20], [sflag:$0x4] =	stream.indirect.gather [hbm4b:s8+s14], $0x40, s25, s14, $0xb8;
	[tilespmem:$0x1C000] =	vst v63  }
0x28: {  	s23 =	simm.s32 $0x100  }
0x29: {  	[tilespmem:s22], [sflag:$0x5] =	stream.indirect.gather [hbm4b:s8+s14], $0x40, s23, s14, $0xb8;
	[tilespmem:$0x1C000] =	vst v63  }
0x2a: {  	s25 =	simm.s32 $0x140  }
0x2b: {  	[tilespmem:s24], [sflag:$0x6] =	stream.indirect.gather [hbm4b:s8+s14], $0x40, s25, s14, $0xb8;
	[tilespmem:$0x1C000] =	vst v63  }
0x2c: {  	s23 =	simm.s32 $0x180  }
0x2d: {  	[tilespmem:s26], [sflag:$0x7] =	stream.indirect.gather [hbm4b:s8+s14], $0x40, s23, s14, $0xb8;
	[tilespmem:$0x1C000] =	vst v63  }
0x2e: {  	s25 =	simm.s32 $0x1C0  }
0x2f: {  	[tilespmem:s29], [sflag:$0x8] =	stream.indirect.gather [hbm4b:s8+s14], $0x40, s25, s14, $0xb8;
	[tilespmem:$0x1C000] =	vst v63  }
0x30: {  	_ =	swait.ge [sflag:s30], $0x1000  }
0x31: {  	[sflag:s30] =	ssyncset.done $0x0  }
0x32: {  	s23 =	simm.s32 $0x5000;
	[sflag:s30] =	ssyncadd.s32 $0xFFFFF000  }
0x33: {  	[spmem:s2] =	stream.indirect.scatter.add.f32 [tilespmem:s15], [sflag:$0x9], $0x40, s23, s14, $0xb8;
	[tilespmem:$0x1C000] =	vst v63  }
0x34: {  	_ =	swait.ge [sflag:s12], $0x1000  }
0x35: {  	[sflag:s12] =	ssyncset.done $0x0  }
0x36: {  	s4 =	simm.s32 $0x200;
	[sflag:s12] =	ssyncadd.s32 $0xFFFFF000  }
0x37: {  	[tilespmem:s15], [sflag:$0x1] =	stream.indirect.gather [hbm4b:s8+s14], $0x40, s4, s14, $0xb8;
	[tilespmem:$0x1C000] =	vst v63  }
0x38: {  	_ =	swait.ge [sflag:s31], $0x1000  }
0x39: {  	[sflag:s31] =	ssyncset.done $0x0  }
0x3a: {  	s25 =	simm.s32 $0x5040;
	[sflag:s31] =	ssyncadd.s32 $0xFFFFF000  }
0x3b: {  	[spmem:s2] =	stream.indirect.scatter.add.f32 [tilespmem:s16], [sflag:$0x9], $0x40, s25, s14, $0xb8;
	[tilespmem:$0x1C000] =	vst v63  }
0x3c: {  	_ =	swait.ge [sflag:s12], $0x1000  }
0x3d: {  	[sflag:s12] =	ssyncset.done $0x0  }
0x3e: {  	s4 =	simm.s32 $0x240;
	[sflag:s12] =	ssyncadd.s32 $0xFFFFF000  }
0x3f: {  	[tilespmem:s16], [sflag:$0x2] =	stream.indirect.gather [hbm4b:s8+s14], $0x40, s4, s14, $0xb8;
	[tilespmem:$0x1C000] =	vst v63  }
0x40: {  	_ =	swait.ge [sflag:s0], $0x1000  }
0x41: {  	[sflag:s0] =	ssyncset.done $0x0  }
0x42: {  	s25 =	simm.s32 $0x5080;
	[sflag:s0] =	ssyncadd.s32 $0xFFFFF000  }
0x43: {  	[spmem:s2] =	stream.indirect.scatter.add.f32 [tilespmem:s18], [sflag:$0x9], $0x40, s25, s14, $0xb8;
	[tilespmem:$0x1C000] =	vst v63  }
0x44: {  	_ =	swait.ge [sflag:s12], $0x1000  }
0x45: {  	[sflag:s12] =	ssyncset.done $0x0  }
0x46: {  	s4 =	simm.s32 $0x280;
	[sflag:s12] =	ssyncadd.s32 $0xFFFFF000  }
0x47: {  	[tilespmem:s18], [sflag:$0x3] =	stream.indirect.gather [hbm4b:s8+s14], $0x40, s4, s14, $0xb8;
	[tilespmem:$0x1C000] =	vst v63  }
0x48: {  	_ =	swait.ge [sflag:s1], $0x1000  }
0x49: {  	[sflag:s1] =	ssyncset.done $0x0  }
0x4a: {  	s25 =	simm.s32 $0x50C0;
	[sflag:s1] =	ssyncadd.s32 $0xFFFFF000  }
0x4b: {  	[spmem:s2] =	stream.indirect.scatter.add.f32 [tilespmem:s20], [sflag:$0x9], $0x40, s25, s14, $0xb8;
	[tilespmem:$0x1C000] =	vst v63  }
0x4c: {  	_ =	swait.ge [sflag:s12], $0x1000  }
0x4d: {  	[sflag:s12] =	ssyncset.done $0x0  }
0x4e: {  	s4 =	simm.s32 $0x2C0;
	[sflag:s12] =	ssyncadd.s32 $0xFFFFF000  }
0x4f: {  	[tilespmem:s20], [sflag:$0x4] =	stream.indirect.gather [hbm4b:s8+s14], $0x40, s4, s14, $0xb8;
	[tilespmem:$0x1C000] =	vst v63  }
0x50: {  	_ =	swait.ge [sflag:s13], $0x1000  }
0x51: {  	[sflag:s13] =	ssyncset.done $0x0  }
0x52: {  	s25 =	simm.s32 $0x5100;
	[sflag:s13] =	ssyncadd.s32 $0xFFFFF000  }
0x53: {  	[spmem:s2] =	stream.indirect.scatter.add.f32 [tilespmem:s22], [sflag:$0x9], $0x40, s25, s14, $0xb8;
	[tilespmem:$0x1C000] =	vst v63  }
0x54: {  	_ =	swait.ge [sflag:s12], $0x1000  }
0x55: {  	[sflag:s12] =	ssyncset.done $0x0  }
0x56: {  	s4 =	simm.s32 $0x300;
	[sflag:s12] =	ssyncadd.s32 $0xFFFFF000  }
0x57: {  	[tilespmem:s22], [sflag:$0x5] =	stream.indirect.gather [hbm4b:s8+s14], $0x40, s4, s14, $0xb8;
	[tilespmem:$0x1C000] =	vst v63  }
0x58: {  	_ =	swait.ge [sflag:s17], $0x1000  }
0x59: {  	[sflag:s17] =	ssyncset.done $0x0  }
0x5a: {  	s25 =	simm.s32 $0x5140;
	[sflag:s17] =	ssyncadd.s32 $0xFFFFF000  }
0x5b: {  	[spmem:s2] =	stream.indirect.scatter.add.f32 [tilespmem:s24], [sflag:$0x9], $0x40, s25, s14, $0xb8;
	[tilespmem:$0x1C000] =	vst v63  }
0x5c: {  	_ =	swait.ge [sflag:s12], $0x1000  }
0x5d: {  	[sflag:s12] =	ssyncset.done $0x0  }
0x5e: {  	s4 =	simm.s32 $0x340;
	[sflag:s12] =	ssyncadd.s32 $0xFFFFF000  }
0x5f: {  	[tilespmem:s24], [sflag:$0x6] =	stream.indirect.gather [hbm4b:s8+s14], $0x40, s4, s14, $0xb8;
	[tilespmem:$0x1C000] =	vst v63  }
0x60: {  	_ =	swait.ge [sflag:s19], $0x1000  }
0x61: {  	[sflag:s19] =	ssyncset.done $0x0  }
0x62: {  	s25 =	simm.s32 $0x5180;
	[sflag:s19] =	ssyncadd.s32 $0xFFFFF000  }
0x63: {  	[spmem:s2] =	stream.indirect.scatter.add.f32 [tilespmem:s26], [sflag:$0x9], $0x40, s25, s14, $0xb8;
	[tilespmem:$0x1C000] =	vst v63  }
0x64: {  	_ =	swait.ge [sflag:s12], $0x1000  }
0x65: {  	[sflag:s12] =	ssyncset.done $0x0  }
0x66: {  	s4 =	simm.s32 $0x380;
	[sflag:s12] =	ssyncadd.s32 $0xFFFFF000  }
0x67: {  	[tilespmem:s26], [sflag:$0x7] =	stream.indirect.gather [hbm4b:s8+s14], $0x40, s4, s14, $0xb8;
	[tilespmem:$0x1C000] =	vst v63  }
0x68: {  	_ =	swait.ge [sflag:s21], $0x1000  }
0x69: {  	[sflag:s21] =	ssyncset.done $0x0  }
0x6a: {  	s25 =	simm.s32 $0x51C0;
	[sflag:s21] =	ssyncadd.s32 $0xFFFFF000  }
0x6b: {  	[spmem:s2] =	stream.indirect.scatter.add.f32 [tilespmem:s29], [sflag:$0x9], $0x40, s25, s14, $0xb8;
	[tilespmem:$0x1C000] =	vst v63  }
0x6c: {  	_ =	swait.ge [sflag:s12], $0x1000  }
0x6d: {  	[sflag:s12] =	ssyncset.done $0x0  }
0x6e: {  	s23 =	simm.s32 $0x800;
	s25 =	simm.s32 $0x3C0;
	[sflag:s12] =	ssyncadd.s32 $0xFFFFF000  }
.LBB2_2:
0x6f: {  	[tilespmem:s29], [sflag:$0x8] =	stream.indirect.gather [hbm4b:s8+s14], $0x40, s25, s14, $0xb8;
	[tilespmem:$0x1C000] =	vst v63  }
0x70: {  	s25 =	smov.u32 s23  }
0x71: {  	p0 =	sne.s32 s23, $0x13000;
	s23 =	sadd.s32 $0x800, s23;
	_ =	swait.ge [sflag:s30], $0x1000  }
0x72: {  	s25 =	sshra.s32 s25, $0x2;
	[sflag:s30] =	ssyncset.done $0x0  }
0x73: {  	s4 =	sadd.s32 $0x5000, s25;
	[sflag:s30] =	ssyncadd.s32 $0xFFFFF000  }
0x74: {  	[spmem:s2] =	stream.indirect.scatter.add.f32 [tilespmem:s15], [sflag:$0x9], $0x40, s4, s14, $0xb8;
	[tilespmem:$0x1C000] =	vst v63  }
0x75: {  	_ =	swait.ge [sflag:s12], $0x1000  }
0x76: {  	[sflag:s12] =	ssyncset.done $0x0  }
0x77: {  	s4 =	sadd.s32 $0x200, s25;
	[sflag:s12] =	ssyncadd.s32 $0xFFFFF000  }
0x78: {  	[tilespmem:s15], [sflag:$0x1] =	stream.indirect.gather [hbm4b:s8+s14], $0x40, s4, s14, $0xb8;
	[tilespmem:$0x1C000] =	vst v63  }
0x79: {  	_ =	swait.ge [sflag:s31], $0x1000  }
0x7a: {  	[sflag:s31] =	ssyncset.done $0x0  }
0x7b: {  	s4 =	sadd.s32 $0x5040, s25;
	[sflag:s31] =	ssyncadd.s32 $0xFFFFF000  }
0x7c: {  	[spmem:s2] =	stream.indirect.scatter.add.f32 [tilespmem:s16], [sflag:$0x9], $0x40, s4, s14, $0xb8;
	[tilespmem:$0x1C000] =	vst v63  }
0x7d: {  	_ =	swait.ge [sflag:s12], $0x1000  }
0x7e: {  	[sflag:s12] =	ssyncset.done $0x0  }
0x7f: {  	s4 =	sadd.s32 $0x240, s25;
	[sflag:s12] =	ssyncadd.s32 $0xFFFFF000  }
0x80: {  	[tilespmem:s16], [sflag:$0x2] =	stream.indirect.gather [hbm4b:s8+s14], $0x40, s4, s14, $0xb8;
	[tilespmem:$0x1C000] =	vst v63  }
0x81: {  	_ =	swait.ge [sflag:s0], $0x1000  }
0x82: {  	[sflag:s0] =	ssyncset.done $0x0  }
0x83: {  	s4 =	sadd.s32 $0x5080, s25;
	[sflag:s0] =	ssyncadd.s32 $0xFFFFF000  }
0x84: {  	[spmem:s2] =	stream.indirect.scatter.add.f32 [tilespmem:s18], [sflag:$0x9], $0x40, s4, s14, $0xb8;
	[tilespmem:$0x1C000] =	vst v63  }
0x85: {  	_ =	swait.ge [sflag:s12], $0x1000  }
0x86: {  	[sflag:s12] =	ssyncset.done $0x0  }
0x87: {  	s4 =	sadd.s32 $0x280, s25;
	[sflag:s12] =	ssyncadd.s32 $0xFFFFF000  }
0x88: {  	[tilespmem:s18], [sflag:$0x3] =	stream.indirect.gather [hbm4b:s8+s14], $0x40, s4, s14, $0xb8;
	[tilespmem:$0x1C000] =	vst v63  }
0x89: {  	_ =	swait.ge [sflag:s1], $0x1000  }
0x8a: {  	[sflag:s1] =	ssyncset.done $0x0  }
0x8b: {  	s4 =	sadd.s32 $0x50C0, s25;
	[sflag:s1] =	ssyncadd.s32 $0xFFFFF000  }
0x8c: {  	[spmem:s2] =	stream.indirect.scatter.add.f32 [tilespmem:s20], [sflag:$0x9], $0x40, s4, s14, $0xb8;
	[tilespmem:$0x1C000] =	vst v63  }
0x8d: {  	_ =	swait.ge [sflag:s12], $0x1000  }
0x8e: {  	[sflag:s12] =	ssyncset.done $0x0  }
0x8f: {  	s4 =	sadd.s32 $0x2C0, s25;
	[sflag:s12] =	ssyncadd.s32 $0xFFFFF000  }
0x90: {  	[tilespmem:s20], [sflag:$0x4] =	stream.indirect.gather [hbm4b:s8+s14], $0x40, s4, s14, $0xb8;
	[tilespmem:$0x1C000] =	vst v63  }
0x91: {  	_ =	swait.ge [sflag:s13], $0x1000  }
0x92: {  	[sflag:s13] =	ssyncset.done $0x0  }
0x93: {  	s4 =	sadd.s32 $0x5100, s25;
	[sflag:s13] =	ssyncadd.s32 $0xFFFFF000  }
0x94: {  	[spmem:s2] =	stream.indirect.scatter.add.f32 [tilespmem:s22], [sflag:$0x9], $0x40, s4, s14, $0xb8;
	[tilespmem:$0x1C000] =	vst v63  }
0x95: {  	_ =	swait.ge [sflag:s12], $0x1000  }
0x96: {  	[sflag:s12] =	ssyncset.done $0x0  }
0x97: {  	s4 =	sadd.s32 $0x300, s25;
	[sflag:s12] =	ssyncadd.s32 $0xFFFFF000  }
0x98: {  	[tilespmem:s22], [sflag:$0x5] =	stream.indirect.gather [hbm4b:s8+s14], $0x40, s4, s14, $0xb8;
	[tilespmem:$0x1C000] =	vst v63  }
0x99: {  	_ =	swait.ge [sflag:s17], $0x1000  }
0x9a: {  	[sflag:s17] =	ssyncset.done $0x0  }
0x9b: {  	s4 =	sadd.s32 $0x5140, s25;
	[sflag:s17] =	ssyncadd.s32 $0xFFFFF000  }
0x9c: {  	[spmem:s2] =	stream.indirect.scatter.add.f32 [tilespmem:s24], [sflag:$0x9], $0x40, s4, s14, $0xb8;
	[tilespmem:$0x1C000] =	vst v63  }
0x9d: {  	_ =	swait.ge [sflag:s12], $0x1000  }
0x9e: {  	[sflag:s12] =	ssyncset.done $0x0  }
0x9f: {  	s4 =	sadd.s32 $0x340, s25;
	[sflag:s12] =	ssyncadd.s32 $0xFFFFF000  }
0xa0: {  	[tilespmem:s24], [sflag:$0x6] =	stream.indirect.gather [hbm4b:s8+s14], $0x40, s4, s14, $0xb8;
	[tilespmem:$0x1C000] =	vst v63  }
0xa1: {  	_ =	swait.ge [sflag:s19], $0x1000  }
0xa2: {  	[sflag:s19] =	ssyncset.done $0x0  }
0xa3: {  	s4 =	sadd.s32 $0x5180, s25;
	[sflag:s19] =	ssyncadd.s32 $0xFFFFF000  }
0xa4: {  	[spmem:s2] =	stream.indirect.scatter.add.f32 [tilespmem:s26], [sflag:$0x9], $0x40, s4, s14, $0xb8;
	[tilespmem:$0x1C000] =	vst v63  }
0xa5: {  	_ =	swait.ge [sflag:s12], $0x1000  }
0xa6: {  	[sflag:s12] =	ssyncset.done $0x0  }
0xa7: {  	s4 =	sadd.s32 $0x380, s25;
	[sflag:s12] =	ssyncadd.s32 $0xFFFFF000  }
0xa8: {  	[tilespmem:s26], [sflag:$0x7] =	stream.indirect.gather [hbm4b:s8+s14], $0x40, s4, s14, $0xb8;
	[tilespmem:$0x1C000] =	vst v63  }
0xa9: {  	_ =	swait.ge [sflag:s21], $0x1000  }
0xaa: {  	[sflag:s21] =	ssyncset.done $0x0  }
.Ltmp0:
0xab: {  	s4 =	sadd.s32 $0x51C0, s25;
	[sflag:s21] =	ssyncadd.s32 $0xFFFFF000;
	(pc) =	sbr.rel @p0 .LBB2_2-.Ltmp0, $4  }
0xac: {  	[spmem:s2] =	stream.indirect.scatter.add.f32 [tilespmem:s29], [sflag:$0x9], $0x40, s4, s14, $0xb8;
	[tilespmem:$0x1C000] =	vst v63  }
0xad: {  	_ =	swait.ge [sflag:s12], $0x1000  }
0xae: {  	[sflag:s12] =	ssyncset.done $0x0  }
0xaf: {  	s25 =	sadd.s32 $0x3C0, s25;
	[sflag:s12] =	ssyncadd.s32 $0xFFFFF000  }
0xb0: {  	[tilespmem:s29], [sflag:$0x8] =	stream.indirect.gather [hbm4b:s8+s14], $0x40, s25, s14, $0xb8;
	[tilespmem:$0x1C000] =	vst v63  }
0xb1: {  	_ =	swait.ge [sflag:s30], $0x1000  }
0xb2: {  	[sflag:s30] =	ssyncset.done $0x0  }
0xb3: {  	s4 =	simm.s32 $0x9E00;
	[sflag:s30] =	ssyncadd.s32 $0xFFFFF000  }
0xb4: {  	[spmem:s2] =	stream.indirect.scatter.add.f32 [tilespmem:s15], [sflag:$0x9], $0x40, s4, s14, $0xb8;
	[tilespmem:$0x1C000] =	vst v63  }
0xb5: {  	_ =	swait.ge [sflag:s12], $0x1000  }
0xb6: {  	[sflag:s12] =	ssyncset.done $0x0  }
0xb7: {  	[sflag:s12] =	ssyncadd.s32 $0xFFFFF000  }
0xb8: {  	_ =	swait.ge [sflag:s31], $0x1000  }
0xb9: {  	[sflag:s31] =	ssyncset.done $0x0  }
0xba: {  	s25 =	simm.s32 $0x9E40;
	[sflag:s31] =	ssyncadd.s32 $0xFFFFF000  }
0xbb: {  	[spmem:s2] =	stream.indirect.scatter.add.f32 [tilespmem:s16], [sflag:$0x9], $0x40, s25, s14, $0xb8;
	[tilespmem:$0x1C000] =	vst v63  }
0xbc: {  	_ =	swait.ge [sflag:s12], $0x1000  }
0xbd: {  	[sflag:s12] =	ssyncset.done $0x0  }
0xbe: {  	[sflag:s12] =	ssyncadd.s32 $0xFFFFF000  }
0xbf: {  	_ =	swait.ge [sflag:s0], $0x1000  }
0xc0: {  	[sflag:s0] =	ssyncset.done $0x0  }
0xc1: {  	s23 =	simm.s32 $0x9E80;
	[sflag:s0] =	ssyncadd.s32 $0xFFFFF000  }
0xc2: {  	[spmem:s2] =	stream.indirect.scatter.add.f32 [tilespmem:s18], [sflag:$0x9], $0x40, s23, s14, $0xb8;
	[tilespmem:$0x1C000] =	vst v63  }
0xc3: {  	_ =	swait.ge [sflag:s12], $0x1000  }
0xc4: {  	[sflag:s12] =	ssyncset.done $0x0  }
0xc5: {  	[sflag:s12] =	ssyncadd.s32 $0xFFFFF000  }
0xc6: {  	_ =	swait.ge [sflag:s1], $0x1000  }
0xc7: {  	[sflag:s1] =	ssyncset.done $0x0  }
0xc8: {  	s25 =	simm.s32 $0x9EC0;
	[sflag:s1] =	ssyncadd.s32 $0xFFFFF000  }
0xc9: {  	[spmem:s2] =	stream.indirect.scatter.add.f32 [tilespmem:s20], [sflag:$0x9], $0x40, s25, s14, $0xb8;
	[tilespmem:$0x1C000] =	vst v63  }
0xca: {  	_ =	swait.ge [sflag:s12], $0x1000  }
0xcb: {  	[sflag:s12] =	ssyncset.done $0x0  }
0xcc: {  	[sflag:s12] =	ssyncadd.s32 $0xFFFFF000  }
0xcd: {  	_ =	swait.ge [sflag:s13], $0x1000  }
0xce: {  	[sflag:s13] =	ssyncset.done $0x0  }
0xcf: {  	s23 =	simm.s32 $0x9F00;
	[sflag:s13] =	ssyncadd.s32 $0xFFFFF000  }
0xd0: {  	[spmem:s2] =	stream.indirect.scatter.add.f32 [tilespmem:s22], [sflag:$0x9], $0x40, s23, s14, $0xb8;
	[tilespmem:$0x1C000] =	vst v63  }
0xd1: {  	_ =	swait.ge [sflag:s12], $0x1000  }
0xd2: {  	[sflag:s12] =	ssyncset.done $0x0  }
0xd3: {  	[sflag:s12] =	ssyncadd.s32 $0xFFFFF000  }
0xd4: {  	_ =	swait.ge [sflag:s17], $0x1000  }
0xd5: {  	[sflag:s17] =	ssyncset.done $0x0  }
0xd6: {  	s25 =	simm.s32 $0x9F40;
	[sflag:s17] =	ssyncadd.s32 $0xFFFFF000  }
0xd7: {  	[spmem:s2] =	stream.indirect.scatter.add.f32 [tilespmem:s24], [sflag:$0x9], $0x40, s25, s14, $0xb8;
	[tilespmem:$0x1C000] =	vst v63  }
0xd8: {  	_ =	swait.ge [sflag:s12], $0x1000  }
0xd9: {  	[sflag:s12] =	ssyncset.done $0x0  }
0xda: {  	[sflag:s12] =	ssyncadd.s32 $0xFFFFF000  }
0xdb: {  	_ =	swait.ge [sflag:s19], $0x1000  }
0xdc: {  	[sflag:s19] =	ssyncset.done $0x0  }
0xdd: {  	s23 =	simm.s32 $0x9F80;
	[sflag:s19] =	ssyncadd.s32 $0xFFFFF000  }
0xde: {  	[spmem:s2] =	stream.indirect.scatter.add.f32 [tilespmem:s26], [sflag:$0x9], $0x40, s23, s14, $0xb8;
	[tilespmem:$0x1C000] =	vst v63  }
0xdf: {  	_ =	swait.ge [sflag:s12], $0x1000  }
0xe0: {  	[sflag:s12] =	ssyncset.done $0x0  }
0xe1: {  	[sflag:s12] =	ssyncadd.s32 $0xFFFFF000  }
0xe2: {  	_ =	swait.ge [sflag:s21], $0x1000  }
0xe3: {  	[sflag:s21] =	ssyncset.done $0x0  }
0xe4: {  	s25 =	simm.s32 $0x9FC0;
	[sflag:s21] =	ssyncadd.s32 $0xFFFFF000  }
0xe5: {  	[spmem:s2] =	stream.indirect.scatter.add.f32 [tilespmem:s29], [sflag:$0x9], $0x40, s25, s14, $0xb8;
	[tilespmem:$0x1C000] =	vst v63  }
0xe6: {  	_ =	swait.ge [sflag:s12], $0x1000  }
0xe7: {  	s28 =	sadd.s32 $0x1, s28;
	[sflag:s12] =	ssyncset.done $0x0  }
0xe8: {  	p0 =	sne.s32 s28, s10;
	[sflag:s12] =	ssyncadd.s32 $0xFFFFF000  }
.Ltmp1:
0xe9: {  	[bflag:$0x0] =	sbarrier.arrive $0xFFFF;
	(pc) =	sbr.rel @p0 .LBB2_1-.Ltmp1, $4  }
0xea: {  	[hbm:s9], [sflag:s5] =	dma.local [spmem:s11], $0x1400  }
0xeb: {  	_ =	swait.ge [sflag:s12], $0x1400  }
0xec: {  	[sflag:s12] =	ssyncset.done $0x0  }
0xed: {  	[sflag:s12] =	ssyncadd.s32 $0xFFFFEC00  }
0xee: {  	_ =	sfence.sel $0x180000  }
0xef: {  	[bflag:$0x0] =	sbarrier.arrive $0xFFFF  }
0xf0: {  	_ =	strace $0x9000004A  }
0xf1: {  	s0 =	stileid.u32;
	[bflag:$0x2] =	sbarrier.arrive $0xFFFF  }
0xf2: {  	p0 =	sne.s32 s0, $0x0;
	s0 =	rddreg [dreg:$0x3]  }
0xf3: {  	s0 =	sadd.s32 @!p0 $0x100000, s0  }
0xf4: {  	[sflag:s0] =	ssyncadd.tile.s32 @!p0 $0x1;
	_ =	shalt  }
.Lfunc_end2:
_tile_overlayer_lowered:
.L_overlay_start_2:
0xf5: {  	(tag) =	ssettag $0x2  }
0xf6: {  	s0 =	rddreg [dreg:$0x0];
	s2 =	stileid.u32  }
0xf7: {  	s1 =	rddreg [dreg:$0x1];
	p0 =	sne.s32 s2, $0x0  }
0xf8: {  	s3 =	rddreg [dreg:$0x2];
	[bflag:$0x3] =	sbarrier.arrive $0xFFFF;
	s2 =	simm.s32 @!p0 $0x1C09  }
0xf9: {  	[timem:s3], [sflag:s2] =	dma.local @!p0 [hbm:s0], s1  }
0xfa: {  	s0 =	simm.s32 @!p0 $0x9  }
0xfb: {  	_ =	swait.ge @!p0 [sflag:s0], s1  }
0xfc: {  	s1 =	ssub.s32 @!p0 $0x0, s1;
	[sflag:s0] =	ssyncset.done @!p0 $0x0  }
0xfd: {  	[sflag:s0] =	ssyncadd.s32 @!p0 s1  }
0xfe: {  	[bflag:$0x3] =	sbarrier.arrive $0xFFFF  }
0xff: {  	_ =	shalt  }

// kernel: kernel.15.cloned.1.call-start
scs
__scs_entry_jumppad:
0x0: {  	(pc) =	sbr.rel $0x88, $3  }
0x1: {  	(tag) =	ssettag $0x0;
	lr =	simm.s32 $0x1  }
0x2: {  	[smem:$0x3F9B] =	sst lr;
	_ =	strace $0xD0000000  }
0x3: {  	_ = 	snop  }
0x4: {  	_ = 	snop  }
0x5: {  	_ = 	snop  }
0x6: {  	_ = 	snop  }
0x7: {  	_ = 	snop  }
__scs_overlays_trampoline_lowered:
0x8: {  	[smem:$0x3FAA] =	sst s0  }
0x9: {  	[smem:$0x3FAB] =	sst s1  }
0xa: {  	[smem:$0x3FAC] =	sst s2  }
0xb: {  	[smem:$0x3FAD] =	sst s3  }
0xc: {  	[smem:$0x3FAE] =	sst s4  }
0xd: {  	[smem:$0x3FAF] =	sst s5  }
0xe: {  	[smem:$0x3FB0] =	sst s6  }
0xf: {  	[smem:$0x3FB1] =	sst s7  }
0x10: {  	[smem:$0x3FB2] =	sst s8  }
0x11: {  	[smem:$0x3FB3] =	sst s9;
	s0 =	simm.s32 @!p0 $0x0  }
0x12: {  	s1 =	sld [smem:$0x3F99];
	s0 =	simm.s32 @p0 $0x1  }
0x13: {  	[smem:$0x3FB4] =	sst s0;
	s0 =	simm.s32 @!p1 $0x0  }
0x14: {  	s2 =	sld [smem:$0x3F98];
	s0 =	simm.s32 @p1 $0x1  }
0x15: {  	[smem:$0x3FB5] =	sst s0;
	s0 =	simm.s32 @!p2 $0x0  }
0x16: {  	s3 =	sld [smem:$0x3FDB];
	s0 =	simm.s32 @p2 $0x1  }
0x17: {  	s4 =	simm.s32 $0x1BF5;
	[smem:$0x3FB7] =	sst s0  }
0x18: {  	s0 =	sld [smem:$0x3F9A];
	_ =	swait.ge [sflag:s4], $0x0  }
0x19: {  	s7 =	sld [smem:$0x3F9B]  }
0x1a: {  	s8 =	sadd.s32 $0xFFFFE003, lr  }
0x1b: {  	s9 =	sadd.s32 $0xFFFFFEF7, lr;
	s5 =	simm.s32 $0xFFFFFFFF;
	p2 =	slt.u32 s8, $0xFFFFF086  }
0x1c: {  	p1 =	slt.u32 s9, $0xF7A;
	s5 =	simm.s32 @!p2 $0x0  }
0x1d: {  	s5 =	simm.s32 @p1 $0x1;
	p0 =	seq.s32 s7, s2  }
0x1e: {  	s7 =	smul.u32 @!p0 $0xF7A, s2;
	p2 =	seq.s32 @!p0 s5, $0x0  }
0x1f: {  	s9 =	smul.u32 $0xF7A, s1;
	s8 =	simm.s32 @!p0 $0x1BF5;
	p2 =	por !p2, p0  }
0x20: {  	[sflag:s8] =	ssyncset.s32 @!p0 $0xFFFFF086;
	s6 =	sadd.s32 @!p0 s3, s7;
	s7 =	simm.s32 @!p0 $0x108  }
0x21: {  	s3 =	sadd.s32 s3, s9;
	s6 =	sadd.s32 @!p0 $0x88, s6;
	s7 =	simm.s32 @p2 $0x1082  }
0x22: {  	[simem:s7], [sflag:s8] =	dma.local @!p0 [hbm:s6], $0xF7A  }
0x23: {  	s9 =	sor.u32 $0xD0000000, s2;
	s6 =	simm.s32 $0x108;
	_ =	swait.ge @!p0 [sflag:s8], $0x0  }
0x24: {  	s3 =	sadd.s32 $0x88, s3;
	s6 =	simm.s32 @!p1 $0x1082;
	[sflag:s4] =	ssyncset.s32 $0xFFFFF086  }
0x25: {  	[simem:s6], [sflag:s4] =	dma.local [hbm:s3], $0xF7A  }
0x26: {  	[smem:$0x3F9B] =	sst s1;
	(tag) =	ssettag s2;
	_ =	strace s9  }
0x27: {  	s1 =	sld [smem:$0x3FAB]  }
0x28: {  	s2 =	sld [smem:$0x3FAC]  }
0x29: {  	s4 =	sld [smem:$0x3FAE]  }
0x2a: {  	p0 =	seq.s32 s5, $0x0;
	s5 =	sld [smem:$0x3FAF]  }
0x2b: {  	s6 =	sld [smem:$0x3FB0]  }
0x2c: {  	s7 =	sld [smem:$0x3FB1]  }
0x2d: {  	s3 =	simm.s32 $0x108;
	s8 =	sld [smem:$0x3FB2]  }
0x2e: {  	s3 =	simm.s32 @!p0 $0x1082;
	s9 =	sld [smem:$0x3FB3]  }
0x2f: {  	lr =	sadd.s32 s0, s3;
	s0 =	sld [smem:$0x3FAA]  }
0x30: {  	s3 =	sld [smem:$0x3FAD]  }
0x31: {  	[smem:$0x3FB6] =	sst s10  }
0x32: {  	s10 =	sld [smem:$0x3FB4];
	_ =	sdelay $0x3  }
0x33: {  	p0 =	seq.s32 s10, $0x1;
	s10 =	sld [smem:$0x3FB6];
	_ =	sdelay $0x3  }
0x34: {  	[smem:$0x3FB6] =	sst s10  }
0x35: {  	s10 =	sld [smem:$0x3FB5];
	_ =	sdelay $0x3  }
0x36: {  	p1 =	seq.s32 s10, $0x1;
	s10 =	sld [smem:$0x3FB6];
	_ =	sdelay $0x3  }
0x37: {  	[smem:$0x3FB6] =	sst s10  }
0x38: {  	s10 =	sld [smem:$0x3FB7]  }
0x39: {  	_ = 	snop;
	(pc) =	sbr.ind lr, $3  }
0x3a: {  	_ = 	snop  }
0x3b: {  	_ = 	snop  }
0x3c: {  	p2 =	seq.s32 s10, $0x1;
	s10 =	sld [smem:$0x3FB6]  }
0x3d: {  	_ =	shalt  }
0x3e: {  	_ =	shalt  }
0x3f: {  	_ =	shalt  }
0x40: {  	_ =	shalt  }
0x41: {  	_ =	shalt  }
0x42: {  	_ =	shalt  }
0x43: {  	_ =	shalt  }
0x44: {  	_ =	shalt  }
0x45: {  	_ =	shalt  }
0x46: {  	_ =	shalt  }
0x47: {  	_ =	shalt  }
0x48: {  	_ =	shalt  }
0x49: {  	_ =	shalt  }
0x4a: {  	_ =	shalt  }
0x4b: {  	_ =	shalt  }
0x4c: {  	_ =	shalt  }
0x4d: {  	_ =	shalt  }
0x4e: {  	_ =	shalt  }
0x4f: {  	_ =	shalt  }
0x50: {  	_ =	shalt  }
0x51: {  	_ =	shalt  }
0x52: {  	_ =	shalt  }
0x53: {  	_ =	shalt  }
0x54: {  	_ =	shalt  }
0x55: {  	_ =	shalt  }
0x56: {  	_ =	shalt  }
0x57: {  	_ =	shalt  }
0x58: {  	_ =	shalt  }
0x59: {  	_ =	shalt  }
0x5a: {  	_ =	shalt  }
0x5b: {  	_ =	shalt  }
0x5c: {  	_ =	shalt  }
0x5d: {  	_ =	shalt  }
0x5e: {  	_ =	shalt  }
0x5f: {  	_ =	shalt  }
0x60: {  	_ =	shalt  }
0x61: {  	_ =	shalt  }
0x62: {  	_ =	shalt  }
0x63: {  	_ =	shalt  }
0x64: {  	_ =	shalt  }
0x65: {  	_ =	shalt  }
0x66: {  	_ =	shalt  }
0x67: {  	_ =	shalt  }
0x68: {  	_ =	shalt  }
0x69: {  	_ =	shalt  }
0x6a: {  	_ =	shalt  }
0x6b: {  	_ =	shalt  }
0x6c: {  	_ =	shalt  }
0x6d: {  	_ =	shalt  }
0x6e: {  	_ =	shalt  }
0x6f: {  	_ =	shalt  }
0x70: {  	_ =	shalt  }
0x71: {  	_ =	shalt  }
0x72: {  	_ =	shalt  }
0x73: {  	_ =	shalt  }
0x74: {  	_ =	shalt  }
0x75: {  	_ =	shalt  }
0x76: {  	_ =	shalt  }
0x77: {  	_ =	shalt  }
0x78: {  	_ =	shalt  }
0x79: {  	_ =	shalt  }
0x7a: {  	_ =	shalt  }
0x7b: {  	_ =	shalt  }
0x7c: {  	_ =	shalt  }
0x7d: {  	_ =	shalt  }
0x7e: {  	_ =	shalt  }
0x7f: {  	_ =	shalt  }
0x80: {  	_ =	shalt  }
0x81: {  	_ =	shalt  }
0x82: {  	_ =	shalt  }
0x83: {  	_ =	shalt  }
0x84: {  	_ =	shalt  }
0x85: {  	_ =	shalt  }
0x86: {  	_ =	shalt  }
0x87: {  	_ =	shalt  }
.Lfunc_end0:
.L_simem_size_0:
called_computation.2_lowered:
.L_overlay_start_0:
0x88: {  	s2 =	sld [smem:$0x3FD9]  }
0x89: {  	s3 =	sld [smem:$0x3FFE];
	_ =	sdelay $0x1  }
0x8a: {  	s1 =	srdreg.scid  }
0x8b: {  	s0 =	sand.u32 $0x1, s1  }
0x8c: {  	s17 =	sshll.u32 s0, $0xA;
	s2 =	sadd.s32 s3, s2  }
0x8d: {  	s2 =	sadd.s32 s2, s17  }
0x8e: {  	[smem:$0x3FC2] =	sst s2  }
0x8f: {  	_ = 	snop  }
0x90: {  	s2 =	sld [smem:$0x3FD0];
	(tm) =	ssettm $0x1  }
0x91: {  	s18 =	sld [smem:$0x3FFB];
	_ =	sdelay $0x3  }
0x92: {  	_ =	strace s18  }
0x93: {  	s3 =	sld [smem:$0x3FFC];
	_ =	sdelay $0x3  }
0x94: {  	_ =	strace s3  }
0x95: {  	s3 =	sld [smem:$0x3FFD];
	_ =	sdelay $0x3  }
0x96: {  	_ =	strace s3  }
0x97: {  	_ =	strace $0x8FFFFFFF  }
0x98: {  	s19 =	sld [smem:$0x3FDB];
	_ =	sdelay $0x1  }
0x99: {  	s4 =	simm.s32 $_scs_section_size  }
0x9a: {  	s5 =	simm.s32 $_size__tile_overlayer_lowered;
	s6 =	simm.s32 $_tile_overlayer_lowered  }
0x9b: {  	s22 =	simm.s32 $0x1BFF;
	s21 =	sshll.u32 s6, $0x1;
	s3 =	sadd.s32 s4, s19  }
0x9c: {  	s7 =	simm.s32 $0x0;
	s20 =	sshll.u32 s5, $0x1;
	s5 =	sadd.s32 s21, s3  }
0x9d: {  	[timem:s7], [sflag:s22] =	dma.local [hbm:s5], s20  }
0x9e: {  	_ =	swait.ge [sflag:s22], s20  }
0x9f: {  	s4 =	ssub.s32 $0x0, s20;
	[sflag:s22] =	ssyncset.done $0x0  }
0xa0: {  	[sflag:s22] =	ssyncadd.s32 s4;
	_ =	sdelay $0x1  }
0xa1: {  	s23 =	simm.s32 $0x1B8B  }
0xa2: {  	_ =	swait.ge [sflag:s23], $0x1  }
0xa3: {  	[sflag:s23] =	ssyncset.done $0x0  }
0xa4: {  	s25 =	simm.s32 $0x1B8E;
	s24 =	sld [smem:$0x3FFE];
	[sflag:s23] =	ssyncadd.s32 $0xFFFFFFFF  }
0xa5: {  	s26 =	simm.s32 $execute0_lowered;
	[smem:$0x3FD2] =	sst s25  }
0xa6: {  	s5 =	sshll.u32 s26, $0x1;
	_ =	strace $0x8000004C;
	[dreg:$0x1] =	wrdreg $0xFFFFFFFF  }
0xa7: {  	s28 =	simm.s32 $_size_execute0_lowered;
	s3 =	sadd.s32 s3, s5;
	[dreg:$0x0] =	wrdreg $0x0  }
0xa8: {  	s5 =	sshll.u32 s28, $0x1;
	[dreg:$0x2] =	wrdreg s3  }
0xa9: {  	[dreg:$0x3] =	wrdreg s5  }
0xaa: {  	[dreg:$0x4] =	wrdreg $0xC0  }
0xab: {  	_ =	task [dreg:s7], $0x5FFFF  }
0xac: {  	[dreg:$0x1] =	wrdreg $0xFFFFFFFF  }
0xad: {  	[dreg:$0x0] =	wrdreg $0x60  }
0xae: {  	[dreg:$0x2] =	wrdreg s24  }
0xaf: {  	[dreg:$0x3] =	wrdreg s2  }
0xb0: {  	[dreg:$0x4] =	wrdreg $0x120000  }
0xb1: {  	[dreg:$0x5] =	wrdreg $0x9  }
0xb2: {  	_ =	task.clear_ibuf [dreg:s7], $0x6FFFF;
	_ =	strace $0x9000004C  }
0xb3: {  	s29 =	simm.s32 $0x9;
	_ =	strace $0x8000004E  }
0xb4: {  	_ =	swait.ge [sflag:s29], $0x1  }
0xb5: {  	[sflag:s29] =	ssyncadd.s32 $0xFFFFFFFF  }
0xb6: {  	_ =	strace $0x9000004E  }
0xb7: {  	_ =	sfence  }
0xb8: {  	s30 =	sld [smem:$0x0];
	_ =	sdelay $0x2  }
0xb9: {  	s31 =	sshll.u32 s1, $0xD;
	s1 =	sshrl.u32 s1, $0x2  }
0xba: {  	s3 =	sand.u32 $0x4000, s31;
	s1 =	sadd.s32 s1, s30  }
0xbb: {  	s0 =	sor.u32 s3, s0;
	s1 =	sshll.u32 s1, $0x11  }
0xbc: {  	s0 =	sor.u32 s1, s0  }
0xbd: {  	s0 =	sadd.s32 $0x8F2B, s0  }
0xbe: {  	[sflag:s0] =	ssyncadd.remote.s32 $0x1  }
0xbf: {  	_ =	sfence.sel $0xFFFF  }
0xc0: {  	[dreg:$0x0] =	wrdreg $0xFFFFFFFF;
	(pc) =	sbr.abs _section_cstart, $3  }
0xc1: {  	[dreg:$0x1] =	wrdreg $0xFFFFFFFF  }
0xc2: {  	_ =	task.clear_ibuf [dreg:s7], $0x2FFFF;
	_ =	strace $0x9FFFFFFF  }
0xc3: {  	(tm) =	ssettm $0x7FFFFFFF  }
tec
execute0_lowered:
.L_overlay_start_1:
0x0: {  	(tag) =	ssettag $0x1  }
0x1: {  	s0 =	rddreg [dreg:$0x0]  }
0x2: {  	s1 =	rddreg [dreg:$0x1];
	s3 =	srdreg.scid  }
0x3: {  	s2 =	rddreg [dreg:$0x2];
	s12 =	stileid.u32;
	s14 =	simm.s32 $0x40  }
0x4: {  	s15 =	simm.s32 $0xA000;
	s16 =	simm.s32 $0xB000;
	s18 =	simm.s32 $0xC000  }
0x5: {  	s20 =	simm.s32 $0xD000;
	s22 =	simm.s32 $0xE000;
	s29 =	simm.s32 $0x11000  }
0x6: {  	s30 =	simm.s32 $0x1;
	s31 =	simm.s32 $0x2;
	s13 =	simm.s32 $0x5  }
0x7: {  	s17 =	simm.s32 $0x6;
	s19 =	simm.s32 $0x7;
	s21 =	simm.s32 $0x8  }
0x8: {  	s28 =	simm.s32 $0x0;
	s4 =	sand.u32 $0x1, s3;
	s7 =	smul.u32 $0xA00, s12  }
0x9: {  	s3 =	simm.s32 $0x0;
	s8 =	smul.u32 $0xA000, s12;
	s24 =	sadd.s32 $0x1800, s0  }
0xa: {  	s25 =	sshll.u32 s12, $0x6;
	s12 =	simm.s32 $0x9;
	[smem:$0x7FF] =	sst s3  }
0xb: {  	s5 =	smul.u32 $0xA0000, s4;
	s10 =	ssub.s32 $0x2, s4;
	_ =	strace $0x8000004D  }
0xc: {  	s23 =	sadd.s32 s7, s0;
	[dreg:$0x4] =	wrdreg s24;
	s11 =	sshrl.u32 s10, $0x1  }
0xd: {  	s26 =	sadd.s32 s8, s2;
	s7 =	sadd.s32 s1, s7;
	s24 =	simm.s32 $0xF000  }
0xe: {  	s1 =	simm.s32 $0x4;
	s6 =	sshrl.u32 s5, $0x3;
	s5 =	sadd.s32 s8, s5  }
0xf: {  	s10 =	ssub.s32 s10, s11;
	s11 =	sshrl.u32 s26, $0x3;
	s26 =	simm.s32 $0x10000  }
0x10: {  	s9 =	sadd.s32 s6, s0;
	s5 =	sshrl.u32 s5, $0x3;
	s6 =	sadd.s32 $0x2AC00, s23  }
0x11: {  	s10 =	smax.u32 s10, $0x1;
	s0 =	sadd.s32 s5, s0;
	s5 =	sor.u32 $0x1C09, s25  }
0x12: {  	s8 =	sadd.s32 $0x2C00, s9;
	s9 =	sadd.s32 $0x84C00, s0;
	s0 =	simm.s32 $0x3  }
.LBB2_1:
0x13: {  	s4 =	rddreg [dreg:$0x4]  }
0x14: {  	[spmem:s11], [sflag:s5] =	dma.local [hbm:s4], $0x1400  }
0x15: {  	_ =	swait.ge [sflag:s12], $0x1400  }
0x16: {  	[sflag:s12] =	ssyncset.done $0x0  }
0x17: {  	[sflag:s12] =	ssyncadd.s32 $0xFFFFEC00  }
0x18: {  	[tilespmem:s3], [sflag:$0x9] =	stream.linear.gather [hbm4b:s6+s3], $0x5000, $0x38;
	[tilespmem:$0x1C000] =	vst v63  }
0x19: {  	_ =	swait.ge [sflag:s12], $0x5000  }
0x1a: {  	[sflag:s12] =	ssyncset.done $0x0  }
0x1b: {  	s25 =	simm.s32 $0x5000;
	[sflag:s12] =	ssyncadd.s32 $0xFFFFB000  }
0x1c: {  	[tilespmem:s25], [sflag:$0x9] =	stream.linear.gather [hbm4b:s7+s3], $0x5000, $0x38;
	[tilespmem:$0x1C000] =	vst v63  }
0x1d: {  	_ =	swait.ge [sflag:s12], $0x5000  }
0x1e: {  	[sflag:s12] =	ssyncset.done $0x0  }
0x1f: {  	[sflag:s12] =	ssyncadd.s32 $0xFFFFB000  }
0x20: {  	[bflag:$0x0] =	sbarrier.arrive $0xFFFF  }
0x21: {  	[tilespmem:s15], [sflag:$0x1] =	stream.indirect.gather [hbm4b:s8+s14], $0x40, s3, s14, $0xb8;
	[tilespmem:$0x1C000] =	vst v63  }
0x22: {  	_ = 	snop  }
0x23: {  	[tilespmem:s16], [sflag:$0x2] =	stream.indirect.gather [hbm4b:s8+s14], $0x40, s14, s14, $0xb8;
	[tilespmem:$0x1C000] =	vst v63  }
0x24: {  	s23 =	simm.s32 $0x80  }
0x25: {  	[tilespmem:s18], [sflag:$0x3] =	stream.indirect.gather [hbm4b:s8+s14], $0x40, s23, s14, $0xb8;
	[tilespmem:$0x1C000] =	vst v63  }
0x26: {  	s25 =	simm.s32 $0xC0  }
0x27: {  	[tilespmem:s20], [sflag:$0x4] =	stream.indirect.gather [hbm4b:s8+s14], $0x40, s25, s14, $0xb8;
	[tilespmem:$0x1C000] =	vst v63  }
0x28: {  	s23 =	simm.s32 $0x100  }
0x29: {  	[tilespmem:s22], [sflag:$0x5] =	stream.indirect.gather [hbm4b:s8+s14], $0x40, s23, s14, $0xb8;
	[tilespmem:$0x1C000] =	vst v63  }
0x2a: {  	s25 =	simm.s32 $0x140  }
0x2b: {  	[tilespmem:s24], [sflag:$0x6] =	stream.indirect.gather [hbm4b:s8+s14], $0x40, s25, s14, $0xb8;
	[tilespmem:$0x1C000] =	vst v63  }
0x2c: {  	s23 =	simm.s32 $0x180  }
0x2d: {  	[tilespmem:s26], [sflag:$0x7] =	stream.indirect.gather [hbm4b:s8+s14], $0x40, s23, s14, $0xb8;
	[tilespmem:$0x1C000] =	vst v63  }
0x2e: {  	s25 =	simm.s32 $0x1C0  }
0x2f: {  	[tilespmem:s29], [sflag:$0x8] =	stream.indirect.gather [hbm4b:s8+s14], $0x40, s25, s14, $0xb8;
	[tilespmem:$0x1C000] =	vst v63  }
0x30: {  	_ =	swait.ge [sflag:s30], $0x1000  }
0x31: {  	[sflag:s30] =	ssyncset.done $0x0  }
0x32: {  	s23 =	simm.s32 $0x5000;
	[sflag:s30] =	ssyncadd.s32 $0xFFFFF000  }
0x33: {  	[spmem:s2] =	stream.indirect.scatter.add.f32 [tilespmem:s15], [sflag:$0x9], $0x40, s23, s14, $0xb8;
	[tilespmem:$0x1C000] =	vst v63  }
0x34: {  	_ =	swait.ge [sflag:s12], $0x1000  }
0x35: {  	[sflag:s12] =	ssyncset.done $0x0  }
0x36: {  	s4 =	simm.s32 $0x200;
	[sflag:s12] =	ssyncadd.s32 $0xFFFFF000  }
0x37: {  	[tilespmem:s15], [sflag:$0x1] =	stream.indirect.gather [hbm4b:s8+s14], $0x40, s4, s14, $0xb8;
	[tilespmem:$0x1C000] =	vst v63  }
0x38: {  	_ =	swait.ge [sflag:s31], $0x1000  }
0x39: {  	[sflag:s31] =	ssyncset.done $0x0  }
0x3a: {  	s25 =	simm.s32 $0x5040;
	[sflag:s31] =	ssyncadd.s32 $0xFFFFF000  }
0x3b: {  	[spmem:s2] =	stream.indirect.scatter.add.f32 [tilespmem:s16], [sflag:$0x9], $0x40, s25, s14, $0xb8;
	[tilespmem:$0x1C000] =	vst v63  }
0x3c: {  	_ =	swait.ge [sflag:s12], $0x1000  }
0x3d: {  	[sflag:s12] =	ssyncset.done $0x0  }
0x3e: {  	s4 =	simm.s32 $0x240;
	[sflag:s12] =	ssyncadd.s32 $0xFFFFF000  }
0x3f: {  	[tilespmem:s16], [sflag:$0x2] =	stream.indirect.gather [hbm4b:s8+s14], $0x40, s4, s14, $0xb8;
	[tilespmem:$0x1C000] =	vst v63  }
0x40: {  	_ =	swait.ge [sflag:s0], $0x1000  }
0x41: {  	[sflag:s0] =	ssyncset.done $0x0  }
0x42: {  	s25 =	simm.s32 $0x5080;
	[sflag:s0] =	ssyncadd.s32 $0xFFFFF000  }
0x43: {  	[spmem:s2] =	stream.indirect.scatter.add.f32 [tilespmem:s18], [sflag:$0x9], $0x40, s25, s14, $0xb8;
	[tilespmem:$0x1C000] =	vst v63  }
0x44: {  	_ =	swait.ge [sflag:s12], $0x1000  }
0x45: {  	[sflag:s12] =	ssyncset.done $0x0  }
0x46: {  	s4 =	simm.s32 $0x280;
	[sflag:s12] =	ssyncadd.s32 $0xFFFFF000  }
0x47: {  	[tilespmem:s18], [sflag:$0x3] =	stream.indirect.gather [hbm4b:s8+s14], $0x40, s4, s14, $0xb8;
	[tilespmem:$0x1C000] =	vst v63  }
0x48: {  	_ =	swait.ge [sflag:s1], $0x1000  }
0x49: {  	[sflag:s1] =	ssyncset.done $0x0  }
0x4a: {  	s25 =	simm.s32 $0x50C0;
	[sflag:s1] =	ssyncadd.s32 $0xFFFFF000  }
0x4b: {  	[spmem:s2] =	stream.indirect.scatter.add.f32 [tilespmem:s20], [sflag:$0x9], $0x40, s25, s14, $0xb8;
	[tilespmem:$0x1C000] =	vst v63  }
0x4c: {  	_ =	swait.ge [sflag:s12], $0x1000  }
0x4d: {  	[sflag:s12] =	ssyncset.done $0x0  }
0x4e: {  	s4 =	simm.s32 $0x2C0;
	[sflag:s12] =	ssyncadd.s32 $0xFFFFF000  }
0x4f: {  	[tilespmem:s20], [sflag:$0x4] =	stream.indirect.gather [hbm4b:s8+s14], $0x40, s4, s14, $0xb8;
	[tilespmem:$0x1C000] =	vst v63  }
0x50: {  	_ =	swait.ge [sflag:s13], $0x1000  }
0x51: {  	[sflag:s13] =	ssyncset.done $0x0  }
0x52: {  	s25 =	simm.s32 $0x5100;
	[sflag:s13] =	ssyncadd.s32 $0xFFFFF000  }
0x53: {  	[spmem:s2] =	stream.indirect.scatter.add.f32 [tilespmem:s22], [sflag:$0x9], $0x40, s25, s14, $0xb8;
	[tilespmem:$0x1C000] =	vst v63  }
0x54: {  	_ =	swait.ge [sflag:s12], $0x1000  }
0x55: {  	[sflag:s12] =	ssyncset.done $0x0  }
0x56: {  	s4 =	simm.s32 $0x300;
	[sflag:s12] =	ssyncadd.s32 $0xFFFFF000  }
0x57: {  	[tilespmem:s22], [sflag:$0x5] =	stream.indirect.gather [hbm4b:s8+s14], $0x40, s4, s14, $0xb8;
	[tilespmem:$0x1C000] =	vst v63  }
0x58: {  	_ =	swait.ge [sflag:s17], $0x1000  }
0x59: {  	[sflag:s17] =	ssyncset.done $0x0  }
0x5a: {  	s25 =	simm.s32 $0x5140;
	[sflag:s17] =	ssyncadd.s32 $0xFFFFF000  }
0x5b: {  	[spmem:s2] =	stream.indirect.scatter.add.f32 [tilespmem:s24], [sflag:$0x9], $0x40, s25, s14, $0xb8;
	[tilespmem:$0x1C000] =	vst v63  }
0x5c: {  	_ =	swait.ge [sflag:s12], $0x1000  }
0x5d: {  	[sflag:s12] =	ssyncset.done $0x0  }
0x5e: {  	s4 =	simm.s32 $0x340;
	[sflag:s12] =	ssyncadd.s32 $0xFFFFF000  }
0x5f: {  	[tilespmem:s24], [sflag:$0x6] =	stream.indirect.gather [hbm4b:s8+s14], $0x40, s4, s14, $0xb8;
	[tilespmem:$0x1C000] =	vst v63  }
0x60: {  	_ =	swait.ge [sflag:s19], $0x1000  }
0x61: {  	[sflag:s19] =	ssyncset.done $0x0  }
0x62: {  	s25 =	simm.s32 $0x5180;
	[sflag:s19] =	ssyncadd.s32 $0xFFFFF000  }
0x63: {  	[spmem:s2] =	stream.indirect.scatter.add.f32 [tilespmem:s26], [sflag:$0x9], $0x40, s25, s14, $0xb8;
	[tilespmem:$0x1C000] =	vst v63  }
0x64: {  	_ =	swait.ge [sflag:s12], $0x1000  }
0x65: {  	[sflag:s12] =	ssyncset.done $0x0  }
0x66: {  	s4 =	simm.s32 $0x380;
	[sflag:s12] =	ssyncadd.s32 $0xFFFFF000  }
0x67: {  	[tilespmem:s26], [sflag:$0x7] =	stream.indirect.gather [hbm4b:s8+s14], $0x40, s4, s14, $0xb8;
	[tilespmem:$0x1C000] =	vst v63  }
0x68: {  	_ =	swait.ge [sflag:s21], $0x1000  }
0x69: {  	[sflag:s21] =	ssyncset.done $0x0  }
0x6a: {  	s25 =	simm.s32 $0x51C0;
	[sflag:s21] =	ssyncadd.s32 $0xFFFFF000  }
0x6b: {  	[spmem:s2] =	stream.indirect.scatter.add.f32 [tilespmem:s29], [sflag:$0x9], $0x40, s25, s14, $0xb8;
	[tilespmem:$0x1C000] =	vst v63  }
0x6c: {  	_ =	swait.ge [sflag:s12], $0x1000  }
0x6d: {  	[sflag:s12] =	ssyncset.done $0x0  }
0x6e: {  	s23 =	simm.s32 $0x800;
	s25 =	simm.s32 $0x3C0;
	[sflag:s12] =	ssyncadd.s32 $0xFFFFF000  }
.LBB2_2:
0x6f: {  	[tilespmem:s29], [sflag:$0x8] =	stream.indirect.gather [hbm4b:s8+s14], $0x40, s25, s14, $0xb8;
	[tilespmem:$0x1C000] =	vst v63  }
0x70: {  	s25 =	smov.u32 s23  }
0x71: {  	p0 =	sne.s32 s23, $0x13000;
	s23 =	sadd.s32 $0x800, s23;
	_ =	swait.ge [sflag:s30], $0x1000  }
0x72: {  	s25 =	sshra.s32 s25, $0x2;
	[sflag:s30] =	ssyncset.done $0x0  }
0x73: {  	s4 =	sadd.s32 $0x5000, s25;
	[sflag:s30] =	ssyncadd.s32 $0xFFFFF000  }
0x74: {  	[spmem:s2] =	stream.indirect.scatter.add.f32 [tilespmem:s15], [sflag:$0x9], $0x40, s4, s14, $0xb8;
	[tilespmem:$0x1C000] =	vst v63  }
0x75: {  	_ =	swait.ge [sflag:s12], $0x1000  }
0x76: {  	[sflag:s12] =	ssyncset.done $0x0  }
0x77: {  	s4 =	sadd.s32 $0x200, s25;
	[sflag:s12] =	ssyncadd.s32 $0xFFFFF000  }
0x78: {  	[tilespmem:s15], [sflag:$0x1] =	stream.indirect.gather [hbm4b:s8+s14], $0x40, s4, s14, $0xb8;
	[tilespmem:$0x1C000] =	vst v63  }
0x79: {  	_ =	swait.ge [sflag:s31], $0x1000  }
0x7a: {  	[sflag:s31] =	ssyncset.done $0x0  }
0x7b: {  	s4 =	sadd.s32 $0x5040, s25;
	[sflag:s31] =	ssyncadd.s32 $0xFFFFF000  }
0x7c: {  	[spmem:s2] =	stream.indirect.scatter.add.f32 [tilespmem:s16], [sflag:$0x9], $0x40, s4, s14, $0xb8;
	[tilespmem:$0x1C000] =	vst v63  }
0x7d: {  	_ =	swait.ge [sflag:s12], $0x1000  }
0x7e: {  	[sflag:s12] =	ssyncset.done $0x0  }
0x7f: {  	s4 =	sadd.s32 $0x240, s25;
	[sflag:s12] =	ssyncadd.s32 $0xFFFFF000  }
0x80: {  	[tilespmem:s16], [sflag:$0x2] =	stream.indirect.gather [hbm4b:s8+s14], $0x40, s4, s14, $0xb8;
	[tilespmem:$0x1C000] =	vst v63  }
0x81: {  	_ =	swait.ge [sflag:s0], $0x1000  }
0x82: {  	[sflag:s0] =	ssyncset.done $0x0  }
0x83: {  	s4 =	sadd.s32 $0x5080, s25;
	[sflag:s0] =	ssyncadd.s32 $0xFFFFF000  }
0x84: {  	[spmem:s2] =	stream.indirect.scatter.add.f32 [tilespmem:s18], [sflag:$0x9], $0x40, s4, s14, $0xb8;
	[tilespmem:$0x1C000] =	vst v63  }
0x85: {  	_ =	swait.ge [sflag:s12], $0x1000  }
0x86: {  	[sflag:s12] =	ssyncset.done $0x0  }
0x87: {  	s4 =	sadd.s32 $0x280, s25;
	[sflag:s12] =	ssyncadd.s32 $0xFFFFF000  }
0x88: {  	[tilespmem:s18], [sflag:$0x3] =	stream.indirect.gather [hbm4b:s8+s14], $0x40, s4, s14, $0xb8;
	[tilespmem:$0x1C000] =	vst v63  }
0x89: {  	_ =	swait.ge [sflag:s1], $0x1000  }
0x8a: {  	[sflag:s1] =	ssyncset.done $0x0  }
0x8b: {  	s4 =	sadd.s32 $0x50C0, s25;
	[sflag:s1] =	ssyncadd.s32 $0xFFFFF000  }
0x8c: {  	[spmem:s2] =	stream.indirect.scatter.add.f32 [tilespmem:s20], [sflag:$0x9], $0x40, s4, s14, $0xb8;
	[tilespmem:$0x1C000] =	vst v63  }
0x8d: {  	_ =	swait.ge [sflag:s12], $0x1000  }
0x8e: {  	[sflag:s12] =	ssyncset.done $0x0  }
0x8f: {  	s4 =	sadd.s32 $0x2C0, s25;
	[sflag:s12] =	ssyncadd.s32 $0xFFFFF000  }
0x90: {  	[tilespmem:s20], [sflag:$0x4] =	stream.indirect.gather [hbm4b:s8+s14], $0x40, s4, s14, $0xb8;
	[tilespmem:$0x1C000] =	vst v63  }
0x91: {  	_ =	swait.ge [sflag:s13], $0x1000  }
0x92: {  	[sflag:s13] =	ssyncset.done $0x0  }
0x93: {  	s4 =	sadd.s32 $0x5100, s25;
	[sflag:s13] =	ssyncadd.s32 $0xFFFFF000  }
0x94: {  	[spmem:s2] =	stream.indirect.scatter.add.f32 [tilespmem:s22], [sflag:$0x9], $0x40, s4, s14, $0xb8;
	[tilespmem:$0x1C000] =	vst v63  }
0x95: {  	_ =	swait.ge [sflag:s12], $0x1000  }
0x96: {  	[sflag:s12] =	ssyncset.done $0x0  }
0x97: {  	s4 =	sadd.s32 $0x300, s25;
	[sflag:s12] =	ssyncadd.s32 $0xFFFFF000  }
0x98: {  	[tilespmem:s22], [sflag:$0x5] =	stream.indirect.gather [hbm4b:s8+s14], $0x40, s4, s14, $0xb8;
	[tilespmem:$0x1C000] =	vst v63  }
0x99: {  	_ =	swait.ge [sflag:s17], $0x1000  }
0x9a: {  	[sflag:s17] =	ssyncset.done $0x0  }
0x9b: {  	s4 =	sadd.s32 $0x5140, s25;
	[sflag:s17] =	ssyncadd.s32 $0xFFFFF000  }
0x9c: {  	[spmem:s2] =	stream.indirect.scatter.add.f32 [tilespmem:s24], [sflag:$0x9], $0x40, s4, s14, $0xb8;
	[tilespmem:$0x1C000] =	vst v63  }
0x9d: {  	_ =	swait.ge [sflag:s12], $0x1000  }
0x9e: {  	[sflag:s12] =	ssyncset.done $0x0  }
0x9f: {  	s4 =	sadd.s32 $0x340, s25;
	[sflag:s12] =	ssyncadd.s32 $0xFFFFF000  }
0xa0: {  	[tilespmem:s24], [sflag:$0x6] =	stream.indirect.gather [hbm4b:s8+s14], $0x40, s4, s14, $0xb8;
	[tilespmem:$0x1C000] =	vst v63  }
0xa1: {  	_ =	swait.ge [sflag:s19], $0x1000  }
0xa2: {  	[sflag:s19] =	ssyncset.done $0x0  }
0xa3: {  	s4 =	sadd.s32 $0x5180, s25;
	[sflag:s19] =	ssyncadd.s32 $0xFFFFF000  }
0xa4: {  	[spmem:s2] =	stream.indirect.scatter.add.f32 [tilespmem:s26], [sflag:$0x9], $0x40, s4, s14, $0xb8;
	[tilespmem:$0x1C000] =	vst v63  }
0xa5: {  	_ =	swait.ge [sflag:s12], $0x1000  }
0xa6: {  	[sflag:s12] =	ssyncset.done $0x0  }
0xa7: {  	s4 =	sadd.s32 $0x380, s25;
	[sflag:s12] =	ssyncadd.s32 $0xFFFFF000  }
0xa8: {  	[tilespmem:s26], [sflag:$0x7] =	stream.indirect.gather [hbm4b:s8+s14], $0x40, s4, s14, $0xb8;
	[tilespmem:$0x1C000] =	vst v63  }
0xa9: {  	_ =	swait.ge [sflag:s21], $0x1000  }
0xaa: {  	[sflag:s21] =	ssyncset.done $0x0  }
.Ltmp0:
0xab: {  	s4 =	sadd.s32 $0x51C0, s25;
	[sflag:s21] =	ssyncadd.s32 $0xFFFFF000;
	(pc) =	sbr.rel @p0 .LBB2_2-.Ltmp0, $4  }
0xac: {  	[spmem:s2] =	stream.indirect.scatter.add.f32 [tilespmem:s29], [sflag:$0x9], $0x40, s4, s14, $0xb8;
	[tilespmem:$0x1C000] =	vst v63  }
0xad: {  	_ =	swait.ge [sflag:s12], $0x1000  }
0xae: {  	[sflag:s12] =	ssyncset.done $0x0  }
0xaf: {  	s25 =	sadd.s32 $0x3C0, s25;
	[sflag:s12] =	ssyncadd.s32 $0xFFFFF000  }
0xb0: {  	[tilespmem:s29], [sflag:$0x8] =	stream.indirect.gather [hbm4b:s8+s14], $0x40, s25, s14, $0xb8;
	[tilespmem:$0x1C000] =	vst v63  }
0xb1: {  	_ =	swait.ge [sflag:s30], $0x1000  }
0xb2: {  	[sflag:s30] =	ssyncset.done $0x0  }
0xb3: {  	s4 =	simm.s32 $0x9E00;
	[sflag:s30] =	ssyncadd.s32 $0xFFFFF000  }
0xb4: {  	[spmem:s2] =	stream.indirect.scatter.add.f32 [tilespmem:s15], [sflag:$0x9], $0x40, s4, s14, $0xb8;
	[tilespmem:$0x1C000] =	vst v63  }
0xb5: {  	_ =	swait.ge [sflag:s12], $0x1000  }
0xb6: {  	[sflag:s12] =	ssyncset.done $0x0  }
0xb7: {  	[sflag:s12] =	ssyncadd.s32 $0xFFFFF000  }
0xb8: {  	_ =	swait.ge [sflag:s31], $0x1000  }
0xb9: {  	[sflag:s31] =	ssyncset.done $0x0  }
0xba: {  	s25 =	simm.s32 $0x9E40;
	[sflag:s31] =	ssyncadd.s32 $0xFFFFF000  }
0xbb: {  	[spmem:s2] =	stream.indirect.scatter.add.f32 [tilespmem:s16], [sflag:$0x9], $0x40, s25, s14, $0xb8;
	[tilespmem:$0x1C000] =	vst v63  }
0xbc: {  	_ =	swait.ge [sflag:s12], $0x1000  }
0xbd: {  	[sflag:s12] =	ssyncset.done $0x0  }
0xbe: {  	[sflag:s12] =	ssyncadd.s32 $0xFFFFF000  }
0xbf: {  	_ =	swait.ge [sflag:s0], $0x1000  }
0xc0: {  	[sflag:s0] =	ssyncset.done $0x0  }
0xc1: {  	s23 =	simm.s32 $0x9E80;
	[sflag:s0] =	ssyncadd.s32 $0xFFFFF000  }
0xc2: {  	[spmem:s2] =	stream.indirect.scatter.add.f32 [tilespmem:s18], [sflag:$0x9], $0x40, s23, s14, $0xb8;
	[tilespmem:$0x1C000] =	vst v63  }
0xc3: {  	_ =	swait.ge [sflag:s12], $0x1000  }
0xc4: {  	[sflag:s12] =	ssyncset.done $0x0  }
0xc5: {  	[sflag:s12] =	ssyncadd.s32 $0xFFFFF000  }
0xc6: {  	_ =	swait.ge [sflag:s1], $0x1000  }
0xc7: {  	[sflag:s1] =	ssyncset.done $0x0  }
0xc8: {  	s25 =	simm.s32 $0x9EC0;
	[sflag:s1] =	ssyncadd.s32 $0xFFFFF000  }
0xc9: {  	[spmem:s2] =	stream.indirect.scatter.add.f32 [tilespmem:s20], [sflag:$0x9], $0x40, s25, s14, $0xb8;
	[tilespmem:$0x1C000] =	vst v63  }
0xca: {  	_ =	swait.ge [sflag:s12], $0x1000  }
0xcb: {  	[sflag:s12] =	ssyncset.done $0x0  }
0xcc: {  	[sflag:s12] =	ssyncadd.s32 $0xFFFFF000  }
0xcd: {  	_ =	swait.ge [sflag:s13], $0x1000  }
0xce: {  	[sflag:s13] =	ssyncset.done $0x0  }
0xcf: {  	s23 =	simm.s32 $0x9F00;
	[sflag:s13] =	ssyncadd.s32 $0xFFFFF000  }
0xd0: {  	[spmem:s2] =	stream.indirect.scatter.add.f32 [tilespmem:s22], [sflag:$0x9], $0x40, s23, s14, $0xb8;
	[tilespmem:$0x1C000] =	vst v63  }
0xd1: {  	_ =	swait.ge [sflag:s12], $0x1000  }
0xd2: {  	[sflag:s12] =	ssyncset.done $0x0  }
0xd3: {  	[sflag:s12] =	ssyncadd.s32 $0xFFFFF000  }
0xd4: {  	_ =	swait.ge [sflag:s17], $0x1000  }
0xd5: {  	[sflag:s17] =	ssyncset.done $0x0  }
0xd6: {  	s25 =	simm.s32 $0x9F40;
	[sflag:s17] =	ssyncadd.s32 $0xFFFFF000  }
0xd7: {  	[spmem:s2] =	stream.indirect.scatter.add.f32 [tilespmem:s24], [sflag:$0x9], $0x40, s25, s14, $0xb8;
	[tilespmem:$0x1C000] =	vst v63  }
0xd8: {  	_ =	swait.ge [sflag:s12], $0x1000  }
0xd9: {  	[sflag:s12] =	ssyncset.done $0x0  }
0xda: {  	[sflag:s12] =	ssyncadd.s32 $0xFFFFF000  }
0xdb: {  	_ =	swait.ge [sflag:s19], $0x1000  }
0xdc: {  	[sflag:s19] =	ssyncset.done $0x0  }
0xdd: {  	s23 =	simm.s32 $0x9F80;
	[sflag:s19] =	ssyncadd.s32 $0xFFFFF000  }
0xde: {  	[spmem:s2] =	stream.indirect.scatter.add.f32 [tilespmem:s26], [sflag:$0x9], $0x40, s23, s14, $0xb8;
	[tilespmem:$0x1C000] =	vst v63  }
0xdf: {  	_ =	swait.ge [sflag:s12], $0x1000  }
0xe0: {  	[sflag:s12] =	ssyncset.done $0x0  }
0xe1: {  	[sflag:s12] =	ssyncadd.s32 $0xFFFFF000  }
0xe2: {  	_ =	swait.ge [sflag:s21], $0x1000  }
0xe3: {  	[sflag:s21] =	ssyncset.done $0x0  }
0xe4: {  	s25 =	simm.s32 $0x9FC0;
	[sflag:s21] =	ssyncadd.s32 $0xFFFFF000  }
0xe5: {  	[spmem:s2] =	stream.indirect.scatter.add.f32 [tilespmem:s29], [sflag:$0x9], $0x40, s25, s14, $0xb8;
	[tilespmem:$0x1C000] =	vst v63  }
0xe6: {  	_ =	swait.ge [sflag:s12], $0x1000  }
0xe7: {  	s28 =	sadd.s32 $0x1, s28;
	[sflag:s12] =	ssyncset.done $0x0  }
0xe8: {  	p0 =	sne.s32 s28, s10;
	[sflag:s12] =	ssyncadd.s32 $0xFFFFF000  }
.Ltmp1:
0xe9: {  	[bflag:$0x0] =	sbarrier.arrive $0xFFFF;
	(pc) =	sbr.rel @p0 .LBB2_1-.Ltmp1, $4  }
0xea: {  	[hbm:s9], [sflag:s5] =	dma.local [spmem:s11], $0x1400  }
0xeb: {  	_ =	swait.ge [sflag:s12], $0x1400  }
0xec: {  	[sflag:s12] =	ssyncset.done $0x0  }
0xed: {  	[sflag:s12] =	ssyncadd.s32 $0xFFFFEC00  }
0xee: {  	_ =	sfence.sel $0x180000  }
0xef: {  	[bflag:$0x0] =	sbarrier.arrive $0xFFFF  }
0xf0: {  	_ =	strace $0x9000004D  }
0xf1: {  	s0 =	stileid.u32;
	[bflag:$0x2] =	sbarrier.arrive $0xFFFF  }
0xf2: {  	p0 =	sne.s32 s0, $0x0;
	s0 =	rddreg [dreg:$0x3]  }
0xf3: {  	s0 =	sadd.s32 @!p0 $0x100000, s0  }
0xf4: {  	[sflag:s0] =	ssyncadd.tile.s32 @!p0 $0x1;
	_ =	shalt  }
.Lfunc_end2:
_tile_overlayer_lowered:
.L_overlay_start_2:
0xf5: {  	(tag) =	ssettag $0x2  }
0xf6: {  	s0 =	rddreg [dreg:$0x0];
	s2 =	stileid.u32  }
0xf7: {  	s1 =	rddreg [dreg:$0x1];
	p0 =	sne.s32 s2, $0x0  }
0xf8: {  	s3 =	rddreg [dreg:$0x2];
	[bflag:$0x3] =	sbarrier.arrive $0xFFFF;
	s2 =	simm.s32 @!p0 $0x1C09  }
0xf9: {  	[timem:s3], [sflag:s2] =	dma.local @!p0 [hbm:s0], s1  }
0xfa: {  	s0 =	simm.s32 @!p0 $0x9  }
0xfb: {  	_ =	swait.ge @!p0 [sflag:s0], s1  }
0xfc: {  	s1 =	ssub.s32 @!p0 $0x0, s1;
	[sflag:s0] =	ssyncset.done @!p0 $0x0  }
0xfd: {  	[sflag:s0] =	ssyncadd.s32 @!p0 s1  }
0xfe: {  	[bflag:$0x3] =	sbarrier.arrive $0xFFFF  }
0xff: {  	_ =	shalt  }

// kernel: kernel.9.cloned.1.call-start
scs
__scs_entry_jumppad:
0x0: {  	(pc) =	sbr.rel $0x88, $3  }
0x1: {  	(tag) =	ssettag $0x0;
	lr =	simm.s32 $0x1  }
0x2: {  	[smem:$0x3F9B] =	sst lr;
	_ =	strace $0xD0000000  }
0x3: {  	_ = 	snop  }
0x4: {  	_ = 	snop  }
0x5: {  	_ = 	snop  }
0x6: {  	_ = 	snop  }
0x7: {  	_ = 	snop  }
__scs_overlays_trampoline_lowered:
0x8: {  	[smem:$0x3FAA] =	sst s0  }
0x9: {  	[smem:$0x3FAB] =	sst s1  }
0xa: {  	[smem:$0x3FAC] =	sst s2  }
0xb: {  	[smem:$0x3FAD] =	sst s3  }
0xc: {  	[smem:$0x3FAE] =	sst s4  }
0xd: {  	[smem:$0x3FAF] =	sst s5  }
0xe: {  	[smem:$0x3FB0] =	sst s6  }
0xf: {  	[smem:$0x3FB1] =	sst s7  }
0x10: {  	[smem:$0x3FB2] =	sst s8  }
0x11: {  	[smem:$0x3FB3] =	sst s9;
	s0 =	simm.s32 @!p0 $0x0  }
0x12: {  	s1 =	sld [smem:$0x3F99];
	s0 =	simm.s32 @p0 $0x1  }
0x13: {  	[smem:$0x3FB4] =	sst s0;
	s0 =	simm.s32 @!p1 $0x0  }
0x14: {  	s2 =	sld [smem:$0x3F98];
	s0 =	simm.s32 @p1 $0x1  }
0x15: {  	[smem:$0x3FB5] =	sst s0;
	s0 =	simm.s32 @!p2 $0x0  }
0x16: {  	s3 =	sld [smem:$0x3FDB];
	s0 =	simm.s32 @p2 $0x1  }
0x17: {  	s4 =	simm.s32 $0x1BF5;
	[smem:$0x3FB7] =	sst s0  }
0x18: {  	s0 =	sld [smem:$0x3F9A];
	_ =	swait.ge [sflag:s4], $0x0  }
0x19: {  	s7 =	sld [smem:$0x3F9B]  }
0x1a: {  	s8 =	sadd.s32 $0xFFFFE003, lr  }
0x1b: {  	s9 =	sadd.s32 $0xFFFFFEF7, lr;
	s5 =	simm.s32 $0xFFFFFFFF;
	p2 =	slt.u32 s8, $0xFFFFF086  }
0x1c: {  	p1 =	slt.u32 s9, $0xF7A;
	s5 =	simm.s32 @!p2 $0x0  }
0x1d: {  	s5 =	simm.s32 @p1 $0x1;
	p0 =	seq.s32 s7, s2  }
0x1e: {  	s7 =	smul.u32 @!p0 $0xF7A, s2;
	p2 =	seq.s32 @!p0 s5, $0x0  }
0x1f: {  	s9 =	smul.u32 $0xF7A, s1;
	s8 =	simm.s32 @!p0 $0x1BF5;
	p2 =	por !p2, p0  }
0x20: {  	[sflag:s8] =	ssyncset.s32 @!p0 $0xFFFFF086;
	s6 =	sadd.s32 @!p0 s3, s7;
	s7 =	simm.s32 @!p0 $0x108  }
0x21: {  	s3 =	sadd.s32 s3, s9;
	s6 =	sadd.s32 @!p0 $0x88, s6;
	s7 =	simm.s32 @p2 $0x1082  }
0x22: {  	[simem:s7], [sflag:s8] =	dma.local @!p0 [hbm:s6], $0xF7A  }
0x23: {  	s9 =	sor.u32 $0xD0000000, s2;
	s6 =	simm.s32 $0x108;
	_ =	swait.ge @!p0 [sflag:s8], $0x0  }
0x24: {  	s3 =	sadd.s32 $0x88, s3;
	s6 =	simm.s32 @!p1 $0x1082;
	[sflag:s4] =	ssyncset.s32 $0xFFFFF086  }
0x25: {  	[simem:s6], [sflag:s4] =	dma.local [hbm:s3], $0xF7A  }
0x26: {  	[smem:$0x3F9B] =	sst s1;
	(tag) =	ssettag s2;
	_ =	strace s9  }
0x27: {  	s1 =	sld [smem:$0x3FAB]  }
0x28: {  	s2 =	sld [smem:$0x3FAC]  }
0x29: {  	s4 =	sld [smem:$0x3FAE]  }
0x2a: {  	p0 =	seq.s32 s5, $0x0;
	s5 =	sld [smem:$0x3FAF]  }
0x2b: {  	s6 =	sld [smem:$0x3FB0]  }
0x2c: {  	s7 =	sld [smem:$0x3FB1]  }
0x2d: {  	s3 =	simm.s32 $0x108;
	s8 =	sld [smem:$0x3FB2]  }
0x2e: {  	s3 =	simm.s32 @!p0 $0x1082;
	s9 =	sld [smem:$0x3FB3]  }
0x2f: {  	lr =	sadd.s32 s0, s3;
	s0 =	sld [smem:$0x3FAA]  }
0x30: {  	s3 =	sld [smem:$0x3FAD]  }
0x31: {  	[smem:$0x3FB6] =	sst s10  }
0x32: {  	s10 =	sld [smem:$0x3FB4];
	_ =	sdelay $0x3  }
0x33: {  	p0 =	seq.s32 s10, $0x1;
	s10 =	sld [smem:$0x3FB6];
	_ =	sdelay $0x3  }
0x34: {  	[smem:$0x3FB6] =	sst s10  }
0x35: {  	s10 =	sld [smem:$0x3FB5];
	_ =	sdelay $0x3  }
0x36: {  	p1 =	seq.s32 s10, $0x1;
	s10 =	sld [smem:$0x3FB6];
	_ =	sdelay $0x3  }
0x37: {  	[smem:$0x3FB6] =	sst s10  }
0x38: {  	s10 =	sld [smem:$0x3FB7]  }
0x39: {  	_ = 	snop;
	(pc) =	sbr.ind lr, $3  }
0x3a: {  	_ = 	snop  }
0x3b: {  	_ = 	snop  }
0x3c: {  	p2 =	seq.s32 s10, $0x1;
	s10 =	sld [smem:$0x3FB6]  }
0x3d: {  	_ =	shalt  }
0x3e: {  	_ =	shalt  }
0x3f: {  	_ =	shalt  }
0x40: {  	_ =	shalt  }
0x41: {  	_ =	shalt  }
0x42: {  	_ =	shalt  }
0x43: {  	_ =	shalt  }
0x44: {  	_ =	shalt  }
0x45: {  	_ =	shalt  }
0x46: {  	_ =	shalt  }
0x47: {  	_ =	shalt  }
0x48: {  	_ =	shalt  }
0x49: {  	_ =	shalt  }
0x4a: {  	_ =	shalt  }
0x4b: {  	_ =	shalt  }
0x4c: {  	_ =	shalt  }
0x4d: {  	_ =	shalt  }
0x4e: {  	_ =	shalt  }
0x4f: {  	_ =	shalt  }
0x50: {  	_ =	shalt  }
0x51: {  	_ =	shalt  }
0x52: {  	_ =	shalt  }
0x53: {  	_ =	shalt  }
0x54: {  	_ =	shalt  }
0x55: {  	_ =	shalt  }
0x56: {  	_ =	shalt  }
0x57: {  	_ =	shalt  }
0x58: {  	_ =	shalt  }
0x59: {  	_ =	shalt  }
0x5a: {  	_ =	shalt  }
0x5b: {  	_ =	shalt  }
0x5c: {  	_ =	shalt  }
0x5d: {  	_ =	shalt  }
0x5e: {  	_ =	shalt  }
0x5f: {  	_ =	shalt  }
0x60: {  	_ =	shalt  }
0x61: {  	_ =	shalt  }
0x62: {  	_ =	shalt  }
0x63: {  	_ =	shalt  }
0x64: {  	_ =	shalt  }
0x65: {  	_ =	shalt  }
0x66: {  	_ =	shalt  }
0x67: {  	_ =	shalt  }
0x68: {  	_ =	shalt  }
0x69: {  	_ =	shalt  }
0x6a: {  	_ =	shalt  }
0x6b: {  	_ =	shalt  }
0x6c: {  	_ =	shalt  }
0x6d: {  	_ =	shalt  }
0x6e: {  	_ =	shalt  }
0x6f: {  	_ =	shalt  }
0x70: {  	_ =	shalt  }
0x71: {  	_ =	shalt  }
0x72: {  	_ =	shalt  }
0x73: {  	_ =	shalt  }
0x74: {  	_ =	shalt  }
0x75: {  	_ =	shalt  }
0x76: {  	_ =	shalt  }
0x77: {  	_ =	shalt  }
0x78: {  	_ =	shalt  }
0x79: {  	_ =	shalt  }
0x7a: {  	_ =	shalt  }
0x7b: {  	_ =	shalt  }
0x7c: {  	_ =	shalt  }
0x7d: {  	_ =	shalt  }
0x7e: {  	_ =	shalt  }
0x7f: {  	_ =	shalt  }
0x80: {  	_ =	shalt  }
0x81: {  	_ =	shalt  }
0x82: {  	_ =	shalt  }
0x83: {  	_ =	shalt  }
0x84: {  	_ =	shalt  }
0x85: {  	_ =	shalt  }
0x86: {  	_ =	shalt  }
0x87: {  	_ =	shalt  }
.Lfunc_end0:
.L_simem_size_0:
called_computation_lowered:
.L_overlay_start_0:
0x88: {  	s2 =	sld [smem:$0x3FD9]  }
0x89: {  	s3 =	sld [smem:$0x3FFE];
	_ =	sdelay $0x1  }
0x8a: {  	s1 =	srdreg.scid  }
0x8b: {  	s0 =	sand.u32 $0x1, s1  }
0x8c: {  	s17 =	sshll.u32 s0, $0xA;
	s2 =	sadd.s32 s3, s2  }
0x8d: {  	s2 =	sadd.s32 s2, s17  }
0x8e: {  	[smem:$0x3FC2] =	sst s2  }
0x8f: {  	_ = 	snop  }
0x90: {  	s2 =	sld [smem:$0x3FD0];
	(tm) =	ssettm $0x1  }
0x91: {  	s18 =	sld [smem:$0x3FFB];
	_ =	sdelay $0x3  }
0x92: {  	_ =	strace s18  }
0x93: {  	s3 =	sld [smem:$0x3FFC];
	_ =	sdelay $0x3  }
0x94: {  	_ =	strace s3  }
0x95: {  	s3 =	sld [smem:$0x3FFD];
	_ =	sdelay $0x3  }
0x96: {  	_ =	strace s3  }
0x97: {  	_ =	strace $0x8FFFFFFF  }
0x98: {  	s19 =	sld [smem:$0x3FDB];
	_ =	sdelay $0x1  }
0x99: {  	s4 =	simm.s32 $_scs_section_size  }
0x9a: {  	s5 =	simm.s32 $_size__tile_overlayer_lowered;
	s6 =	simm.s32 $_tile_overlayer_lowered  }
0x9b: {  	s22 =	simm.s32 $0x1BFF;
	s21 =	sshll.u32 s6, $0x1;
	s3 =	sadd.s32 s4, s19  }
0x9c: {  	s7 =	simm.s32 $0x0;
	s20 =	sshll.u32 s5, $0x1;
	s5 =	sadd.s32 s21, s3  }
0x9d: {  	[timem:s7], [sflag:s22] =	dma.local [hbm:s5], s20  }
0x9e: {  	_ =	swait.ge [sflag:s22], s20  }
0x9f: {  	s4 =	ssub.s32 $0x0, s20;
	[sflag:s22] =	ssyncset.done $0x0  }
0xa0: {  	[sflag:s22] =	ssyncadd.s32 s4;
	_ =	sdelay $0x1  }
0xa1: {  	s23 =	simm.s32 $0x1B8B  }
0xa2: {  	_ =	swait.ge [sflag:s23], $0x1  }
0xa3: {  	[sflag:s23] =	ssyncset.done $0x0  }
0xa4: {  	s25 =	simm.s32 $0x1B8E;
	s24 =	sld [smem:$0x3FFE];
	[sflag:s23] =	ssyncadd.s32 $0xFFFFFFFF  }
0xa5: {  	s26 =	simm.s32 $execute0_lowered;
	[smem:$0x3FD2] =	sst s25  }
0xa6: {  	s5 =	sshll.u32 s26, $0x1;
	_ =	strace $0x80000046;
	[dreg:$0x1] =	wrdreg $0xFFFFFFFF  }
0xa7: {  	s28 =	simm.s32 $_size_execute0_lowered;
	s3 =	sadd.s32 s3, s5;
	[dreg:$0x0] =	wrdreg $0x0  }
0xa8: {  	s5 =	sshll.u32 s28, $0x1;
	[dreg:$0x2] =	wrdreg s3  }
0xa9: {  	[dreg:$0x3] =	wrdreg s5  }
0xaa: {  	[dreg:$0x4] =	wrdreg $0xC0  }
0xab: {  	_ =	task [dreg:s7], $0x5FFFF  }
0xac: {  	[dreg:$0x1] =	wrdreg $0xFFFFFFFF  }
0xad: {  	[dreg:$0x0] =	wrdreg $0x60  }
0xae: {  	[dreg:$0x2] =	wrdreg s2  }
0xaf: {  	[dreg:$0x3] =	wrdreg s24  }
0xb0: {  	[dreg:$0x4] =	wrdreg $0x48000  }
0xb1: {  	[dreg:$0x5] =	wrdreg $0x9  }
0xb2: {  	_ =	task.clear_ibuf [dreg:s7], $0x6FFFF;
	_ =	strace $0x90000046  }
0xb3: {  	s29 =	simm.s32 $0x9;
	_ =	strace $0x80000048  }
0xb4: {  	_ =	swait.ge [sflag:s29], $0x1  }
0xb5: {  	[sflag:s29] =	ssyncadd.s32 $0xFFFFFFFF  }
0xb6: {  	_ =	strace $0x90000048  }
0xb7: {  	_ =	sfence  }
0xb8: {  	s30 =	sld [smem:$0x0];
	_ =	sdelay $0x2  }
0xb9: {  	s31 =	sshll.u32 s1, $0xD;
	s1 =	sshrl.u32 s1, $0x2  }
0xba: {  	s3 =	sand.u32 $0x4000, s31;
	s1 =	sadd.s32 s1, s30  }
0xbb: {  	s0 =	sor.u32 s3, s0;
	s1 =	sshll.u32 s1, $0x11  }
0xbc: {  	s0 =	sor.u32 s1, s0  }
0xbd: {  	s0 =	sadd.s32 $0x8F2B, s0  }
0xbe: {  	[sflag:s0] =	ssyncadd.remote.s32 $0x1  }
0xbf: {  	_ =	sfence.sel $0xFFFF  }
0xc0: {  	[dreg:$0x0] =	wrdreg $0xFFFFFFFF;
	(pc) =	sbr.abs _section_cstart, $3  }
0xc1: {  	[dreg:$0x1] =	wrdreg $0xFFFFFFFF  }
0xc2: {  	_ =	task.clear_ibuf [dreg:s7], $0x2FFFF;
	_ =	strace $0x9FFFFFFF  }
0xc3: {  	(tm) =	ssettm $0x7FFFFFFF  }
tec
execute0_lowered:
.L_overlay_start_1:
0x0: {  	(tag) =	ssettag $0x1  }
0x1: {  	s7 =	rddreg [dreg:$0x0]  }
0x2: {  	s6 =	rddreg [dreg:$0x1]  }
0x3: {  	s2 =	rddreg [dreg:$0x2]  }
0x4: {  	s0 =	rddreg [dreg:$0x3]  }
0x5: {  	s4 =	srdreg.scid;
	s1 =	stileid.u32;
	s3 =	simm.s32 $0x0  }
0x6: {  	s14 =	simm.s32 $0x0;
	s8 =	sand.u32 $0x1, s4;
	s9 =	smul.u32 $0xA000, s1  }
0x7: {  	[smem:$0x7FF] =	sst s3;
	s4 =	sadd.s32 $0x1400, s6;
	s5 =	sadd.s32 $0x1800, s6  }
0x8: {  	s31 =	sshll.u32 s1, $0x6;
	s10 =	smul.u32 $0xA0000, s8;
	s11 =	sshll.u32 s8, $0x4  }
0x9: {  	_ =	strace $0x80000047;
	s8 =	ssub.s32 $0x2, s8;
	s11 =	sor.u32 s1, s11  }
0xa: {  	s30 =	sshrl.u32 s8, $0x1;
	s13 =	sadd.s32 s9, s2;
	s10 =	sadd.s32 s9, s10  }
0xb: {  	s11 =	smul.u32 $0x500, s11;
	s12 =	ssub.s32 s8, s30;
	s10 =	sshrl.u32 s10, $0x3  }
0xc: {  	s9 =	smax.u32 s12, $0x1;
	s12 =	simm.s32 $0x2800;
	s10 =	sadd.s32 s10, s6  }
0xd: {  	s6 =	sor.u32 $0x1C01, s31;
	s7 =	sadd.s32 s7, s11;
	s11 =	simm.s32 $0x1  }
0xe: {  	s8 =	sadd.s32 $0x2C00, s10;
	s10 =	sshrl.u32 s13, $0x3;
	s13 =	simm.s32 $0x80  }
.LBB2_1:
0xf: {  	[spmem:s10], [sflag:s6] =	dma.local [hbm:s5], $0x1400  }
0x10: {  	_ =	swait.ge [sflag:s11], $0x1400  }
0x11: {  	[sflag:s11] =	ssyncset.done $0x0  }
0x12: {  	[sflag:s11] =	ssyncadd.s32 $0xFFFFEC00  }
0x13: {  	[tilespmem:s12], [sflag:$0x1] =	stream.linear.gather [hbm4b:s4+s3], $0x2000, $0x38;
	[tilespmem:$0xE800] =	vst v63  }
0x14: {  	_ =	swait.ge [sflag:s11], $0x2000  }
0x15: {  	[sflag:s11] =	ssyncset.done $0x0  }
0x16: {  	[sflag:s11] =	ssyncadd.s32 $0xFFFFE000  }
0x17: {  	[tilespmem:s3], [sflag:$0x1] =	stream.linear.gather [hbm4b:s7+s3], $0x2800, $0x38;
	[tilespmem:$0xE800] =	vst v63  }
0x18: {  	_ =	swait.ge [sflag:s11], $0x2800  }
0x19: {  	[sflag:s11] =	ssyncset.done $0x0  }
0x1a: {  	[sflag:s11] =	ssyncadd.s32 $0xFFFFD800  }
0x1b: {  	s15 =	simm.s32 $0x0;
	[bflag:$0x0] =	sbarrier.arrive $0xFFFF  }
0x1c: {  	[spmem:s2] =	stream.indirect.scatter.add.f32 [tilespmem:s12], [sflag:$0x1], $0x40, s15, s13, $0xb8;
	[tilespmem:$0xE800] =	vst v63  }
0x1d: {  	_ =	swait.ge [sflag:s11], $0x2000  }
0x1e: {  	s15 =	simm.s32 $0x200;
	[sflag:s11] =	ssyncset.done $0x0  }
.LBB2_2:
0x1f: {  	s16 =	sshra.s32 s15, $0x2;
	[sflag:s11] =	ssyncadd.s32 $0xFFFFE000;
	p0 =	sne.s32 s15, $0x9E00  }
0x20: {  	[spmem:s2] =	stream.indirect.scatter.add.f32 [tilespmem:s12], [sflag:$0x1], $0x40, s16, s13, $0xb8;
	[tilespmem:$0xE800] =	vst v63  }
.Ltmp0:
0x21: {  	_ = 	snop;
	(pc) =	sbr.rel @p0 .LBB2_2-.Ltmp0, $4  }
0x22: {  	_ = 	snop  }
0x23: {  	s15 =	sadd.s32 $0x200, s15  }
0x24: {  	_ =	swait.ge [sflag:s11], $0x2000  }
0x25: {  	[sflag:s11] =	ssyncset.done $0x0  }
0x26: {  	s14 =	sadd.s32 $0x1, s14  }
0x27: {  	[sflag:s11] =	ssyncadd.s32 $0xFFFFE000;
	p0 =	sne.s32 s14, s9  }
.Ltmp1:
0x28: {  	[bflag:$0x0] =	sbarrier.arrive $0xFFFF;
	(pc) =	sbr.rel @p0 .LBB2_1-.Ltmp1, $4  }
0x29: {  	[hbm:s8], [sflag:s6] =	dma.local [spmem:s10], $0x1400  }
0x2a: {  	_ =	swait.ge [sflag:s11], $0x1400  }
0x2b: {  	[sflag:s11] =	ssyncset.done $0x0  }
0x2c: {  	[sflag:s11] =	ssyncadd.s32 $0xFFFFEC00  }
0x2d: {  	_ =	sfence.sel $0x180000  }
0x2e: {  	[bflag:$0x0] =	sbarrier.arrive $0xFFFF  }
0x2f: {  	p0 =	sne.s32 s1, $0x0;
	_ =	strace $0x90000047  }
0x30: {  	s0 =	sadd.s32 @!p0 $0x100000, s0;
	[bflag:$0x2] =	sbarrier.arrive $0xFFFF  }
0x31: {  	[sflag:s0] =	ssyncadd.tile.s32 @!p0 $0x1;
	_ =	shalt  }
.Lfunc_end2:
_tile_overlayer_lowered:
.L_overlay_start_2:
0x32: {  	(tag) =	ssettag $0x2  }
0x33: {  	s0 =	rddreg [dreg:$0x0];
	s2 =	stileid.u32  }
0x34: {  	s1 =	rddreg [dreg:$0x1];
	p0 =	sne.s32 s2, $0x0  }
0x35: {  	s3 =	rddreg [dreg:$0x2];
	[bflag:$0x3] =	sbarrier.arrive $0xFFFF;
	s2 =	simm.s32 @!p0 $0x1C01  }
0x36: {  	[timem:s3], [sflag:s2] =	dma.local @!p0 [hbm:s0], s1  }
0x37: {  	s0 =	simm.s32 @!p0 $0x1  }
0x38: {  	_ =	swait.ge @!p0 [sflag:s0], s1  }
0x39: {  	s1 =	ssub.s32 @!p0 $0x0, s1;
	[sflag:s0] =	ssyncset.done @!p0 $0x0  }
0x3a: {  	[sflag:s0] =	ssyncadd.s32 @!p0 s1  }
0x3b: {  	[bflag:$0x3] =	sbarrier.arrive $0xFFFF  }
0x3c: {  	_ =	shalt  }

</sc_bundles>
